<compile_context>
chip_gen: v7x
topology: tpu7x:2x2x1
jax: 0.10.2.dev20260603
libtpu: 0.0.44.dev20260713+nightly
codegen_flags: <defaults>
</compile_context>

<pallas_src>
import functools

import jax
import jax.numpy as jnp
from jax import lax
from jax.experimental import pallas as pl
from jax.experimental.pallas import tpu as pltpu
from jax.experimental.pallas import tpu_sc as plsc

N = 10000
E = 320000
D = 128
NC = 2
NS = 16
K = 128
CHUNKS = 160
EPT = CHUNKS * K
EPAD = NS * EPT
NPAD = 10240
HALF = NPAD // NC
ACC_R = 5248
DUMP = 5184
DEGW = 16
DRPT = NPAD // NS
ARPT = ACC_R // NS
ORPT = HALF // NS
RB = 1000


def _mesh():
    return plsc.VectorSubcoreMesh(core_axis_name="c", subcore_axis_name="s")



def _sc_degree(dst3):

    HC = CHUNKS // 2

    @functools.partial(
        pl.kernel,
        out_type=jax.ShapeDtypeStruct((NC, NPAD, DEGW), jnp.float32),
        mesh=_mesh(),
        scratch_types=[
            pltpu.VMEM((HC, K), jnp.int32),
            pltpu.VMEM((K, DEGW), jnp.float32),
            pltpu.VMEM((K, DEGW), jnp.float32),
            pltpu.VMEM_SHARED((NPAD, DEGW), jnp.float32),
        ],
    )
    def deg_kernel(dst_hbm, out_hbm, dst_v, ones_v, zero_v, acc):
        c = lax.axis_index("c")
        s = lax.axis_index("s")
        ones16 = jnp.ones((16,), jnp.float32)
        zeros16 = jnp.zeros((16,), jnp.float32)

        def fill(i, carry):
            ones_v[i, pl.ds(0, 16)] = ones16
            zero_v[i, pl.ds(0, 16)] = zeros16
            return carry

        lax.fori_loop(0, K, fill, 0)
        for m in range(DRPT // K):
            pltpu.sync_copy(zero_v, acc.at[pl.ds(s * DRPT + m * K, K)])
        pltpu.sync_copy(dst_hbm.at[s].at[pl.ds(c * HC, HC)], dst_v)
        plsc.subcore_barrier()

        def chunk(j, carry):
            pltpu.sync_copy(ones_v, acc.at[dst_v.at[j]], add=True)
            return carry

        lax.fori_loop(0, HC, chunk, 0)
        plsc.subcore_barrier()
        pltpu.sync_copy(acc.at[pl.ds(s * DRPT, DRPT)],
                        out_hbm.at[c].at[pl.ds(s * DRPT, DRPT)])

    return deg_kernel(dst3)


def _sc_scatter(src3, dst3, tp):

    @functools.partial(
        pl.kernel,
        out_type=jax.ShapeDtypeStruct((NC, HALF, D), jnp.float32),
        mesh=_mesh(),
        scratch_types=[
            pltpu.VMEM((CHUNKS, K), jnp.int32),
            pltpu.VMEM((CHUNKS, K), jnp.int32),
            pltpu.VMEM((K, D), jnp.float32),
            pltpu.VMEM((K, D), jnp.float32),
            pltpu.SemaphoreType.DMA,
            pltpu.VMEM_SHARED((ACC_R, D), jnp.float32),
        ],
    )
    def scat_kernel(src_hbm, dst_hbm, tp_hbm, out_hbm,
                    src_v, dst_v, bufa, bufb, ssem, acc):
        c = lax.axis_index("c")
        s = lax.axis_index("s")
        zeros16 = jnp.zeros((16,), jnp.float32)

        def fill(i, carry):
            for kk in range(D // 16):
                bufa[i, pl.ds(kk * 16, 16)] = zeros16
            return carry

        lax.fori_loop(0, K, fill, 0)
        base = s * ARPT
        for m in range(ARPT // K):
            pltpu.sync_copy(bufa, acc.at[pl.ds(base + m * K, K)])
        rem = ARPT % K
        if rem:
            pltpu.sync_copy(bufa.at[pl.ds(0, rem)],
                            acc.at[pl.ds(base + (ARPT // K) * K, rem)])
        pltpu.sync_copy(src_hbm.at[s], src_v)
        pltpu.sync_copy(dst_hbm.at[s], dst_v)

        lo_bound = c * HALF

        def remap(j, carry):
            for kk in range(K // 16):
                idx = dst_v[j, pl.ds(kk * 16, 16)]
                loc = idx - lo_bound
                inr = jnp.logical_and(loc >= 0, loc < HALF)
                dump = jnp.full((16,), DUMP, jnp.int32)
                dst_v[j, pl.ds(kk * 16, 16)] = jnp.where(inr, loc, dump)
            return carry

        lax.fori_loop(0, CHUNKS, remap, 0)
        plsc.subcore_barrier()

        def step(i, carry):
            j = 2 * i
            pltpu.async_copy(tp_hbm.at[src_v.at[j]], bufa, ssem).wait()
            pltpu.sync_copy(bufa, acc.at[dst_v.at[j]], add=True)
            pltpu.async_copy(tp_hbm.at[src_v.at[j + 1]], bufb, ssem).wait()
            pltpu.sync_copy(bufb, acc.at[dst_v.at[j + 1]], add=True)
            return carry

        lax.fori_loop(0, CHUNKS // 2, step, 0)
        plsc.subcore_barrier()
        pltpu.sync_copy(acc.at[pl.ds(s * ORPT, ORPT)],
                        out_hbm.at[c].at[pl.ds(s * ORPT, ORPT)])

    return scat_kernel(src3, dst3, tp)



def _tc_dinv(degp):

    def body(p_ref, o_ref):
        p = p_ref[...]
        o_ref[...] = lax.rsqrt(1.0 + p[0] + p[1])

    return pl.pallas_call(
        body, out_shape=jax.ShapeDtypeStruct((NPAD, DEGW), jnp.float32)
    )(degp)


_DN = (((1,), (1,)), ((), ()))


def _tc_init(x, w_in, b_in2, w0, dinv):

    def body(x_ref, wi_ref, bi_ref, w0_ref, dv_ref, h_ref, tp_ref):
        h = lax.dot_general(x_ref[...], wi_ref[...], _DN,
                            preferred_element_type=jnp.float32) + bi_ref[...]
        h_ref[...] = h
        t = lax.dot_general(h, w0_ref[...], _DN,
                            preferred_element_type=jnp.float32)
        tp_ref[...] = t * dv_ref[...]

    bs_row = pl.BlockSpec((RB, D), lambda i: (i, 0))
    bs_w = pl.BlockSpec((D, D), lambda i: (0, 0))
    bs_b = pl.BlockSpec((1, D), lambda i: (0, 0))
    bs_dv = pl.BlockSpec((RB, 1), lambda i: (i, 0))
    return pl.pallas_call(
        body,
        grid=(N // RB,),
        in_specs=[bs_row, bs_w, bs_b, bs_w, bs_dv],
        out_specs=[bs_row, bs_row],
        out_shape=[jax.ShapeDtypeStruct((N, D), jnp.float32)] * 2,
    )(x, w_in, b_in2, w0, dinv)


def _layer_math(h, s_rows, tp, dv, b, ls_, lb_):
    agg = dv * (s_rows + tp) + b
    hn = jnp.where(agg > 0, agg, jnp.exp(agg) - 1.0)
    r = hn + h
    mu = jnp.mean(r, axis=-1, keepdims=True)
    dd = r - mu
    var = jnp.mean(dd * dd, axis=-1, keepdims=True)
    return dd * lax.rsqrt(var + 1e-5) * ls_ + lb_


def _tc_layer(h, s_rows, tp, dinv, b2, ls2_, lb2_, w_next):

    def body(h_ref, s_ref, tp_ref, dv_ref, b_ref, ls_ref, lb_ref, wn_ref,
             ho_ref, tpn_ref):
        dv = dv_ref[...]
        y = _layer_math(h_ref[...], s_ref[...], tp_ref[...], dv,
                        b_ref[...], ls_ref[...], lb_ref[...])
        ho_ref[...] = y
        tpn_ref[...] = lax.dot_general(y, wn_ref[...], _DN,
                                       preferred_element_type=jnp.float32) * dv

    bs_row = pl.BlockSpec((RB, D), lambda i: (i, 0))
    bs_w = pl.BlockSpec((D, D), lambda i: (0, 0))
    bs_b = pl.BlockSpec((1, D), lambda i: (0, 0))
    bs_dv = pl.BlockSpec((RB, 1), lambda i: (i, 0))
    return pl.pallas_call(
        body,
        grid=(N // RB,),
        in_specs=[bs_row, bs_row, bs_row, bs_dv, bs_b, bs_b, bs_b, bs_w],
        out_specs=[bs_row, bs_row],
        out_shape=[jax.ShapeDtypeStruct((N, D), jnp.float32)] * 2,
    )(h, s_rows, tp, dinv, b2, ls2_, lb2_, w_next)


def _tc_final(h, s_rows, tp, dinv, b2, ls2_, lb2_):
    def body(h_ref, s_ref, tp_ref, dv_ref, b_ref, ls_ref, lb_ref, ho_ref):
        ho_ref[...] = _layer_math(h_ref[...], s_ref[...], tp_ref[...],
                                  dv_ref[...], b_ref[...], ls_ref[...],
                                  lb_ref[...])

    bs_row = pl.BlockSpec((RB, D), lambda i: (i, 0))
    bs_b = pl.BlockSpec((1, D), lambda i: (0, 0))
    bs_dv = pl.BlockSpec((RB, 1), lambda i: (i, 0))
    return pl.pallas_call(
        body,
        grid=(N // RB,),
        in_specs=[bs_row, bs_row, bs_row, bs_dv, bs_b, bs_b, bs_b],
        out_specs=bs_row,
        out_shape=jax.ShapeDtypeStruct((N, D), jnp.float32),
    )(h, s_rows, tp, dinv, b2, ls2_, lb2_)



def kernel(x, edge_index, W_in, b_in,
           W0, b0, ls0, lb0, W1, b1, ls1, lb1, W2, b2, ls2, lb2):
    src = edge_index[0]
    dst = edge_index[1]
    pad = EPAD - E
    srcp = jnp.concatenate([src, jnp.zeros((pad,), jnp.int32)])
    dstp = jnp.concatenate([dst, jnp.full((pad,), N, jnp.int32)])
    src3 = srcp.reshape(NS, CHUNKS, K)
    dst3 = dstp.reshape(NS, CHUNKS, K)

    degp = _sc_degree(dst3)
    dinv_full = _tc_dinv(degp)
    dinv = dinv_full[:N, 0:1]

    h, tp = _tc_init(x, W_in, b_in.reshape(1, D), W0, dinv)

    for (b, ls_, lb_, w_next) in ((b0, ls0, lb0, W1), (b1, ls1, lb1, W2)):
        s_rows = _sc_scatter(src3, dst3, tp).reshape(NPAD, D)
        h, tp = _tc_layer(h, s_rows, tp, dinv, b.reshape(1, D),
                          ls_.reshape(1, D), lb_.reshape(1, D), w_next)

    s_rows = _sc_scatter(src3, dst3, tp).reshape(NPAD, D)
    return _tc_final(h, s_rows, tp, dinv, b2.reshape(1, D),
                     ls2.reshape(1, D), lb2.reshape(1, D))

# --- scband reference (transcript-rebuilt; emitter-appended) ---
"""Pipeline reference for scband-renv2-50483045598050 (READ-ONLY COPY).

The authoritative reference and input builder live on the scoring server;
editing this copy changes nothing except your own understanding.
"""

import jax, jax.numpy as jnp
import numpy as np

N = 10000
E = 320000
D = 128


def setup_inputs(seed: int = 0) -> dict:
    key = jax.random.key(seed)
    ks = jax.random.split(key, 20)
    inp = {}
    inp["x"] = jax.random.normal(ks[0], (N, D), dtype=jnp.float32)
    inp["edge_index"] = jax.random.randint(ks[1], (2, E), 0, N, dtype=jnp.int32)
    s = 1.0 / np.sqrt(D)
    inp["W_in"] = jax.random.uniform(ks[2], (D, D), jnp.float32, -s, s)
    inp["b_in"] = jnp.zeros((D,), jnp.float32)
    for i in range(3):
        inp[f"W{i}"] = jax.random.uniform(ks[3 + i], (D, D), jnp.float32, -s, s)
        inp[f"b{i}"] = jnp.zeros((D,), jnp.float32)
        inp[f"ls{i}"] = jnp.ones((D,), jnp.float32)
        inp[f"lb{i}"] = jnp.zeros((D,), jnp.float32)
    return inp


def _layer_norm(h, scale, bias):
    mu = h.mean(axis=-1, keepdims=True)
    var = ((h - mu) ** 2).mean(axis=-1, keepdims=True)
    return (h - mu) / jnp.sqrt(var + 1e-5) * scale + bias


def reference(x, edge_index, W_in, b_in, W0, b0, ls0, lb0, W1, b1, ls1, lb1, W2, b2, ls2, lb2):
    # RENv2.encode_graph with conv_type='gcn' (PyG GCNConv: add self loops,
    # symmetric normalization, linear transform, scatter-add aggregation, bias).
    # Dropout is identity in eval mode.
    n = x.shape[0]
    loops = jnp.arange(n, dtype=edge_index.dtype)
    src = jnp.concatenate([edge_index[0], loops])
    dst = jnp.concatenate([edge_index[1], loops])
    deg = jnp.zeros((n,), x.dtype).at[dst].add(1.0)
    dinv = jnp.where(deg > 0, jax.lax.rsqrt(deg), 0.0)
    norm = dinv[src] * dinv[dst]

    h = x @ W_in.T + b_in
    for (W, b, ls, lb) in ((W0, b0, ls0, lb0), (W1, b1, ls1, lb1), (W2, b2, ls2, lb2)):
        t = h @ W.T
        msg = t[src] * norm[:, None]
        agg = jnp.zeros_like(t).at[dst].add(msg) + b
        h_new = jax.nn.elu(agg)
        h = _layer_norm(h_new + h, ls, lb)
    return h

if __name__ == "__main__":
    import jax
    _d = setup_inputs()
    print(jax.jit(kernel)(*tuple(_d.values())))

</pallas_src>

<mosaic_0001>
#map = affine_map<(d0, d1) -> (0, 0, 0)>
#map1 = affine_map<(d0, d1) -> (0, 0)>
module attributes {stable_mosaic.version = 14 : i64} {
  func.func @scat_kernel(%arg0: i32, %arg1: i32, %arg2: memref<16x160x128xi32, #tpu.memory_space<hbm>>, %arg3: memref<16x160x128xi32, #tpu.memory_space<hbm>>, %arg4: memref<10000x128xf32, #tpu.memory_space<hbm>>, %arg5: memref<2x5120x128xf32, #tpu.memory_space<hbm>>, %arg6: memref<160x128xi32, #tpu.memory_space<vmem>>, %arg7: memref<160x128xi32, #tpu.memory_space<vmem>>, %arg8: memref<128x128xf32, #tpu.memory_space<vmem>>, %arg9: memref<128x128xf32, #tpu.memory_space<vmem>>, %arg10: memref<!tpu.dma_semaphore, #tpu.memory_space<semaphore_mem>>, %arg11: memref<5248x128xf32, #tpu.memory_space<vmem_shared>>) attributes {dimension_semantics = [#tpu.dimension_semantics<core_parallel>, #tpu.dimension_semantics<subcore_parallel>], iteration_bounds = array<i64: 2, 16>, scalar_prefetch = 0 : i64, scratch_operands = 6 : i64, tpu.core_type = #tpu.core_type<sc_vector_subcore>, window_params = [{transform_indices = #map}, {transform_indices = #map}, {transform_indices = #map1}, {transform_indices = #map}]} {
    %broadcast_in_dim3A = arith.constant 0.000000e+00 : f32
    %broadcast_in_dim3A_0 = vector.broadcast %broadcast_in_dim3A : f32 to vector<16xf32>
    %scan3A = arith.constant 0 : i32
    %scan3A_1 = arith.constant 0 : i32
    %scan3A_2 = arith.constant 128 : i32
    %scan3A_3 = arith.addi %scan3A_1, %scan3A_2 : i32
    %scan3A_4 = arith.constant 1 : i32
    scf.for %scan3A_31 = %scan3A_1 to %scan3A_3 step %scan3A_4  : i32 {
      %swap3A = arith.index_cast %scan3A_31 : i32 to index
      %swap3A_32 = arith.constant 0 : index
      %swap3A_33 = tpu.vector_load %arg8[%swap3A, %swap3A_32] {strides = array<i32>} : memref<128x128xf32, #tpu.memory_space<vmem>>, vector<1x16xf32>,
      %swap3A_34 = vector.shape_cast %swap3A_33 : vector<1x16xf32> to vector<16xf32>
      %swap3A_35 = vector.shape_cast %broadcast_in_dim3A_0 : vector<16xf32> to vector<1x16xf32>
      tpu.vector_store %arg8[%swap3A, %swap3A_32], %swap3A_35 {strides = array<i32>} : memref<128x128xf32, #tpu.memory_space<vmem>>, vector<1x16xf32>,
      %swap3A_36 = arith.index_cast %scan3A_31 : i32 to index
      %swap3A_37 = arith.constant 16 : index
      %swap3A_38 = tpu.vector_load %arg8[%swap3A_36, %swap3A_37] {strides = array<i32>} : memref<128x128xf32, #tpu.memory_space<vmem>>, vector<1x16xf32>,
      %swap3A_39 = vector.shape_cast %swap3A_38 : vector<1x16xf32> to vector<16xf32>
      %swap3A_40 = vector.shape_cast %broadcast_in_dim3A_0 : vector<16xf32> to vector<1x16xf32>
      tpu.vector_store %arg8[%swap3A_36, %swap3A_37], %swap3A_40 {strides = array<i32>} : memref<128x128xf32, #tpu.memory_space<vmem>>, vector<1x16xf32>,
      %swap3A_41 = arith.index_cast %scan3A_31 : i32 to index
      %swap3A_42 = arith.constant 32 : index
      %swap3A_43 = tpu.vector_load %arg8[%swap3A_41, %swap3A_42] {strides = array<i32>} : memref<128x128xf32, #tpu.memory_space<vmem>>, vector<1x16xf32>,
      %swap3A_44 = vector.shape_cast %swap3A_43 : vector<1x16xf32> to vector<16xf32>
      %swap3A_45 = vector.shape_cast %broadcast_in_dim3A_0 : vector<16xf32> to vector<1x16xf32>
      tpu.vector_store %arg8[%swap3A_41, %swap3A_42], %swap3A_45 {strides = array<i32>} : memref<128x128xf32, #tpu.memory_space<vmem>>, vector<1x16xf32>,
      %swap3A_46 = arith.index_cast %scan3A_31 : i32 to index
      %swap3A_47 = arith.constant 48 : index
      %swap3A_48 = tpu.vector_load %arg8[%swap3A_46, %swap3A_47] {strides = array<i32>} : memref<128x128xf32, #tpu.memory_space<vmem>>, vector<1x16xf32>,
      %swap3A_49 = vector.shape_cast %swap3A_48 : vector<1x16xf32> to vector<16xf32>
      %swap3A_50 = vector.shape_cast %broadcast_in_dim3A_0 : vector<16xf32> to vector<1x16xf32>
      tpu.vector_store %arg8[%swap3A_46, %swap3A_47], %swap3A_50 {strides = array<i32>} : memref<128x128xf32, #tpu.memory_space<vmem>>, vector<1x16xf32>,
      %swap3A_51 = arith.index_cast %scan3A_31 : i32 to index
      %swap3A_52 = arith.constant 64 : index
      %swap3A_53 = tpu.vector_load %arg8[%swap3A_51, %swap3A_52] {strides = array<i32>} : memref<128x128xf32, #tpu.memory_space<vmem>>, vector<1x16xf32>,
      %swap3A_54 = vector.shape_cast %swap3A_53 : vector<1x16xf32> to vector<16xf32>
      %swap3A_55 = vector.shape_cast %broadcast_in_dim3A_0 : vector<16xf32> to vector<1x16xf32>
      tpu.vector_store %arg8[%swap3A_51, %swap3A_52], %swap3A_55 {strides = array<i32>} : memref<128x128xf32, #tpu.memory_space<vmem>>, vector<1x16xf32>,
      %swap3A_56 = arith.index_cast %scan3A_31 : i32 to index
      %swap3A_57 = arith.constant 80 : index
      %swap3A_58 = tpu.vector_load %arg8[%swap3A_56, %swap3A_57] {strides = array<i32>} : memref<128x128xf32, #tpu.memory_space<vmem>>, vector<1x16xf32>,
      %swap3A_59 = vector.shape_cast %swap3A_58 : vector<1x16xf32> to vector<16xf32>
      %swap3A_60 = vector.shape_cast %broadcast_in_dim3A_0 : vector<16xf32> to vector<1x16xf32>
      tpu.vector_store %arg8[%swap3A_56, %swap3A_57], %swap3A_60 {strides = array<i32>} : memref<128x128xf32, #tpu.memory_space<vmem>>, vector<1x16xf32>,
      %swap3A_61 = arith.index_cast %scan3A_31 : i32 to index
      %swap3A_62 = arith.constant 96 : index
      %swap3A_63 = tpu.vector_load %arg8[%swap3A_61, %swap3A_62] {strides = array<i32>} : memref<128x128xf32, #tpu.memory_space<vmem>>, vector<1x16xf32>,
      %swap3A_64 = vector.shape_cast %swap3A_63 : vector<1x16xf32> to vector<16xf32>
      %swap3A_65 = vector.shape_cast %broadcast_in_dim3A_0 : vector<16xf32> to vector<1x16xf32>
      tpu.vector_store %arg8[%swap3A_61, %swap3A_62], %swap3A_65 {strides = array<i32>} : memref<128x128xf32, #tpu.memory_space<vmem>>, vector<1x16xf32>,
      %swap3A_66 = arith.index_cast %scan3A_31 : i32 to index
      %swap3A_67 = arith.constant 112 : index
      %swap3A_68 = tpu.vector_load %arg8[%swap3A_66, %swap3A_67] {strides = array<i32>} : memref<128x128xf32, #tpu.memory_space<vmem>>, vector<1x16xf32>,
      %swap3A_69 = vector.shape_cast %swap3A_68 : vector<1x16xf32> to vector<16xf32>
      %swap3A_70 = vector.shape_cast %broadcast_in_dim3A_0 : vector<16xf32> to vector<1x16xf32>
      tpu.vector_store %arg8[%swap3A_66, %swap3A_67], %swap3A_70 {strides = array<i32>} : memref<128x128xf32, #tpu.memory_space<vmem>>, vector<1x16xf32>,
    }
    %scan3A_5 = arith.constant 128 : i32
    %mul3A = arith.constant 328 : i32
    %mul3A_6 = arith.muli %arg1, %mul3A : i32
    %add3A = arith.constant 0 : i32
    %add3A_7 = arith.addi %mul3A_6, %add3A : i32
    "tpu.region"() ({
      %run_scoped3A = tpu.sem_alloc : memref<!tpu.dma_semaphore, #tpu.memory_space<semaphore_mem>>
      %dma_start3A = arith.constant 0 : i32
      %dma_start3A_31 = tpu.memref_slice %arg11[%add3A_7, %dma_start3A] : memref<5248x128xf32, #tpu.memory_space<vmem_shared>> -> memref<128x128xf32, #tpu.memory_space<vmem_shared>>
      %dma_start3A_32 = arith.constant 0 : i32
      %dma_start3A_33 = tpu.memref_slice %arg11[%add3A_7, %dma_start3A_32] : memref<5248x128xf32, #tpu.memory_space<vmem_shared>> -> memref<128x128xf32, #tpu.memory_space<vmem_shared>>
      tpu.enqueue_dma source(%arg8 : memref<128x128xf32, #tpu.memory_space<vmem>>) target(%dma_start3A_33 : memref<128x128xf32, #tpu.memory_space<vmem_shared>>) target_semaphore(%run_scoped3A : memref<!tpu.dma_semaphore, #tpu.memory_space<semaphore_mem>>)
      %dma_wait3A = arith.constant 0 : i32
      %dma_wait3A_34 = tpu.memref_slice %arg11[%add3A_7, %dma_wait3A] : memref<5248x128xf32, #tpu.memory_space<vmem_shared>> -> memref<128x128xf32, #tpu.memory_space<vmem_shared>>
      %dma_wait3A_35 = arith.constant 0 : i32
      %dma_wait3A_36 = tpu.memref_slice %arg11[%add3A_7, %dma_wait3A_35] : memref<5248x128xf32, #tpu.memory_space<vmem_shared>> -> memref<128x128xf32, #tpu.memory_space<vmem_shared>>
      tpu.wait_dma2 semaphore(%run_scoped3A : memref<!tpu.dma_semaphore, #tpu.memory_space<semaphore_mem>>) src(%arg8 : memref<128x128xf32, #tpu.memory_space<vmem>>) dst(%dma_wait3A_36 : memref<128x128xf32, #tpu.memory_space<vmem_shared>>)
      tpu.yield
    }) : () -> ()
    %add3A_8 = arith.constant 128 : i32
    %add3A_9 = arith.addi %mul3A_6, %add3A_8 : i32
    "tpu.region"() ({
      %run_scoped3A = tpu.sem_alloc : memref<!tpu.dma_semaphore, #tpu.memory_space<semaphore_mem>>
      %dma_start3A = arith.constant 0 : i32
      %dma_start3A_31 = tpu.memref_slice %arg11[%add3A_9, %dma_start3A] : memref<5248x128xf32, #tpu.memory_space<vmem_shared>> -> memref<128x128xf32, #tpu.memory_space<vmem_shared>>
      %dma_start3A_32 = arith.constant 0 : i32
      %dma_start3A_33 = tpu.memref_slice %arg11[%add3A_9, %dma_start3A_32] : memref<5248x128xf32, #tpu.memory_space<vmem_shared>> -> memref<128x128xf32, #tpu.memory_space<vmem_shared>>
      tpu.enqueue_dma source(%arg8 : memref<128x128xf32, #tpu.memory_space<vmem>>) target(%dma_start3A_33 : memref<128x128xf32, #tpu.memory_space<vmem_shared>>) target_semaphore(%run_scoped3A : memref<!tpu.dma_semaphore, #tpu.memory_space<semaphore_mem>>)
      %dma_wait3A = arith.constant 0 : i32
      %dma_wait3A_34 = tpu.memref_slice %arg11[%add3A_9, %dma_wait3A] : memref<5248x128xf32, #tpu.memory_space<vmem_shared>> -> memref<128x128xf32, #tpu.memory_space<vmem_shared>>
      %dma_wait3A_35 = arith.constant 0 : i32
      %dma_wait3A_36 = tpu.memref_slice %arg11[%add3A_9, %dma_wait3A_35] : memref<5248x128xf32, #tpu.memory_space<vmem_shared>> -> memref<128x128xf32, #tpu.memory_space<vmem_shared>>
      tpu.wait_dma2 semaphore(%run_scoped3A : memref<!tpu.dma_semaphore, #tpu.memory_space<semaphore_mem>>) src(%arg8 : memref<128x128xf32, #tpu.memory_space<vmem>>) dst(%dma_wait3A_36 : memref<128x128xf32, #tpu.memory_space<vmem_shared>>)
      tpu.yield
    }) : () -> ()
    %add3A_10 = arith.constant 256 : i32
    %add3A_11 = arith.addi %mul3A_6, %add3A_10 : i32
    "tpu.region"() ({
      %run_scoped3A = tpu.sem_alloc : memref<!tpu.dma_semaphore, #tpu.memory_space<semaphore_mem>>
      %dma_start3A = arith.constant 0 : i32
      %dma_start3A_31 = arith.constant 0 : i32
      %dma_start3A_32 = tpu.memref_slice %arg8[%dma_start3A, %dma_start3A_31] : memref<128x128xf32, #tpu.memory_space<vmem>> -> memref<72x128xf32, #tpu.memory_space<vmem>>
      %dma_start3A_33 = arith.constant 0 : i32
      %dma_start3A_34 = tpu.memref_slice %arg11[%add3A_11, %dma_start3A_33] : memref<5248x128xf32, #tpu.memory_space<vmem_shared>> -> memref<72x128xf32, #tpu.memory_space<vmem_shared>>
      %dma_start3A_35 = arith.constant 0 : i32
      %dma_start3A_36 = tpu.memref_slice %arg11[%add3A_11, %dma_start3A_35] : memref<5248x128xf32, #tpu.memory_space<vmem_shared>> -> memref<72x128xf32, #tpu.memory_space<vmem_shared>>
      %dma_start3A_37 = arith.constant 0 : i32
      %dma_start3A_38 = arith.constant 0 : i32
      %dma_start3A_39 = tpu.memref_slice %arg8[%dma_start3A_37, %dma_start3A_38] : memref<128x128xf32, #tpu.memory_space<vmem>> -> memref<72x128xf32, #tpu.memory_space<vmem>>
      tpu.enqueue_dma source(%dma_start3A_39 : memref<72x128xf32, #tpu.memory_space<vmem>>) target(%dma_start3A_36 : memref<72x128xf32, #tpu.memory_space<vmem_shared>>) target_semaphore(%run_scoped3A : memref<!tpu.dma_semaphore, #tpu.memory_space<semaphore_mem>>)
      %dma_wait3A = arith.constant 0 : i32
      %dma_wait3A_40 = arith.constant 0 : i32
      %dma_wait3A_41 = tpu.memref_slice %arg8[%dma_wait3A, %dma_wait3A_40] : memref<128x128xf32, #tpu.memory_space<vmem>> -> memref<72x128xf32, #tpu.memory_space<vmem>>
      %dma_wait3A_42 = arith.constant 0 : i32
      %dma_wait3A_43 = tpu.memref_slice %arg11[%add3A_11, %dma_wait3A_42] : memref<5248x128xf32, #tpu.memory_space<vmem_shared>> -> memref<72x128xf32, #tpu.memory_space<vmem_shared>>
      %dma_wait3A_44 = arith.constant 0 : i32
      %dma_wait3A_45 = tpu.memref_slice %arg11[%add3A_11, %dma_wait3A_44] : memref<5248x128xf32, #tpu.memory_space<vmem_shared>> -> memref<72x128xf32, #tpu.memory_space<vmem_shared>>
      %dma_wait3A_46 = arith.constant 0 : i32
      %dma_wait3A_47 = arith.constant 0 : i32
      %dma_wait3A_48 = tpu.memref_slice %arg8[%dma_wait3A_46, %dma_wait3A_47] : memref<128x128xf32, #tpu.memory_space<vmem>> -> memref<72x128xf32, #tpu.memory_space<vmem>>
      tpu.wait_dma2 semaphore(%run_scoped3A : memref<!tpu.dma_semaphore, #tpu.memory_space<semaphore_mem>>) src(%dma_wait3A_48 : memref<72x128xf32, #tpu.memory_space<vmem>>) dst(%dma_wait3A_45 : memref<72x128xf32, #tpu.memory_space<vmem_shared>>)
      tpu.yield
    }) : () -> ()
    "tpu.region"() ({
      %run_scoped3A = tpu.sem_alloc : memref<!tpu.dma_semaphore, #tpu.memory_space<semaphore_mem>>
      %dma_start3A = arith.constant 0 : i32
      %dma_start3A_31 = arith.constant 0 : i32
      %dma_start3A_32 = tpu.memref_slice %arg2[%arg1, %dma_start3A, %dma_start3A_31] : memref<16x160x128xi32, #tpu.memory_space<hbm>> -> memref<1x160x128xi32, #tpu.memory_space<hbm>>
      %dma_start3A_33 = tpu.memref_squeeze %dma_start3A_32 : memref<1x160x128xi32, #tpu.memory_space<hbm>> -> memref<160x128xi32, #tpu.memory_space<hbm>>
      %dma_start3A_34 = arith.constant 0 : i32
      %dma_start3A_35 = arith.constant 0 : i32
      %dma_start3A_36 = tpu.memref_slice %arg2[%arg1, %dma_start3A_34, %dma_start3A_35] : memref<16x160x128xi32, #tpu.memory_space<hbm>> -> memref<1x160x128xi32, #tpu.memory_space<hbm>>
      %dma_start3A_37 = tpu.memref_squeeze %dma_start3A_36 : memref<1x160x128xi32, #tpu.memory_space<hbm>> -> memref<160x128xi32, #tpu.memory_space<hbm>>
      tpu.enqueue_dma source(%dma_start3A_37 : memref<160x128xi32, #tpu.memory_space<hbm>>) target(%arg6 : memref<160x128xi32, #tpu.memory_space<vmem>>) target_semaphore(%run_scoped3A : memref<!tpu.dma_semaphore, #tpu.memory_space<semaphore_mem>>)
      %dma_wait3A = arith.constant 0 : i32
      %dma_wait3A_38 = arith.constant 0 : i32
      %dma_wait3A_39 = tpu.memref_slice %arg2[%arg1, %dma_wait3A, %dma_wait3A_38] : memref<16x160x128xi32, #tpu.memory_space<hbm>> -> memref<1x160x128xi32, #tpu.memory_space<hbm>>
      %dma_wait3A_40 = tpu.memref_squeeze %dma_wait3A_39 : memref<1x160x128xi32, #tpu.memory_space<hbm>> -> memref<160x128xi32, #tpu.memory_space<hbm>>
      %dma_wait3A_41 = arith.constant 0 : i32
      %dma_wait3A_42 = arith.constant 0 : i32
      %dma_wait3A_43 = tpu.memref_slice %arg2[%arg1, %dma_wait3A_41, %dma_wait3A_42] : memref<16x160x128xi32, #tpu.memory_space<hbm>> -> memref<1x160x128xi32, #tpu.memory_space<hbm>>
      %dma_wait3A_44 = tpu.memref_squeeze %dma_wait3A_43 : memref<1x160x128xi32, #tpu.memory_space<hbm>> -> memref<160x128xi32, #tpu.memory_space<hbm>>
      tpu.wait_dma2 semaphore(%run_scoped3A : memref<!tpu.dma_semaphore, #tpu.memory_space<semaphore_mem>>) src(%dma_wait3A_44 : memref<160x128xi32, #tpu.memory_space<hbm>>) dst(%arg6 : memref<160x128xi32, #tpu.memory_space<vmem>>)
      tpu.yield
    }) : () -> ()
    "tpu.region"() ({
      %run_scoped3A = tpu.sem_alloc : memref<!tpu.dma_semaphore, #tpu.memory_space<semaphore_mem>>
      %dma_start3A = arith.constant 0 : i32
      %dma_start3A_31 = arith.constant 0 : i32
      %dma_start3A_32 = tpu.memref_slice %arg3[%arg1, %dma_start3A, %dma_start3A_31] : memref<16x160x128xi32, #tpu.memory_space<hbm>> -> memref<1x160x128xi32, #tpu.memory_space<hbm>>
      %dma_start3A_33 = tpu.memref_squeeze %dma_start3A_32 : memref<1x160x128xi32, #tpu.memory_space<hbm>> -> memref<160x128xi32, #tpu.memory_space<hbm>>
      %dma_start3A_34 = arith.constant 0 : i32
      %dma_start3A_35 = arith.constant 0 : i32
      %dma_start3A_36 = tpu.memref_slice %arg3[%arg1, %dma_start3A_34, %dma_start3A_35] : memref<16x160x128xi32, #tpu.memory_space<hbm>> -> memref<1x160x128xi32, #tpu.memory_space<hbm>>
      %dma_start3A_37 = tpu.memref_squeeze %dma_start3A_36 : memref<1x160x128xi32, #tpu.memory_space<hbm>> -> memref<160x128xi32, #tpu.memory_space<hbm>>
      tpu.enqueue_dma source(%dma_start3A_37 : memref<160x128xi32, #tpu.memory_space<hbm>>) target(%arg7 : memref<160x128xi32, #tpu.memory_space<vmem>>) target_semaphore(%run_scoped3A : memref<!tpu.dma_semaphore, #tpu.memory_space<semaphore_mem>>)
      %dma_wait3A = arith.constant 0 : i32
      %dma_wait3A_38 = arith.constant 0 : i32
      %dma_wait3A_39 = tpu.memref_slice %arg3[%arg1, %dma_wait3A, %dma_wait3A_38] : memref<16x160x128xi32, #tpu.memory_space<hbm>> -> memref<1x160x128xi32, #tpu.memory_space<hbm>>
      %dma_wait3A_40 = tpu.memref_squeeze %dma_wait3A_39 : memref<1x160x128xi32, #tpu.memory_space<hbm>> -> memref<160x128xi32, #tpu.memory_space<hbm>>
      %dma_wait3A_41 = arith.constant 0 : i32
      %dma_wait3A_42 = arith.constant 0 : i32
      %dma_wait3A_43 = tpu.memref_slice %arg3[%arg1, %dma_wait3A_41, %dma_wait3A_42] : memref<16x160x128xi32, #tpu.memory_space<hbm>> -> memref<1x160x128xi32, #tpu.memory_space<hbm>>
      %dma_wait3A_44 = tpu.memref_squeeze %dma_wait3A_43 : memref<1x160x128xi32, #tpu.memory_space<hbm>> -> memref<160x128xi32, #tpu.memory_space<hbm>>
      tpu.wait_dma2 semaphore(%run_scoped3A : memref<!tpu.dma_semaphore, #tpu.memory_space<semaphore_mem>>) src(%dma_wait3A_44 : memref<160x128xi32, #tpu.memory_space<hbm>>) dst(%arg7 : memref<160x128xi32, #tpu.memory_space<vmem>>)
      tpu.yield
    }) : () -> ()
    %mul3A_12 = arith.constant 5120 : i32
    %mul3A_13 = arith.muli %arg0, %mul3A_12 : i32
    %scan3A_14 = arith.constant 0 : i32
    %scan3A_15 = arith.constant 0 : i32
    %scan3A_16 = arith.constant 160 : i32
    %scan3A_17 = arith.addi %scan3A_15, %scan3A_16 : i32
    %scan3A_18 = arith.constant 1 : i32
    scf.for %scan3A_31 = %scan3A_15 to %scan3A_17 step %scan3A_18  : i32 {
      %get3A = arith.index_cast %scan3A_31 : i32 to index
      %get3A_32 = arith.constant 0 : index
      %get3A_33 = tpu.vector_load %arg7[%get3A, %get3A_32] {strides = array<i32>} : memref<160x128xi32, #tpu.memory_space<vmem>>, vector<1x16xi32>,
      %get3A_34 = vector.shape_cast %get3A_33 : vector<1x16xi32> to vector<16xi32>
      %sub3A = vector.broadcast %mul3A_13 : i32 to vector<16xi32>
      %sub3A_35 = arith.subi %get3A_34, %sub3A : vector<16xi32>
      %ge3A = arith.constant 0 : i32
      %ge3A_36 = vector.broadcast %ge3A : i32 to vector<16xi32>
      %ge3A_37 = arith.cmpi sge, %sub3A_35, %ge3A_36 : vector<16xi32>
      %lt3A = arith.constant 5120 : i32
      %lt3A_38 = vector.broadcast %lt3A : i32 to vector<16xi32>
      %lt3A_39 = arith.cmpi slt, %sub3A_35, %lt3A_38 : vector<16xi32>
      %and3A = arith.andi %ge3A_37, %lt3A_39 : vector<16xi1>
      %broadcast_in_dim3A_40 = arith.constant 5184 : i32
      %broadcast_in_dim3A_41 = vector.broadcast %broadcast_in_dim3A_40 : i32 to vector<16xi32>
      %select_n3A = arith.select %and3A, %sub3A_35, %broadcast_in_dim3A_41 : vector<16xi1>, vector<16xi32>
      %swap3A = arith.index_cast %scan3A_31 : i32 to index
      %swap3A_42 = arith.constant 0 : index
      %swap3A_43 = tpu.vector_load %arg7[%swap3A, %swap3A_42] {strides = array<i32>} : memref<160x128xi32, #tpu.memory_space<vmem>>, vector<1x16xi32>,
      %swap3A_44 = vector.shape_cast %swap3A_43 : vector<1x16xi32> to vector<16xi32>
      %swap3A_45 = vector.shape_cast %select_n3A : vector<16xi32> to vector<1x16xi32>
      tpu.vector_store %arg7[%swap3A, %swap3A_42], %swap3A_45 {strides = array<i32>} : memref<160x128xi32, #tpu.memory_space<vmem>>, vector<1x16xi32>,
      %get3A_46 = arith.index_cast %scan3A_31 : i32 to index
      %get3A_47 = arith.constant 16 : index
      %get3A_48 = tpu.vector_load %arg7[%get3A_46, %get3A_47] {strides = array<i32>} : memref<160x128xi32, #tpu.memory_space<vmem>>, vector<1x16xi32>,
      %get3A_49 = vector.shape_cast %get3A_48 : vector<1x16xi32> to vector<16xi32>
      %sub3A_50 = vector.broadcast %mul3A_13 : i32 to vector<16xi32>
      %sub3A_51 = arith.subi %get3A_49, %sub3A_50 : vector<16xi32>
      %ge3A_52 = arith.constant 0 : i32
      %ge3A_53 = vector.broadcast %ge3A_52 : i32 to vector<16xi32>
      %ge3A_54 = arith.cmpi sge, %sub3A_51, %ge3A_53 : vector<16xi32>
      %lt3A_55 = arith.constant 5120 : i32
      %lt3A_56 = vector.broadcast %lt3A_55 : i32 to vector<16xi32>
      %lt3A_57 = arith.cmpi slt, %sub3A_51, %lt3A_56 : vector<16xi32>
      %and3A_58 = arith.andi %ge3A_54, %lt3A_57 : vector<16xi1>
      %broadcast_in_dim3A_59 = arith.constant 5184 : i32
      %broadcast_in_dim3A_60 = vector.broadcast %broadcast_in_dim3A_59 : i32 to vector<16xi32>
      %select_n3A_61 = arith.select %and3A_58, %sub3A_51, %broadcast_in_dim3A_60 : vector<16xi1>, vector<16xi32>
      %swap3A_62 = arith.index_cast %scan3A_31 : i32 to index
      %swap3A_63 = arith.constant 16 : index
      %swap3A_64 = tpu.vector_load %arg7[%swap3A_62, %swap3A_63] {strides = array<i32>} : memref<160x128xi32, #tpu.memory_space<vmem>>, vector<1x16xi32>,
      %swap3A_65 = vector.shape_cast %swap3A_64 : vector<1x16xi32> to vector<16xi32>
      %swap3A_66 = vector.shape_cast %select_n3A_61 : vector<16xi32> to vector<1x16xi32>
      tpu.vector_store %arg7[%swap3A_62, %swap3A_63], %swap3A_66 {strides = array<i32>} : memref<160x128xi32, #tpu.memory_space<vmem>>, vector<1x16xi32>,
      %get3A_67 = arith.index_cast %scan3A_31 : i32 to index
      %get3A_68 = arith.constant 32 : index
      %get3A_69 = tpu.vector_load %arg7[%get3A_67, %get3A_68] {strides = array<i32>} : memref<160x128xi32, #tpu.memory_space<vmem>>, vector<1x16xi32>,
      %get3A_70 = vector.shape_cast %get3A_69 : vector<1x16xi32> to vector<16xi32>
      %sub3A_71 = vector.broadcast %mul3A_13 : i32 to vector<16xi32>
      %sub3A_72 = arith.subi %get3A_70, %sub3A_71 : vector<16xi32>
      %ge3A_73 = arith.constant 0 : i32
      %ge3A_74 = vector.broadcast %ge3A_73 : i32 to vector<16xi32>
      %ge3A_75 = arith.cmpi sge, %sub3A_72, %ge3A_74 : vector<16xi32>
      %lt3A_76 = arith.constant 5120 : i32
      %lt3A_77 = vector.broadcast %lt3A_76 : i32 to vector<16xi32>
      %lt3A_78 = arith.cmpi slt, %sub3A_72, %lt3A_77 : vector<16xi32>
      %and3A_79 = arith.andi %ge3A_75, %lt3A_78 : vector<16xi1>
      %broadcast_in_dim3A_80 = arith.constant 5184 : i32
      %broadcast_in_dim3A_81 = vector.broadcast %broadcast_in_dim3A_80 : i32 to vector<16xi32>
      %select_n3A_82 = arith.select %and3A_79, %sub3A_72, %broadcast_in_dim3A_81 : vector<16xi1>, vector<16xi32>
      %swap3A_83 = arith.index_cast %scan3A_31 : i32 to index
      %swap3A_84 = arith.constant 32 : index
      %swap3A_85 = tpu.vector_load %arg7[%swap3A_83, %swap3A_84] {strides = array<i32>} : memref<160x128xi32, #tpu.memory_space<vmem>>, vector<1x16xi32>,
      %swap3A_86 = vector.shape_cast %swap3A_85 : vector<1x16xi32> to vector<16xi32>
      %swap3A_87 = vector.shape_cast %select_n3A_82 : vector<16xi32> to vector<1x16xi32>
      tpu.vector_store %arg7[%swap3A_83, %swap3A_84], %swap3A_87 {strides = array<i32>} : memref<160x128xi32, #tpu.memory_space<vmem>>, vector<1x16xi32>,
      %get3A_88 = arith.index_cast %scan3A_31 : i32 to index
      %get3A_89 = arith.constant 48 : index
      %get3A_90 = tpu.vector_load %arg7[%get3A_88, %get3A_89] {strides = array<i32>} : memref<160x128xi32, #tpu.memory_space<vmem>>, vector<1x16xi32>,
      %get3A_91 = vector.shape_cast %get3A_90 : vector<1x16xi32> to vector<16xi32>
      %sub3A_92 = vector.broadcast %mul3A_13 : i32 to vector<16xi32>
      %sub3A_93 = arith.subi %get3A_91, %sub3A_92 : vector<16xi32>
      %ge3A_94 = arith.constant 0 : i32
      %ge3A_95 = vector.broadcast %ge3A_94 : i32 to vector<16xi32>
      %ge3A_96 = arith.cmpi sge, %sub3A_93, %ge3A_95 : vector<16xi32>
      %lt3A_97 = arith.constant 5120 : i32
      %lt3A_98 = vector.broadcast %lt3A_97 : i32 to vector<16xi32>
      %lt3A_99 = arith.cmpi slt, %sub3A_93, %lt3A_98 : vector<16xi32>
      %and3A_100 = arith.andi %ge3A_96, %lt3A_99 : vector<16xi1>
      %broadcast_in_dim3A_101 = arith.constant 5184 : i32
      %broadcast_in_dim3A_102 = vector.broadcast %broadcast_in_dim3A_101 : i32 to vector<16xi32>
      %select_n3A_103 = arith.select %and3A_100, %sub3A_93, %broadcast_in_dim3A_102 : vector<16xi1>, vector<16xi32>
      %swap3A_104 = arith.index_cast %scan3A_31 : i32 to index
      %swap3A_105 = arith.constant 48 : index
      %swap3A_106 = tpu.vector_load %arg7[%swap3A_104, %swap3A_105] {strides = array<i32>} : memref<160x128xi32, #tpu.memory_space<vmem>>, vector<1x16xi32>,
      %swap3A_107 = vector.shape_cast %swap3A_106 : vector<1x16xi32> to vector<16xi32>
      %swap3A_108 = vector.shape_cast %select_n3A_103 : vector<16xi32> to vector<1x16xi32>
      tpu.vector_store %arg7[%swap3A_104, %swap3A_105], %swap3A_108 {strides = array<i32>} : memref<160x128xi32, #tpu.memory_space<vmem>>, vector<1x16xi32>,
      %get3A_109 = arith.index_cast %scan3A_31 : i32 to index
      %get3A_110 = arith.constant 64 : index
      %get3A_111 = tpu.vector_load %arg7[%get3A_109, %get3A_110] {strides = array<i32>} : memref<160x128xi32, #tpu.memory_space<vmem>>, vector<1x16xi32>,
      %get3A_112 = vector.shape_cast %get3A_111 : vector<1x16xi32> to vector<16xi32>
      %sub3A_113 = vector.broadcast %mul3A_13 : i32 to vector<16xi32>
      %sub3A_114 = arith.subi %get3A_112, %sub3A_113 : vector<16xi32>
      %ge3A_115 = arith.constant 0 : i32
      %ge3A_116 = vector.broadcast %ge3A_115 : i32 to vector<16xi32>
      %ge3A_117 = arith.cmpi sge, %sub3A_114, %ge3A_116 : vector<16xi32>
      %lt3A_118 = arith.constant 5120 : i32
      %lt3A_119 = vector.broadcast %lt3A_118 : i32 to vector<16xi32>
      %lt3A_120 = arith.cmpi slt, %sub3A_114, %lt3A_119 : vector<16xi32>
      %and3A_121 = arith.andi %ge3A_117, %lt3A_120 : vector<16xi1>
      %broadcast_in_dim3A_122 = arith.constant 5184 : i32
      %broadcast_in_dim3A_123 = vector.broadcast %broadcast_in_dim3A_122 : i32 to vector<16xi32>
      %select_n3A_124 = arith.select %and3A_121, %sub3A_114, %broadcast_in_dim3A_123 : vector<16xi1>, vector<16xi32>
      %swap3A_125 = arith.index_cast %scan3A_31 : i32 to index
      %swap3A_126 = arith.constant 64 : index
      %swap3A_127 = tpu.vector_load %arg7[%swap3A_125, %swap3A_126] {strides = array<i32>} : memref<160x128xi32, #tpu.memory_space<vmem>>, vector<1x16xi32>,
      %swap3A_128 = vector.shape_cast %swap3A_127 : vector<1x16xi32> to vector<16xi32>
      %swap3A_129 = vector.shape_cast %select_n3A_124 : vector<16xi32> to vector<1x16xi32>
      tpu.vector_store %arg7[%swap3A_125, %swap3A_126], %swap3A_129 {strides = array<i32>} : memref<160x128xi32, #tpu.memory_space<vmem>>, vector<1x16xi32>,
      %get3A_130 = arith.index_cast %scan3A_31 : i32 to index
      %get3A_131 = arith.constant 80 : index
      %get3A_132 = tpu.vector_load %arg7[%get3A_130, %get3A_131] {strides = array<i32>} : memref<160x128xi32, #tpu.memory_space<vmem>>, vector<1x16xi32>,
      %get3A_133 = vector.shape_cast %get3A_132 : vector<1x16xi32> to vector<16xi32>
      %sub3A_134 = vector.broadcast %mul3A_13 : i32 to vector<16xi32>
      %sub3A_135 = arith.subi %get3A_133, %sub3A_134 : vector<16xi32>
      %ge3A_136 = arith.constant 0 : i32
      %ge3A_137 = vector.broadcast %ge3A_136 : i32 to vector<16xi32>
      %ge3A_138 = arith.cmpi sge, %sub3A_135, %ge3A_137 : vector<16xi32>
      %lt3A_139 = arith.constant 5120 : i32
      %lt3A_140 = vector.broadcast %lt3A_139 : i32 to vector<16xi32>
      %lt3A_141 = arith.cmpi slt, %sub3A_135, %lt3A_140 : vector<16xi32>
      %and3A_142 = arith.andi %ge3A_138, %lt3A_141 : vector<16xi1>
      %broadcast_in_dim3A_143 = arith.constant 5184 : i32
      %broadcast_in_dim3A_144 = vector.broadcast %broadcast_in_dim3A_143 : i32 to vector<16xi32>
      %select_n3A_145 = arith.select %and3A_142, %sub3A_135, %broadcast_in_dim3A_144 : vector<16xi1>, vector<16xi32>
      %swap3A_146 = arith.index_cast %scan3A_31 : i32 to index
      %swap3A_147 = arith.constant 80 : index
      %swap3A_148 = tpu.vector_load %arg7[%swap3A_146, %swap3A_147] {strides = array<i32>} : memref<160x128xi32, #tpu.memory_space<vmem>>, vector<1x16xi32>,
      %swap3A_149 = vector.shape_cast %swap3A_148 : vector<1x16xi32> to vector<16xi32>
      %swap3A_150 = vector.shape_cast %select_n3A_145 : vector<16xi32> to vector<1x16xi32>
      tpu.vector_store %arg7[%swap3A_146, %swap3A_147], %swap3A_150 {strides = array<i32>} : memref<160x128xi32, #tpu.memory_space<vmem>>, vector<1x16xi32>,
      %get3A_151 = arith.index_cast %scan3A_31 : i32 to index
      %get3A_152 = arith.constant 96 : index
      %get3A_153 = tpu.vector_load %arg7[%get3A_151, %get3A_152] {strides = array<i32>} : memref<160x128xi32, #tpu.memory_space<vmem>>, vector<1x16xi32>,
      %get3A_154 = vector.shape_cast %get3A_153 : vector<1x16xi32> to vector<16xi32>
      %sub3A_155 = vector.broadcast %mul3A_13 : i32 to vector<16xi32>
      %sub3A_156 = arith.subi %get3A_154, %sub3A_155 : vector<16xi32>
      %ge3A_157 = arith.constant 0 : i32
      %ge3A_158 = vector.broadcast %ge3A_157 : i32 to vector<16xi32>
      %ge3A_159 = arith.cmpi sge, %sub3A_156, %ge3A_158 : vector<16xi32>
      %lt3A_160 = arith.constant 5120 : i32
      %lt3A_161 = vector.broadcast %lt3A_160 : i32 to vector<16xi32>
      %lt3A_162 = arith.cmpi slt, %sub3A_156, %lt3A_161 : vector<16xi32>
      %and3A_163 = arith.andi %ge3A_159, %lt3A_162 : vector<16xi1>
      %broadcast_in_dim3A_164 = arith.constant 5184 : i32
      %broadcast_in_dim3A_165 = vector.broadcast %broadcast_in_dim3A_164 : i32 to vector<16xi32>
      %select_n3A_166 = arith.select %and3A_163, %sub3A_156, %broadcast_in_dim3A_165 : vector<16xi1>, vector<16xi32>
      %swap3A_167 = arith.index_cast %scan3A_31 : i32 to index
      %swap3A_168 = arith.constant 96 : index
      %swap3A_169 = tpu.vector_load %arg7[%swap3A_167, %swap3A_168] {strides = array<i32>} : memref<160x128xi32, #tpu.memory_space<vmem>>, vector<1x16xi32>,
      %swap3A_170 = vector.shape_cast %swap3A_169 : vector<1x16xi32> to vector<16xi32>
      %swap3A_171 = vector.shape_cast %select_n3A_166 : vector<16xi32> to vector<1x16xi32>
      tpu.vector_store %arg7[%swap3A_167, %swap3A_168], %swap3A_171 {strides = array<i32>} : memref<160x128xi32, #tpu.memory_space<vmem>>, vector<1x16xi32>,
      %get3A_172 = arith.index_cast %scan3A_31 : i32 to index
      %get3A_173 = arith.constant 112 : index
      %get3A_174 = tpu.vector_load %arg7[%get3A_172, %get3A_173] {strides = array<i32>} : memref<160x128xi32, #tpu.memory_space<vmem>>, vector<1x16xi32>,
      %get3A_175 = vector.shape_cast %get3A_174 : vector<1x16xi32> to vector<16xi32>
      %sub3A_176 = vector.broadcast %mul3A_13 : i32 to vector<16xi32>
      %sub3A_177 = arith.subi %get3A_175, %sub3A_176 : vector<16xi32>
      %ge3A_178 = arith.constant 0 : i32
      %ge3A_179 = vector.broadcast %ge3A_178 : i32 to vector<16xi32>
      %ge3A_180 = arith.cmpi sge, %sub3A_177, %ge3A_179 : vector<16xi32>
      %lt3A_181 = arith.constant 5120 : i32
      %lt3A_182 = vector.broadcast %lt3A_181 : i32 to vector<16xi32>
      %lt3A_183 = arith.cmpi slt, %sub3A_177, %lt3A_182 : vector<16xi32>
      %and3A_184 = arith.andi %ge3A_180, %lt3A_183 : vector<16xi1>
      %broadcast_in_dim3A_185 = arith.constant 5184 : i32
      %broadcast_in_dim3A_186 = vector.broadcast %broadcast_in_dim3A_185 : i32 to vector<16xi32>
      %select_n3A_187 = arith.select %and3A_184, %sub3A_177, %broadcast_in_dim3A_186 : vector<16xi1>, vector<16xi32>
      %swap3A_188 = arith.index_cast %scan3A_31 : i32 to index
      %swap3A_189 = arith.constant 112 : index
      %swap3A_190 = tpu.vector_load %arg7[%swap3A_188, %swap3A_189] {strides = array<i32>} : memref<160x128xi32, #tpu.memory_space<vmem>>, vector<1x16xi32>,
      %swap3A_191 = vector.shape_cast %swap3A_190 : vector<1x16xi32> to vector<16xi32>
      %swap3A_192 = vector.shape_cast %select_n3A_187 : vector<16xi32> to vector<1x16xi32>
      tpu.vector_store %arg7[%swap3A_188, %swap3A_189], %swap3A_192 {strides = array<i32>} : memref<160x128xi32, #tpu.memory_space<vmem>>, vector<1x16xi32>,
    }
    %scan3A_19 = arith.constant 160 : i32
    %barrier3A = arith.constant 0 : index
    tpu.barrier barrier_id(%barrier3A)
    %scan3A_20 = arith.constant 0 : i32
    %scan3A_21 = arith.constant 0 : i32
    %scan3A_22 = arith.constant 80 : i32
    %scan3A_23 = arith.addi %scan3A_21, %scan3A_22 : i32
    %scan3A_24 = arith.constant 1 : i32
    scf.for %scan3A_31 = %scan3A_21 to %scan3A_23 step %scan3A_24  : i32 {
      %mul3A_32 = arith.constant 2 : i32
      %mul3A_33 = arith.muli %mul3A_32, %scan3A_31 : i32
      %dma_start3A = arith.constant 0 : i32
      %dma_start3A_34 = tpu.memref_slice %arg6[%mul3A_33, %dma_start3A] : memref<160x128xi32, #tpu.memory_space<vmem>> -> memref<1x128xi32, #tpu.memory_space<vmem>>
      %dma_start3A_35 = tpu.memref_squeeze %dma_start3A_34 : memref<1x128xi32, #tpu.memory_space<vmem>> -> memref<128xi32, #tpu.memory_space<vmem>>
      %dma_start3A_36 = arith.constant 0 : i32
      %dma_start3A_37 = arith.constant 0 : i32
      %dma_start3A_38 = tpu.memref_slice %arg4[%dma_start3A_36, %dma_start3A_37] : memref<10000x128xf32, #tpu.memory_space<hbm>> -> memref<10000x128xf32, #tpu.memory_space<hbm>>
      tpu.enqueue_indirect_dma source(%dma_start3A_38 : memref<10000x128xf32, #tpu.memory_space<hbm>>) target(%arg8 : memref<128x128xf32, #tpu.memory_space<vmem>>) offsets(%dma_start3A_35 : memref<128xi32, #tpu.memory_space<vmem>>) semaphore(%arg10 : memref<!tpu.dma_semaphore, #tpu.memory_space<semaphore_mem>>)
      %dma_wait3A = arith.constant 0 : i32
      %dma_wait3A_39 = tpu.memref_slice %arg6[%mul3A_33, %dma_wait3A] : memref<160x128xi32, #tpu.memory_space<vmem>> -> memref<1x128xi32, #tpu.memory_space<vmem>>
      %dma_wait3A_40 = tpu.memref_squeeze %dma_wait3A_39 : memref<1x128xi32, #tpu.memory_space<vmem>> -> memref<128xi32, #tpu.memory_space<vmem>>
      %dma_wait3A_41 = arith.constant 0 : i32
      %dma_wait3A_42 = arith.constant 0 : i32
      %dma_wait3A_43 = tpu.memref_slice %arg4[%dma_wait3A_41, %dma_wait3A_42] : memref<10000x128xf32, #tpu.memory_space<hbm>> -> memref<10000x128xf32, #tpu.memory_space<hbm>>
      tpu.wait_indirect_dma semaphore(%arg10 : memref<!tpu.dma_semaphore, #tpu.memory_space<semaphore_mem>>) src(%dma_wait3A_43 : memref<10000x128xf32, #tpu.memory_space<hbm>>) dst(%arg8 : memref<128x128xf32, #tpu.memory_space<vmem>>)
      "tpu.region"() ({
        %run_scoped3A = tpu.sem_alloc : memref<!tpu.dma_semaphore, #tpu.memory_space<semaphore_mem>>
        %dma_start3A_60 = arith.constant 0 : i32
        %dma_start3A_61 = tpu.memref_slice %arg7[%mul3A_33, %dma_start3A_60] : memref<160x128xi32, #tpu.memory_space<vmem>> -> memref<1x128xi32, #tpu.memory_space<vmem>>
        %dma_start3A_62 = tpu.memref_squeeze %dma_start3A_61 : memref<1x128xi32, #tpu.memory_space<vmem>> -> memref<128xi32, #tpu.memory_space<vmem>>
        %dma_start3A_63 = arith.constant 0 : i32
        %dma_start3A_64 = arith.constant 0 : i32
        %dma_start3A_65 = tpu.memref_slice %arg11[%dma_start3A_63, %dma_start3A_64] : memref<5248x128xf32, #tpu.memory_space<vmem_shared>> -> memref<5248x128xf32, #tpu.memory_space<vmem_shared>>
        tpu.enqueue_indirect_dma source(%arg8 : memref<128x128xf32, #tpu.memory_space<vmem>>) target(%dma_start3A_65 : memref<5248x128xf32, #tpu.memory_space<vmem_shared>>) offsets(%dma_start3A_62 : memref<128xi32, #tpu.memory_space<vmem>>) semaphore(%run_scoped3A : memref<!tpu.dma_semaphore, #tpu.memory_space<semaphore_mem>>) {add = true}
        %dma_wait3A_66 = arith.constant 0 : i32
        %dma_wait3A_67 = tpu.memref_slice %arg7[%mul3A_33, %dma_wait3A_66] : memref<160x128xi32, #tpu.memory_space<vmem>> -> memref<1x128xi32, #tpu.memory_space<vmem>>
        %dma_wait3A_68 = tpu.memref_squeeze %dma_wait3A_67 : memref<1x128xi32, #tpu.memory_space<vmem>> -> memref<128xi32, #tpu.memory_space<vmem>>
        %dma_wait3A_69 = arith.constant 0 : i32
        %dma_wait3A_70 = arith.constant 0 : i32
        %dma_wait3A_71 = tpu.memref_slice %arg11[%dma_wait3A_69, %dma_wait3A_70] : memref<5248x128xf32, #tpu.memory_space<vmem_shared>> -> memref<5248x128xf32, #tpu.memory_space<vmem_shared>>
        tpu.wait_indirect_dma semaphore(%run_scoped3A : memref<!tpu.dma_semaphore, #tpu.memory_space<semaphore_mem>>) src(%arg8 : memref<128x128xf32, #tpu.memory_space<vmem>>) dst(%dma_wait3A_71 : memref<5248x128xf32, #tpu.memory_space<vmem_shared>>)
        tpu.yield
      }) : () -> ()
      %add3A_44 = arith.constant 1 : i32
      %add3A_45 = arith.addi %mul3A_33, %add3A_44 : i32
      %dma_start3A_46 = arith.constant 0 : i32
      %dma_start3A_47 = tpu.memref_slice %arg6[%add3A_45, %dma_start3A_46] : memref<160x128xi32, #tpu.memory_space<vmem>> -> memref<1x128xi32, #tpu.memory_space<vmem>>
      %dma_start3A_48 = tpu.memref_squeeze %dma_start3A_47 : memref<1x128xi32, #tpu.memory_space<vmem>> -> memref<128xi32, #tpu.memory_space<vmem>>
      %dma_start3A_49 = arith.constant 0 : i32
      %dma_start3A_50 = arith.constant 0 : i32
      %dma_start3A_51 = tpu.memref_slice %arg4[%dma_start3A_49, %dma_start3A_50] : memref<10000x128xf32, #tpu.memory_space<hbm>> -> memref<10000x128xf32, #tpu.memory_space<hbm>>
      tpu.enqueue_indirect_dma source(%dma_start3A_51 : memref<10000x128xf32, #tpu.memory_space<hbm>>) target(%arg9 : memref<128x128xf32, #tpu.memory_space<vmem>>) offsets(%dma_start3A_48 : memref<128xi32, #tpu.memory_space<vmem>>) semaphore(%arg10 : memref<!tpu.dma_semaphore, #tpu.memory_space<semaphore_mem>>)
      %dma_wait3A_52 = arith.constant 0 : i32
      %dma_wait3A_53 = tpu.memref_slice %arg6[%add3A_45, %dma_wait3A_52] : memref<160x128xi32, #tpu.memory_space<vmem>> -> memref<1x128xi32, #tpu.memory_space<vmem>>
      %dma_wait3A_54 = tpu.memref_squeeze %dma_wait3A_53 : memref<1x128xi32, #tpu.memory_space<vmem>> -> memref<128xi32, #tpu.memory_space<vmem>>
      %dma_wait3A_55 = arith.constant 0 : i32
      %dma_wait3A_56 = arith.constant 0 : i32
      %dma_wait3A_57 = tpu.memref_slice %arg4[%dma_wait3A_55, %dma_wait3A_56] : memref<10000x128xf32, #tpu.memory_space<hbm>> -> memref<10000x128xf32, #tpu.memory_space<hbm>>
      tpu.wait_indirect_dma semaphore(%arg10 : memref<!tpu.dma_semaphore, #tpu.memory_space<semaphore_mem>>) src(%dma_wait3A_57 : memref<10000x128xf32, #tpu.memory_space<hbm>>) dst(%arg9 : memref<128x128xf32, #tpu.memory_space<vmem>>)
      %add3A_58 = arith.constant 1 : i32
      %add3A_59 = arith.addi %mul3A_33, %add3A_58 : i32
      "tpu.region"() ({
        %run_scoped3A = tpu.sem_alloc : memref<!tpu.dma_semaphore, #tpu.memory_space<semaphore_mem>>
        %dma_start3A_60 = arith.constant 0 : i32
        %dma_start3A_61 = tpu.memref_slice %arg7[%add3A_59, %dma_start3A_60] : memref<160x128xi32, #tpu.memory_space<vmem>> -> memref<1x128xi32, #tpu.memory_space<vmem>>
        %dma_start3A_62 = tpu.memref_squeeze %dma_start3A_61 : memref<1x128xi32, #tpu.memory_space<vmem>> -> memref<128xi32, #tpu.memory_space<vmem>>
        %dma_start3A_63 = arith.constant 0 : i32
        %dma_start3A_64 = arith.constant 0 : i32
        %dma_start3A_65 = tpu.memref_slice %arg11[%dma_start3A_63, %dma_start3A_64] : memref<5248x128xf32, #tpu.memory_space<vmem_shared>> -> memref<5248x128xf32, #tpu.memory_space<vmem_shared>>
        tpu.enqueue_indirect_dma source(%arg9 : memref<128x128xf32, #tpu.memory_space<vmem>>) target(%dma_start3A_65 : memref<5248x128xf32, #tpu.memory_space<vmem_shared>>) offsets(%dma_start3A_62 : memref<128xi32, #tpu.memory_space<vmem>>) semaphore(%run_scoped3A : memref<!tpu.dma_semaphore, #tpu.memory_space<semaphore_mem>>) {add = true}
        %dma_wait3A_66 = arith.constant 0 : i32
        %dma_wait3A_67 = tpu.memref_slice %arg7[%add3A_59, %dma_wait3A_66] : memref<160x128xi32, #tpu.memory_space<vmem>> -> memref<1x128xi32, #tpu.memory_space<vmem>>
        %dma_wait3A_68 = tpu.memref_squeeze %dma_wait3A_67 : memref<1x128xi32, #tpu.memory_space<vmem>> -> memref<128xi32, #tpu.memory_space<vmem>>
        %dma_wait3A_69 = arith.constant 0 : i32
        %dma_wait3A_70 = arith.constant 0 : i32
        %dma_wait3A_71 = tpu.memref_slice %arg11[%dma_wait3A_69, %dma_wait3A_70] : memref<5248x128xf32, #tpu.memory_space<vmem_shared>> -> memref<5248x128xf32, #tpu.memory_space<vmem_shared>>
        tpu.wait_indirect_dma semaphore(%run_scoped3A : memref<!tpu.dma_semaphore, #tpu.memory_space<semaphore_mem>>) src(%arg9 : memref<128x128xf32, #tpu.memory_space<vmem>>) dst(%dma_wait3A_71 : memref<5248x128xf32, #tpu.memory_space<vmem_shared>>)
        tpu.yield
      }) : () -> ()
    }
    %scan3A_25 = arith.constant 80 : i32
    %barrier3A_26 = arith.constant 0 : index
    tpu.barrier barrier_id(%barrier3A_26)
    %mul3A_27 = arith.constant 320 : i32
    %mul3A_28 = arith.muli %arg1, %mul3A_27 : i32
    %mul3A_29 = arith.constant 320 : i32
    %mul3A_30 = arith.muli %arg1, %mul3A_29 : i32
    "tpu.region"() ({
      %run_scoped3A = tpu.sem_alloc : memref<!tpu.dma_semaphore, #tpu.memory_space<semaphore_mem>>
      %dma_start3A = arith.constant 0 : i32
      %dma_start3A_31 = arith.constant 0 : i32
      %dma_start3A_32 = tpu.memref_slice %arg5[%arg0, %dma_start3A, %dma_start3A_31] : memref<2x5120x128xf32, #tpu.memory_space<hbm>> -> memref<1x5120x128xf32, #tpu.memory_space<hbm>>
      %dma_start3A_33 = tpu.memref_squeeze %dma_start3A_32 : memref<1x5120x128xf32, #tpu.memory_space<hbm>> -> memref<5120x128xf32, #tpu.memory_space<hbm>>
      %dma_start3A_34 = arith.constant 0 : i32
      %dma_start3A_35 = tpu.memref_slice %dma_start3A_33[%mul3A_30, %dma_start3A_34] : memref<5120x128xf32, #tpu.memory_space<hbm>> -> memref<320x128xf32, #tpu.memory_space<hbm>>
      %dma_start3A_36 = arith.constant 0 : i32
      %dma_start3A_37 = tpu.memref_slice %arg11[%mul3A_28, %dma_start3A_36] : memref<5248x128xf32, #tpu.memory_space<vmem_shared>> -> memref<320x128xf32, #tpu.memory_space<vmem_shared>>
      tpu.enqueue_dma source(%dma_start3A_37 : memref<320x128xf32, #tpu.memory_space<vmem_shared>>) target(%dma_start3A_35 : memref<320x128xf32, #tpu.memory_space<hbm>>) target_semaphore(%run_scoped3A : memref<!tpu.dma_semaphore, #tpu.memory_space<semaphore_mem>>)
      %dma_wait3A = arith.constant 0 : i32
      %dma_wait3A_38 = arith.constant 0 : i32
      %dma_wait3A_39 = tpu.memref_slice %arg5[%arg0, %dma_wait3A, %dma_wait3A_38] : memref<2x5120x128xf32, #tpu.memory_space<hbm>> -> memref<1x5120x128xf32, #tpu.memory_space<hbm>>
      %dma_wait3A_40 = tpu.memref_squeeze %dma_wait3A_39 : memref<1x5120x128xf32, #tpu.memory_space<hbm>> -> memref<5120x128xf32, #tpu.memory_space<hbm>>
      %dma_wait3A_41 = arith.constant 0 : i32
      %dma_wait3A_42 = tpu.memref_slice %dma_wait3A_40[%mul3A_30, %dma_wait3A_41] : memref<5120x128xf32, #tpu.memory_space<hbm>> -> memref<320x128xf32, #tpu.memory_space<hbm>>
      %dma_wait3A_43 = arith.constant 0 : i32
      %dma_wait3A_44 = tpu.memref_slice %arg11[%mul3A_28, %dma_wait3A_43] : memref<5248x128xf32, #tpu.memory_space<vmem_shared>> -> memref<320x128xf32, #tpu.memory_space<vmem_shared>>
      tpu.wait_dma2 semaphore(%run_scoped3A : memref<!tpu.dma_semaphore, #tpu.memory_space<semaphore_mem>>) src(%dma_wait3A_44 : memref<320x128xf32, #tpu.memory_space<vmem_shared>>) dst(%dma_wait3A_42 : memref<320x128xf32, #tpu.memory_space<hbm>>)
      tpu.yield
    }) : () -> ()
    return
  }
}

#map = affine_map<(d0, d1) -> (0, 0, 0)>
module attributes {stable_mosaic.version = 14 : i64} {
  func.func @deg_kernel(%arg0: i32, %arg1: i32, %arg2: memref<16x160x128xi32, #tpu.memory_space<hbm>>, %arg3: memref<2x10240x16xf32, #tpu.memory_space<hbm>>, %arg4: memref<80x128xi32, #tpu.memory_space<vmem>>, %arg5: memref<128x16xf32, #tpu.memory_space<vmem>>, %arg6: memref<128x16xf32, #tpu.memory_space<vmem>>, %arg7: memref<10240x16xf32, #tpu.memory_space<vmem_shared>>) attributes {dimension_semantics = [#tpu.dimension_semantics<core_parallel>, #tpu.dimension_semantics<subcore_parallel>], iteration_bounds = array<i64: 2, 16>, scalar_prefetch = 0 : i64, scratch_operands = 4 : i64, tpu.core_type = #tpu.core_type<sc_vector_subcore>, window_params = [{transform_indices = #map}, {transform_indices = #map}]} {
    %broadcast_in_dim3A = arith.constant 1.000000e+00 : f32
    %broadcast_in_dim3A_0 = vector.broadcast %broadcast_in_dim3A : f32 to vector<16xf32>
    %broadcast_in_dim3A_1 = arith.constant 0.000000e+00 : f32
    %broadcast_in_dim3A_2 = vector.broadcast %broadcast_in_dim3A_1 : f32 to vector<16xf32>
    %scan3A = arith.constant 0 : i32
    %scan3A_3 = arith.constant 0 : i32
    %scan3A_4 = arith.constant 128 : i32
    %scan3A_5 = arith.addi %scan3A_3, %scan3A_4 : i32
    %scan3A_6 = arith.constant 1 : i32
    scf.for %scan3A_39 = %scan3A_3 to %scan3A_5 step %scan3A_6  : i32 {
      %swap3A = arith.index_cast %scan3A_39 : i32 to index
      %swap3A_40 = arith.constant 0 : index
      %swap3A_41 = tpu.vector_load %arg5[%swap3A, %swap3A_40] {strides = array<i32>} : memref<128x16xf32, #tpu.memory_space<vmem>>, vector<1x16xf32>,
      %swap3A_42 = vector.shape_cast %swap3A_41 : vector<1x16xf32> to vector<16xf32>
      %swap3A_43 = vector.shape_cast %broadcast_in_dim3A_0 : vector<16xf32> to vector<1x16xf32>
      tpu.vector_store %arg5[%swap3A, %swap3A_40], %swap3A_43 {strides = array<i32>} : memref<128x16xf32, #tpu.memory_space<vmem>>, vector<1x16xf32>,
      %swap3A_44 = arith.index_cast %scan3A_39 : i32 to index
      %swap3A_45 = arith.constant 0 : index
      %swap3A_46 = tpu.vector_load %arg6[%swap3A_44, %swap3A_45] {strides = array<i32>} : memref<128x16xf32, #tpu.memory_space<vmem>>, vector<1x16xf32>,
      %swap3A_47 = vector.shape_cast %swap3A_46 : vector<1x16xf32> to vector<16xf32>
      %swap3A_48 = vector.shape_cast %broadcast_in_dim3A_2 : vector<16xf32> to vector<1x16xf32>
      tpu.vector_store %arg6[%swap3A_44, %swap3A_45], %swap3A_48 {strides = array<i32>} : memref<128x16xf32, #tpu.memory_space<vmem>>, vector<1x16xf32>,
    }
    %scan3A_7 = arith.constant 128 : i32
    %mul3A = arith.constant 640 : i32
    %mul3A_8 = arith.muli %arg1, %mul3A : i32
    %add3A = arith.constant 0 : i32
    %add3A_9 = arith.addi %mul3A_8, %add3A : i32
    "tpu.region"() ({
      %run_scoped3A = tpu.sem_alloc : memref<!tpu.dma_semaphore, #tpu.memory_space<semaphore_mem>>
      %dma_start3A = arith.constant 0 : i32
      %dma_start3A_39 = tpu.memref_slice %arg7[%add3A_9, %dma_start3A] : memref<10240x16xf32, #tpu.memory_space<vmem_shared>> -> memref<128x16xf32, #tpu.memory_space<vmem_shared>>
      %dma_start3A_40 = arith.constant 0 : i32
      %dma_start3A_41 = tpu.memref_slice %arg7[%add3A_9, %dma_start3A_40] : memref<10240x16xf32, #tpu.memory_space<vmem_shared>> -> memref<128x16xf32, #tpu.memory_space<vmem_shared>>
      tpu.enqueue_dma source(%arg6 : memref<128x16xf32, #tpu.memory_space<vmem>>) target(%dma_start3A_41 : memref<128x16xf32, #tpu.memory_space<vmem_shared>>) target_semaphore(%run_scoped3A : memref<!tpu.dma_semaphore, #tpu.memory_space<semaphore_mem>>)
      %dma_wait3A = arith.constant 0 : i32
      %dma_wait3A_42 = tpu.memref_slice %arg7[%add3A_9, %dma_wait3A] : memref<10240x16xf32, #tpu.memory_space<vmem_shared>> -> memref<128x16xf32, #tpu.memory_space<vmem_shared>>
      %dma_wait3A_43 = arith.constant 0 : i32
      %dma_wait3A_44 = tpu.memref_slice %arg7[%add3A_9, %dma_wait3A_43] : memref<10240x16xf32, #tpu.memory_space<vmem_shared>> -> memref<128x16xf32, #tpu.memory_space<vmem_shared>>
      tpu.wait_dma2 semaphore(%run_scoped3A : memref<!tpu.dma_semaphore, #tpu.memory_space<semaphore_mem>>) src(%arg6 : memref<128x16xf32, #tpu.memory_space<vmem>>) dst(%dma_wait3A_44 : memref<128x16xf32, #tpu.memory_space<vmem_shared>>)
      tpu.yield
    }) : () -> ()
    %mul3A_10 = arith.constant 640 : i32
    %mul3A_11 = arith.muli %arg1, %mul3A_10 : i32
    %add3A_12 = arith.constant 128 : i32
    %add3A_13 = arith.addi %mul3A_11, %add3A_12 : i32
    "tpu.region"() ({
      %run_scoped3A = tpu.sem_alloc : memref<!tpu.dma_semaphore, #tpu.memory_space<semaphore_mem>>
      %dma_start3A = arith.constant 0 : i32
      %dma_start3A_39 = tpu.memref_slice %arg7[%add3A_13, %dma_start3A] : memref<10240x16xf32, #tpu.memory_space<vmem_shared>> -> memref<128x16xf32, #tpu.memory_space<vmem_shared>>
      %dma_start3A_40 = arith.constant 0 : i32
      %dma_start3A_41 = tpu.memref_slice %arg7[%add3A_13, %dma_start3A_40] : memref<10240x16xf32, #tpu.memory_space<vmem_shared>> -> memref<128x16xf32, #tpu.memory_space<vmem_shared>>
      tpu.enqueue_dma source(%arg6 : memref<128x16xf32, #tpu.memory_space<vmem>>) target(%dma_start3A_41 : memref<128x16xf32, #tpu.memory_space<vmem_shared>>) target_semaphore(%run_scoped3A : memref<!tpu.dma_semaphore, #tpu.memory_space<semaphore_mem>>)
      %dma_wait3A = arith.constant 0 : i32
      %dma_wait3A_42 = tpu.memref_slice %arg7[%add3A_13, %dma_wait3A] : memref<10240x16xf32, #tpu.memory_space<vmem_shared>> -> memref<128x16xf32, #tpu.memory_space<vmem_shared>>
      %dma_wait3A_43 = arith.constant 0 : i32
      %dma_wait3A_44 = tpu.memref_slice %arg7[%add3A_13, %dma_wait3A_43] : memref<10240x16xf32, #tpu.memory_space<vmem_shared>> -> memref<128x16xf32, #tpu.memory_space<vmem_shared>>
      tpu.wait_dma2 semaphore(%run_scoped3A : memref<!tpu.dma_semaphore, #tpu.memory_space<semaphore_mem>>) src(%arg6 : memref<128x16xf32, #tpu.memory_space<vmem>>) dst(%dma_wait3A_44 : memref<128x16xf32, #tpu.memory_space<vmem_shared>>)
      tpu.yield
    }) : () -> ()
    %mul3A_14 = arith.constant 640 : i32
    %mul3A_15 = arith.muli %arg1, %mul3A_14 : i32
    %add3A_16 = arith.constant 256 : i32
    %add3A_17 = arith.addi %mul3A_15, %add3A_16 : i32
    "tpu.region"() ({
      %run_scoped3A = tpu.sem_alloc : memref<!tpu.dma_semaphore, #tpu.memory_space<semaphore_mem>>
      %dma_start3A = arith.constant 0 : i32
      %dma_start3A_39 = tpu.memref_slice %arg7[%add3A_17, %dma_start3A] : memref<10240x16xf32, #tpu.memory_space<vmem_shared>> -> memref<128x16xf32, #tpu.memory_space<vmem_shared>>
      %dma_start3A_40 = arith.constant 0 : i32
      %dma_start3A_41 = tpu.memref_slice %arg7[%add3A_17, %dma_start3A_40] : memref<10240x16xf32, #tpu.memory_space<vmem_shared>> -> memref<128x16xf32, #tpu.memory_space<vmem_shared>>
      tpu.enqueue_dma source(%arg6 : memref<128x16xf32, #tpu.memory_space<vmem>>) target(%dma_start3A_41 : memref<128x16xf32, #tpu.memory_space<vmem_shared>>) target_semaphore(%run_scoped3A : memref<!tpu.dma_semaphore, #tpu.memory_space<semaphore_mem>>)
      %dma_wait3A = arith.constant 0 : i32
      %dma_wait3A_42 = tpu.memref_slice %arg7[%add3A_17, %dma_wait3A] : memref<10240x16xf32, #tpu.memory_space<vmem_shared>> -> memref<128x16xf32, #tpu.memory_space<vmem_shared>>
      %dma_wait3A_43 = arith.constant 0 : i32
      %dma_wait3A_44 = tpu.memref_slice %arg7[%add3A_17, %dma_wait3A_43] : memref<10240x16xf32, #tpu.memory_space<vmem_shared>> -> memref<128x16xf32, #tpu.memory_space<vmem_shared>>
      tpu.wait_dma2 semaphore(%run_scoped3A : memref<!tpu.dma_semaphore, #tpu.memory_space<semaphore_mem>>) src(%arg6 : memref<128x16xf32, #tpu.memory_space<vmem>>) dst(%dma_wait3A_44 : memref<128x16xf32, #tpu.memory_space<vmem_shared>>)
      tpu.yield
    }) : () -> ()
    %mul3A_18 = arith.constant 640 : i32
    %mul3A_19 = arith.muli %arg1, %mul3A_18 : i32
    %add3A_20 = arith.constant 384 : i32
    %add3A_21 = arith.addi %mul3A_19, %add3A_20 : i32
    "tpu.region"() ({
      %run_scoped3A = tpu.sem_alloc : memref<!tpu.dma_semaphore, #tpu.memory_space<semaphore_mem>>
      %dma_start3A = arith.constant 0 : i32
      %dma_start3A_39 = tpu.memref_slice %arg7[%add3A_21, %dma_start3A] : memref<10240x16xf32, #tpu.memory_space<vmem_shared>> -> memref<128x16xf32, #tpu.memory_space<vmem_shared>>
      %dma_start3A_40 = arith.constant 0 : i32
      %dma_start3A_41 = tpu.memref_slice %arg7[%add3A_21, %dma_start3A_40] : memref<10240x16xf32, #tpu.memory_space<vmem_shared>> -> memref<128x16xf32, #tpu.memory_space<vmem_shared>>
      tpu.enqueue_dma source(%arg6 : memref<128x16xf32, #tpu.memory_space<vmem>>) target(%dma_start3A_41 : memref<128x16xf32, #tpu.memory_space<vmem_shared>>) target_semaphore(%run_scoped3A : memref<!tpu.dma_semaphore, #tpu.memory_space<semaphore_mem>>)
      %dma_wait3A = arith.constant 0 : i32
      %dma_wait3A_42 = tpu.memref_slice %arg7[%add3A_21, %dma_wait3A] : memref<10240x16xf32, #tpu.memory_space<vmem_shared>> -> memref<128x16xf32, #tpu.memory_space<vmem_shared>>
      %dma_wait3A_43 = arith.constant 0 : i32
      %dma_wait3A_44 = tpu.memref_slice %arg7[%add3A_21, %dma_wait3A_43] : memref<10240x16xf32, #tpu.memory_space<vmem_shared>> -> memref<128x16xf32, #tpu.memory_space<vmem_shared>>
      tpu.wait_dma2 semaphore(%run_scoped3A : memref<!tpu.dma_semaphore, #tpu.memory_space<semaphore_mem>>) src(%arg6 : memref<128x16xf32, #tpu.memory_space<vmem>>) dst(%dma_wait3A_44 : memref<128x16xf32, #tpu.memory_space<vmem_shared>>)
      tpu.yield
    }) : () -> ()
    %mul3A_22 = arith.constant 640 : i32
    %mul3A_23 = arith.muli %arg1, %mul3A_22 : i32
    %add3A_24 = arith.constant 512 : i32
    %add3A_25 = arith.addi %mul3A_23, %add3A_24 : i32
    "tpu.region"() ({
      %run_scoped3A = tpu.sem_alloc : memref<!tpu.dma_semaphore, #tpu.memory_space<semaphore_mem>>
      %dma_start3A = arith.constant 0 : i32
      %dma_start3A_39 = tpu.memref_slice %arg7[%add3A_25, %dma_start3A] : memref<10240x16xf32, #tpu.memory_space<vmem_shared>> -> memref<128x16xf32, #tpu.memory_space<vmem_shared>>
      %dma_start3A_40 = arith.constant 0 : i32
      %dma_start3A_41 = tpu.memref_slice %arg7[%add3A_25, %dma_start3A_40] : memref<10240x16xf32, #tpu.memory_space<vmem_shared>> -> memref<128x16xf32, #tpu.memory_space<vmem_shared>>
      tpu.enqueue_dma source(%arg6 : memref<128x16xf32, #tpu.memory_space<vmem>>) target(%dma_start3A_41 : memref<128x16xf32, #tpu.memory_space<vmem_shared>>) target_semaphore(%run_scoped3A : memref<!tpu.dma_semaphore, #tpu.memory_space<semaphore_mem>>)
      %dma_wait3A = arith.constant 0 : i32
      %dma_wait3A_42 = tpu.memref_slice %arg7[%add3A_25, %dma_wait3A] : memref<10240x16xf32, #tpu.memory_space<vmem_shared>> -> memref<128x16xf32, #tpu.memory_space<vmem_shared>>
      %dma_wait3A_43 = arith.constant 0 : i32
      %dma_wait3A_44 = tpu.memref_slice %arg7[%add3A_25, %dma_wait3A_43] : memref<10240x16xf32, #tpu.memory_space<vmem_shared>> -> memref<128x16xf32, #tpu.memory_space<vmem_shared>>
      tpu.wait_dma2 semaphore(%run_scoped3A : memref<!tpu.dma_semaphore, #tpu.memory_space<semaphore_mem>>) src(%arg6 : memref<128x16xf32, #tpu.memory_space<vmem>>) dst(%dma_wait3A_44 : memref<128x16xf32, #tpu.memory_space<vmem_shared>>)
      tpu.yield
    }) : () -> ()
    %mul3A_26 = arith.constant 80 : i32
    %mul3A_27 = arith.muli %arg0, %mul3A_26 : i32
    "tpu.region"() ({
      %run_scoped3A = tpu.sem_alloc : memref<!tpu.dma_semaphore, #tpu.memory_space<semaphore_mem>>
      %dma_start3A = arith.constant 0 : i32
      %dma_start3A_39 = arith.constant 0 : i32
      %dma_start3A_40 = tpu.memref_slice %arg2[%arg1, %dma_start3A, %dma_start3A_39] : memref<16x160x128xi32, #tpu.memory_space<hbm>> -> memref<1x160x128xi32, #tpu.memory_space<hbm>>
      %dma_start3A_41 = tpu.memref_squeeze %dma_start3A_40 : memref<1x160x128xi32, #tpu.memory_space<hbm>> -> memref<160x128xi32, #tpu.memory_space<hbm>>
      %dma_start3A_42 = arith.constant 0 : i32
      %dma_start3A_43 = tpu.memref_slice %dma_start3A_41[%mul3A_27, %dma_start3A_42] : memref<160x128xi32, #tpu.memory_space<hbm>> -> memref<80x128xi32, #tpu.memory_space<hbm>>
      %dma_start3A_44 = arith.constant 0 : i32
      %dma_start3A_45 = arith.constant 0 : i32
      %dma_start3A_46 = tpu.memref_slice %arg2[%arg1, %dma_start3A_44, %dma_start3A_45] : memref<16x160x128xi32, #tpu.memory_space<hbm>> -> memref<1x160x128xi32, #tpu.memory_space<hbm>>
      %dma_start3A_47 = tpu.memref_squeeze %dma_start3A_46 : memref<1x160x128xi32, #tpu.memory_space<hbm>> -> memref<160x128xi32, #tpu.memory_space<hbm>>
      %dma_start3A_48 = arith.constant 0 : i32
      %dma_start3A_49 = tpu.memref_slice %dma_start3A_47[%mul3A_27, %dma_start3A_48] : memref<160x128xi32, #tpu.memory_space<hbm>> -> memref<80x128xi32, #tpu.memory_space<hbm>>
      tpu.enqueue_dma source(%dma_start3A_49 : memref<80x128xi32, #tpu.memory_space<hbm>>) target(%arg4 : memref<80x128xi32, #tpu.memory_space<vmem>>) target_semaphore(%run_scoped3A : memref<!tpu.dma_semaphore, #tpu.memory_space<semaphore_mem>>)
      %dma_wait3A = arith.constant 0 : i32
      %dma_wait3A_50 = arith.constant 0 : i32
      %dma_wait3A_51 = tpu.memref_slice %arg2[%arg1, %dma_wait3A, %dma_wait3A_50] : memref<16x160x128xi32, #tpu.memory_space<hbm>> -> memref<1x160x128xi32, #tpu.memory_space<hbm>>
      %dma_wait3A_52 = tpu.memref_squeeze %dma_wait3A_51 : memref<1x160x128xi32, #tpu.memory_space<hbm>> -> memref<160x128xi32, #tpu.memory_space<hbm>>
      %dma_wait3A_53 = arith.constant 0 : i32
      %dma_wait3A_54 = tpu.memref_slice %dma_wait3A_52[%mul3A_27, %dma_wait3A_53] : memref<160x128xi32, #tpu.memory_space<hbm>> -> memref<80x128xi32, #tpu.memory_space<hbm>>
      %dma_wait3A_55 = arith.constant 0 : i32
      %dma_wait3A_56 = arith.constant 0 : i32
      %dma_wait3A_57 = tpu.memref_slice %arg2[%arg1, %dma_wait3A_55, %dma_wait3A_56] : memref<16x160x128xi32, #tpu.memory_space<hbm>> -> memref<1x160x128xi32, #tpu.memory_space<hbm>>
      %dma_wait3A_58 = tpu.memref_squeeze %dma_wait3A_57 : memref<1x160x128xi32, #tpu.memory_space<hbm>> -> memref<160x128xi32, #tpu.memory_space<hbm>>
      %dma_wait3A_59 = arith.constant 0 : i32
      %dma_wait3A_60 = tpu.memref_slice %dma_wait3A_58[%mul3A_27, %dma_wait3A_59] : memref<160x128xi32, #tpu.memory_space<hbm>> -> memref<80x128xi32, #tpu.memory_space<hbm>>
      tpu.wait_dma2 semaphore(%run_scoped3A : memref<!tpu.dma_semaphore, #tpu.memory_space<semaphore_mem>>) src(%dma_wait3A_60 : memref<80x128xi32, #tpu.memory_space<hbm>>) dst(%arg4 : memref<80x128xi32, #tpu.memory_space<vmem>>)
      tpu.yield
    }) : () -> ()
    %barrier3A = arith.constant 0 : index
    tpu.barrier barrier_id(%barrier3A)
    %scan3A_28 = arith.constant 0 : i32
    %scan3A_29 = arith.constant 0 : i32
    %scan3A_30 = arith.constant 80 : i32
    %scan3A_31 = arith.addi %scan3A_29, %scan3A_30 : i32
    %scan3A_32 = arith.constant 1 : i32
    scf.for %scan3A_39 = %scan3A_29 to %scan3A_31 step %scan3A_32  : i32 {
      "tpu.region"() ({
        %run_scoped3A = tpu.sem_alloc : memref<!tpu.dma_semaphore, #tpu.memory_space<semaphore_mem>>
        %dma_start3A = arith.constant 0 : i32
        %dma_start3A_40 = tpu.memref_slice %arg4[%scan3A_39, %dma_start3A] : memref<80x128xi32, #tpu.memory_space<vmem>> -> memref<1x128xi32, #tpu.memory_space<vmem>>
        %dma_start3A_41 = tpu.memref_squeeze %dma_start3A_40 : memref<1x128xi32, #tpu.memory_space<vmem>> -> memref<128xi32, #tpu.memory_space<vmem>>
        %dma_start3A_42 = arith.constant 0 : i32
        %dma_start3A_43 = arith.constant 0 : i32
        %dma_start3A_44 = tpu.memref_slice %arg7[%dma_start3A_42, %dma_start3A_43] : memref<10240x16xf32, #tpu.memory_space<vmem_shared>> -> memref<10240x16xf32, #tpu.memory_space<vmem_shared>>
        tpu.enqueue_indirect_dma source(%arg5 : memref<128x16xf32, #tpu.memory_space<vmem>>) target(%dma_start3A_44 : memref<10240x16xf32, #tpu.memory_space<vmem_shared>>) offsets(%dma_start3A_41 : memref<128xi32, #tpu.memory_space<vmem>>) semaphore(%run_scoped3A : memref<!tpu.dma_semaphore, #tpu.memory_space<semaphore_mem>>) {add = true}
        %dma_wait3A = arith.constant 0 : i32
        %dma_wait3A_45 = tpu.memref_slice %arg4[%scan3A_39, %dma_wait3A] : memref<80x128xi32, #tpu.memory_space<vmem>> -> memref<1x128xi32, #tpu.memory_space<vmem>>
        %dma_wait3A_46 = tpu.memref_squeeze %dma_wait3A_45 : memref<1x128xi32, #tpu.memory_space<vmem>> -> memref<128xi32, #tpu.memory_space<vmem>>
        %dma_wait3A_47 = arith.constant 0 : i32
        %dma_wait3A_48 = arith.constant 0 : i32
        %dma_wait3A_49 = tpu.memref_slice %arg7[%dma_wait3A_47, %dma_wait3A_48] : memref<10240x16xf32, #tpu.memory_space<vmem_shared>> -> memref<10240x16xf32, #tpu.memory_space<vmem_shared>>
        tpu.wait_indirect_dma semaphore(%run_scoped3A : memref<!tpu.dma_semaphore, #tpu.memory_space<semaphore_mem>>) src(%arg5 : memref<128x16xf32, #tpu.memory_space<vmem>>) dst(%dma_wait3A_49 : memref<10240x16xf32, #tpu.memory_space<vmem_shared>>)
        tpu.yield
      }) : () -> ()
    }
    %scan3A_33 = arith.constant 80 : i32
    %barrier3A_34 = arith.constant 0 : index
    tpu.barrier barrier_id(%barrier3A_34)
    %mul3A_35 = arith.constant 640 : i32
    %mul3A_36 = arith.muli %arg1, %mul3A_35 : i32
    %mul3A_37 = arith.constant 640 : i32
    %mul3A_38 = arith.muli %arg1, %mul3A_37 : i32
    "tpu.region"() ({
      %run_scoped3A = tpu.sem_alloc : memref<!tpu.dma_semaphore, #tpu.memory_space<semaphore_mem>>
      %dma_start3A = arith.constant 0 : i32
      %dma_start3A_39 = arith.constant 0 : i32
      %dma_start3A_40 = tpu.memref_slice %arg3[%arg0, %dma_start3A, %dma_start3A_39] : memref<2x10240x16xf32, #tpu.memory_space<hbm>> -> memref<1x10240x16xf32, #tpu.memory_space<hbm>>
      %dma_start3A_41 = tpu.memref_squeeze %dma_start3A_40 : memref<1x10240x16xf32, #tpu.memory_space<hbm>> -> memref<10240x16xf32, #tpu.memory_space<hbm>>
      %dma_start3A_42 = arith.constant 0 : i32
      %dma_start3A_43 = tpu.memref_slice %dma_start3A_41[%mul3A_38, %dma_start3A_42] : memref<10240x16xf32, #tpu.memory_space<hbm>> -> memref<640x16xf32, #tpu.memory_space<hbm>>
      %dma_start3A_44 = arith.constant 0 : i32
      %dma_start3A_45 = tpu.memref_slice %arg7[%mul3A_36, %dma_start3A_44] : memref<10240x16xf32, #tpu.memory_space<vmem_shared>> -> memref<640x16xf32, #tpu.memory_space<vmem_shared>>
      tpu.enqueue_dma source(%dma_start3A_45 : memref<640x16xf32, #tpu.memory_space<vmem_shared>>) target(%dma_start3A_43 : memref<640x16xf32, #tpu.memory_space<hbm>>) target_semaphore(%run_scoped3A : memref<!tpu.dma_semaphore, #tpu.memory_space<semaphore_mem>>)
      %dma_wait3A = arith.constant 0 : i32
      %dma_wait3A_46 = arith.constant 0 : i32
      %dma_wait3A_47 = tpu.memref_slice %arg3[%arg0, %dma_wait3A, %dma_wait3A_46] : memref<2x10240x16xf32, #tpu.memory_space<hbm>> -> memref<1x10240x16xf32, #tpu.memory_space<hbm>>
      %dma_wait3A_48 = tpu.memref_squeeze %dma_wait3A_47 : memref<1x10240x16xf32, #tpu.memory_space<hbm>> -> memref<10240x16xf32, #tpu.memory_space<hbm>>
      %dma_wait3A_49 = arith.constant 0 : i32
      %dma_wait3A_50 = tpu.memref_slice %dma_wait3A_48[%mul3A_38, %dma_wait3A_49] : memref<10240x16xf32, #tpu.memory_space<hbm>> -> memref<640x16xf32, #tpu.memory_space<hbm>>
      %dma_wait3A_51 = arith.constant 0 : i32
      %dma_wait3A_52 = tpu.memref_slice %arg7[%mul3A_36, %dma_wait3A_51] : memref<10240x16xf32, #tpu.memory_space<vmem_shared>> -> memref<640x16xf32, #tpu.memory_space<vmem_shared>>
      tpu.wait_dma2 semaphore(%run_scoped3A : memref<!tpu.dma_semaphore, #tpu.memory_space<semaphore_mem>>) src(%dma_wait3A_52 : memref<640x16xf32, #tpu.memory_space<vmem_shared>>) dst(%dma_wait3A_50 : memref<640x16xf32, #tpu.memory_space<hbm>>)
      tpu.yield
    }) : () -> ()
    return
  }
}

#map = affine_map<(d0, d1) -> (0, 0, 0)>
#map1 = affine_map<(d0, d1) -> (0, 0)>
module attributes {stable_mosaic.version = 14 : i64} {
  func.func @scat_kernel(%arg0: i32, %arg1: i32, %arg2: memref<16x160x128xi32, #tpu.memory_space<hbm>>, %arg3: memref<16x160x128xi32, #tpu.memory_space<hbm>>, %arg4: memref<10000x128xf32, #tpu.memory_space<hbm>>, %arg5: memref<2x5120x128xf32, #tpu.memory_space<hbm>>, %arg6: memref<160x128xi32, #tpu.memory_space<vmem>>, %arg7: memref<160x128xi32, #tpu.memory_space<vmem>>, %arg8: memref<128x128xf32, #tpu.memory_space<vmem>>, %arg9: memref<128x128xf32, #tpu.memory_space<vmem>>, %arg10: memref<!tpu.dma_semaphore, #tpu.memory_space<semaphore_mem>>, %arg11: memref<5248x128xf32, #tpu.memory_space<vmem_shared>>) attributes {dimension_semantics = [#tpu.dimension_semantics<core_parallel>, #tpu.dimension_semantics<subcore_parallel>], iteration_bounds = array<i64: 2, 16>, scalar_prefetch = 0 : i64, scratch_operands = 6 : i64, tpu.core_type = #tpu.core_type<sc_vector_subcore>, window_params = [{transform_indices = #map}, {transform_indices = #map}, {transform_indices = #map1}, {transform_indices = #map}]} {
    %broadcast_in_dim3A = arith.constant 0.000000e+00 : f32
    %broadcast_in_dim3A_0 = vector.broadcast %broadcast_in_dim3A : f32 to vector<16xf32>
    %scan3A = arith.constant 0 : i32
    %scan3A_1 = arith.constant 0 : i32
    %scan3A_2 = arith.constant 128 : i32
    %scan3A_3 = arith.addi %scan3A_1, %scan3A_2 : i32
    %scan3A_4 = arith.constant 1 : i32
    scf.for %scan3A_31 = %scan3A_1 to %scan3A_3 step %scan3A_4  : i32 {
      %swap3A = arith.index_cast %scan3A_31 : i32 to index
      %swap3A_32 = arith.constant 0 : index
      %swap3A_33 = tpu.vector_load %arg8[%swap3A, %swap3A_32] {strides = array<i32>} : memref<128x128xf32, #tpu.memory_space<vmem>>, vector<1x16xf32>,
      %swap3A_34 = vector.shape_cast %swap3A_33 : vector<1x16xf32> to vector<16xf32>
      %swap3A_35 = vector.shape_cast %broadcast_in_dim3A_0 : vector<16xf32> to vector<1x16xf32>
      tpu.vector_store %arg8[%swap3A, %swap3A_32], %swap3A_35 {strides = array<i32>} : memref<128x128xf32, #tpu.memory_space<vmem>>, vector<1x16xf32>,
      %swap3A_36 = arith.index_cast %scan3A_31 : i32 to index
      %swap3A_37 = arith.constant 16 : index
      %swap3A_38 = tpu.vector_load %arg8[%swap3A_36, %swap3A_37] {strides = array<i32>} : memref<128x128xf32, #tpu.memory_space<vmem>>, vector<1x16xf32>,
      %swap3A_39 = vector.shape_cast %swap3A_38 : vector<1x16xf32> to vector<16xf32>
      %swap3A_40 = vector.shape_cast %broadcast_in_dim3A_0 : vector<16xf32> to vector<1x16xf32>
      tpu.vector_store %arg8[%swap3A_36, %swap3A_37], %swap3A_40 {strides = array<i32>} : memref<128x128xf32, #tpu.memory_space<vmem>>, vector<1x16xf32>,
      %swap3A_41 = arith.index_cast %scan3A_31 : i32 to index
      %swap3A_42 = arith.constant 32 : index
      %swap3A_43 = tpu.vector_load %arg8[%swap3A_41, %swap3A_42] {strides = array<i32>} : memref<128x128xf32, #tpu.memory_space<vmem>>, vector<1x16xf32>,
      %swap3A_44 = vector.shape_cast %swap3A_43 : vector<1x16xf32> to vector<16xf32>
      %swap3A_45 = vector.shape_cast %broadcast_in_dim3A_0 : vector<16xf32> to vector<1x16xf32>
      tpu.vector_store %arg8[%swap3A_41, %swap3A_42], %swap3A_45 {strides = array<i32>} : memref<128x128xf32, #tpu.memory_space<vmem>>, vector<1x16xf32>,
      %swap3A_46 = arith.index_cast %scan3A_31 : i32 to index
      %swap3A_47 = arith.constant 48 : index
      %swap3A_48 = tpu.vector_load %arg8[%swap3A_46, %swap3A_47] {strides = array<i32>} : memref<128x128xf32, #tpu.memory_space<vmem>>, vector<1x16xf32>,
      %swap3A_49 = vector.shape_cast %swap3A_48 : vector<1x16xf32> to vector<16xf32>
      %swap3A_50 = vector.shape_cast %broadcast_in_dim3A_0 : vector<16xf32> to vector<1x16xf32>
      tpu.vector_store %arg8[%swap3A_46, %swap3A_47], %swap3A_50 {strides = array<i32>} : memref<128x128xf32, #tpu.memory_space<vmem>>, vector<1x16xf32>,
      %swap3A_51 = arith.index_cast %scan3A_31 : i32 to index
      %swap3A_52 = arith.constant 64 : index
      %swap3A_53 = tpu.vector_load %arg8[%swap3A_51, %swap3A_52] {strides = array<i32>} : memref<128x128xf32, #tpu.memory_space<vmem>>, vector<1x16xf32>,
      %swap3A_54 = vector.shape_cast %swap3A_53 : vector<1x16xf32> to vector<16xf32>
      %swap3A_55 = vector.shape_cast %broadcast_in_dim3A_0 : vector<16xf32> to vector<1x16xf32>
      tpu.vector_store %arg8[%swap3A_51, %swap3A_52], %swap3A_55 {strides = array<i32>} : memref<128x128xf32, #tpu.memory_space<vmem>>, vector<1x16xf32>,
      %swap3A_56 = arith.index_cast %scan3A_31 : i32 to index
      %swap3A_57 = arith.constant 80 : index
      %swap3A_58 = tpu.vector_load %arg8[%swap3A_56, %swap3A_57] {strides = array<i32>} : memref<128x128xf32, #tpu.memory_space<vmem>>, vector<1x16xf32>,
      %swap3A_59 = vector.shape_cast %swap3A_58 : vector<1x16xf32> to vector<16xf32>
      %swap3A_60 = vector.shape_cast %broadcast_in_dim3A_0 : vector<16xf32> to vector<1x16xf32>
      tpu.vector_store %arg8[%swap3A_56, %swap3A_57], %swap3A_60 {strides = array<i32>} : memref<128x128xf32, #tpu.memory_space<vmem>>, vector<1x16xf32>,
      %swap3A_61 = arith.index_cast %scan3A_31 : i32 to index
      %swap3A_62 = arith.constant 96 : index
      %swap3A_63 = tpu.vector_load %arg8[%swap3A_61, %swap3A_62] {strides = array<i32>} : memref<128x128xf32, #tpu.memory_space<vmem>>, vector<1x16xf32>,
      %swap3A_64 = vector.shape_cast %swap3A_63 : vector<1x16xf32> to vector<16xf32>
      %swap3A_65 = vector.shape_cast %broadcast_in_dim3A_0 : vector<16xf32> to vector<1x16xf32>
      tpu.vector_store %arg8[%swap3A_61, %swap3A_62], %swap3A_65 {strides = array<i32>} : memref<128x128xf32, #tpu.memory_space<vmem>>, vector<1x16xf32>,
      %swap3A_66 = arith.index_cast %scan3A_31 : i32 to index
      %swap3A_67 = arith.constant 112 : index
      %swap3A_68 = tpu.vector_load %arg8[%swap3A_66, %swap3A_67] {strides = array<i32>} : memref<128x128xf32, #tpu.memory_space<vmem>>, vector<1x16xf32>,
      %swap3A_69 = vector.shape_cast %swap3A_68 : vector<1x16xf32> to vector<16xf32>
      %swap3A_70 = vector.shape_cast %broadcast_in_dim3A_0 : vector<16xf32> to vector<1x16xf32>
      tpu.vector_store %arg8[%swap3A_66, %swap3A_67], %swap3A_70 {strides = array<i32>} : memref<128x128xf32, #tpu.memory_space<vmem>>, vector<1x16xf32>,
    }
    %scan3A_5 = arith.constant 128 : i32
    %mul3A = arith.constant 328 : i32
    %mul3A_6 = arith.muli %arg1, %mul3A : i32
    %add3A = arith.constant 0 : i32
    %add3A_7 = arith.addi %mul3A_6, %add3A : i32
    "tpu.region"() ({
      %run_scoped3A = tpu.sem_alloc : memref<!tpu.dma_semaphore, #tpu.memory_space<semaphore_mem>>
      %dma_start3A = arith.constant 0 : i32
      %dma_start3A_31 = tpu.memref_slice %arg11[%add3A_7, %dma_start3A] : memref<5248x128xf32, #tpu.memory_space<vmem_shared>> -> memref<128x128xf32, #tpu.memory_space<vmem_shared>>
      %dma_start3A_32 = arith.constant 0 : i32
      %dma_start3A_33 = tpu.memref_slice %arg11[%add3A_7, %dma_start3A_32] : memref<5248x128xf32, #tpu.memory_space<vmem_shared>> -> memref<128x128xf32, #tpu.memory_space<vmem_shared>>
      tpu.enqueue_dma source(%arg8 : memref<128x128xf32, #tpu.memory_space<vmem>>) target(%dma_start3A_33 : memref<128x128xf32, #tpu.memory_space<vmem_shared>>) target_semaphore(%run_scoped3A : memref<!tpu.dma_semaphore, #tpu.memory_space<semaphore_mem>>)
      %dma_wait3A = arith.constant 0 : i32
      %dma_wait3A_34 = tpu.memref_slice %arg11[%add3A_7, %dma_wait3A] : memref<5248x128xf32, #tpu.memory_space<vmem_shared>> -> memref<128x128xf32, #tpu.memory_space<vmem_shared>>
      %dma_wait3A_35 = arith.constant 0 : i32
      %dma_wait3A_36 = tpu.memref_slice %arg11[%add3A_7, %dma_wait3A_35] : memref<5248x128xf32, #tpu.memory_space<vmem_shared>> -> memref<128x128xf32, #tpu.memory_space<vmem_shared>>
      tpu.wait_dma2 semaphore(%run_scoped3A : memref<!tpu.dma_semaphore, #tpu.memory_space<semaphore_mem>>) src(%arg8 : memref<128x128xf32, #tpu.memory_space<vmem>>) dst(%dma_wait3A_36 : memref<128x128xf32, #tpu.memory_space<vmem_shared>>)
      tpu.yield
    }) : () -> ()
    %add3A_8 = arith.constant 128 : i32
    %add3A_9 = arith.addi %mul3A_6, %add3A_8 : i32
    "tpu.region"() ({
      %run_scoped3A = tpu.sem_alloc : memref<!tpu.dma_semaphore, #tpu.memory_space<semaphore_mem>>
      %dma_start3A = arith.constant 0 : i32
      %dma_start3A_31 = tpu.memref_slice %arg11[%add3A_9, %dma_start3A] : memref<5248x128xf32, #tpu.memory_space<vmem_shared>> -> memref<128x128xf32, #tpu.memory_space<vmem_shared>>
      %dma_start3A_32 = arith.constant 0 : i32
      %dma_start3A_33 = tpu.memref_slice %arg11[%add3A_9, %dma_start3A_32] : memref<5248x128xf32, #tpu.memory_space<vmem_shared>> -> memref<128x128xf32, #tpu.memory_space<vmem_shared>>
      tpu.enqueue_dma source(%arg8 : memref<128x128xf32, #tpu.memory_space<vmem>>) target(%dma_start3A_33 : memref<128x128xf32, #tpu.memory_space<vmem_shared>>) target_semaphore(%run_scoped3A : memref<!tpu.dma_semaphore, #tpu.memory_space<semaphore_mem>>)
      %dma_wait3A = arith.constant 0 : i32
      %dma_wait3A_34 = tpu.memref_slice %arg11[%add3A_9, %dma_wait3A] : memref<5248x128xf32, #tpu.memory_space<vmem_shared>> -> memref<128x128xf32, #tpu.memory_space<vmem_shared>>
      %dma_wait3A_35 = arith.constant 0 : i32
      %dma_wait3A_36 = tpu.memref_slice %arg11[%add3A_9, %dma_wait3A_35] : memref<5248x128xf32, #tpu.memory_space<vmem_shared>> -> memref<128x128xf32, #tpu.memory_space<vmem_shared>>
      tpu.wait_dma2 semaphore(%run_scoped3A : memref<!tpu.dma_semaphore, #tpu.memory_space<semaphore_mem>>) src(%arg8 : memref<128x128xf32, #tpu.memory_space<vmem>>) dst(%dma_wait3A_36 : memref<128x128xf32, #tpu.memory_space<vmem_shared>>)
      tpu.yield
    }) : () -> ()
    %add3A_10 = arith.constant 256 : i32
    %add3A_11 = arith.addi %mul3A_6, %add3A_10 : i32
    "tpu.region"() ({
      %run_scoped3A = tpu.sem_alloc : memref<!tpu.dma_semaphore, #tpu.memory_space<semaphore_mem>>
      %dma_start3A = arith.constant 0 : i32
      %dma_start3A_31 = arith.constant 0 : i32
      %dma_start3A_32 = tpu.memref_slice %arg8[%dma_start3A, %dma_start3A_31] : memref<128x128xf32, #tpu.memory_space<vmem>> -> memref<72x128xf32, #tpu.memory_space<vmem>>
      %dma_start3A_33 = arith.constant 0 : i32
      %dma_start3A_34 = tpu.memref_slice %arg11[%add3A_11, %dma_start3A_33] : memref<5248x128xf32, #tpu.memory_space<vmem_shared>> -> memref<72x128xf32, #tpu.memory_space<vmem_shared>>
      %dma_start3A_35 = arith.constant 0 : i32
      %dma_start3A_36 = tpu.memref_slice %arg11[%add3A_11, %dma_start3A_35] : memref<5248x128xf32, #tpu.memory_space<vmem_shared>> -> memref<72x128xf32, #tpu.memory_space<vmem_shared>>
      %dma_start3A_37 = arith.constant 0 : i32
      %dma_start3A_38 = arith.constant 0 : i32
      %dma_start3A_39 = tpu.memref_slice %arg8[%dma_start3A_37, %dma_start3A_38] : memref<128x128xf32, #tpu.memory_space<vmem>> -> memref<72x128xf32, #tpu.memory_space<vmem>>
      tpu.enqueue_dma source(%dma_start3A_39 : memref<72x128xf32, #tpu.memory_space<vmem>>) target(%dma_start3A_36 : memref<72x128xf32, #tpu.memory_space<vmem_shared>>) target_semaphore(%run_scoped3A : memref<!tpu.dma_semaphore, #tpu.memory_space<semaphore_mem>>)
      %dma_wait3A = arith.constant 0 : i32
      %dma_wait3A_40 = arith.constant 0 : i32
      %dma_wait3A_41 = tpu.memref_slice %arg8[%dma_wait3A, %dma_wait3A_40] : memref<128x128xf32, #tpu.memory_space<vmem>> -> memref<72x128xf32, #tpu.memory_space<vmem>>
      %dma_wait3A_42 = arith.constant 0 : i32
      %dma_wait3A_43 = tpu.memref_slice %arg11[%add3A_11, %dma_wait3A_42] : memref<5248x128xf32, #tpu.memory_space<vmem_shared>> -> memref<72x128xf32, #tpu.memory_space<vmem_shared>>
      %dma_wait3A_44 = arith.constant 0 : i32
      %dma_wait3A_45 = tpu.memref_slice %arg11[%add3A_11, %dma_wait3A_44] : memref<5248x128xf32, #tpu.memory_space<vmem_shared>> -> memref<72x128xf32, #tpu.memory_space<vmem_shared>>
      %dma_wait3A_46 = arith.constant 0 : i32
      %dma_wait3A_47 = arith.constant 0 : i32
      %dma_wait3A_48 = tpu.memref_slice %arg8[%dma_wait3A_46, %dma_wait3A_47] : memref<128x128xf32, #tpu.memory_space<vmem>> -> memref<72x128xf32, #tpu.memory_space<vmem>>
      tpu.wait_dma2 semaphore(%run_scoped3A : memref<!tpu.dma_semaphore, #tpu.memory_space<semaphore_mem>>) src(%dma_wait3A_48 : memref<72x128xf32, #tpu.memory_space<vmem>>) dst(%dma_wait3A_45 : memref<72x128xf32, #tpu.memory_space<vmem_shared>>)
      tpu.yield
    }) : () -> ()
    "tpu.region"() ({
      %run_scoped3A = tpu.sem_alloc : memref<!tpu.dma_semaphore, #tpu.memory_space<semaphore_mem>>
      %dma_start3A = arith.constant 0 : i32
      %dma_start3A_31 = arith.constant 0 : i32
      %dma_start3A_32 = tpu.memref_slice %arg2[%arg1, %dma_start3A, %dma_start3A_31] : memref<16x160x128xi32, #tpu.memory_space<hbm>> -> memref<1x160x128xi32, #tpu.memory_space<hbm>>
      %dma_start3A_33 = tpu.memref_squeeze %dma_start3A_32 : memref<1x160x128xi32, #tpu.memory_space<hbm>> -> memref<160x128xi32, #tpu.memory_space<hbm>>
      %dma_start3A_34 = arith.constant 0 : i32
      %dma_start3A_35 = arith.constant 0 : i32
      %dma_start3A_36 = tpu.memref_slice %arg2[%arg1, %dma_start3A_34, %dma_start3A_35] : memref<16x160x128xi32, #tpu.memory_space<hbm>> -> memref<1x160x128xi32, #tpu.memory_space<hbm>>
      %dma_start3A_37 = tpu.memref_squeeze %dma_start3A_36 : memref<1x160x128xi32, #tpu.memory_space<hbm>> -> memref<160x128xi32, #tpu.memory_space<hbm>>
      tpu.enqueue_dma source(%dma_start3A_37 : memref<160x128xi32, #tpu.memory_space<hbm>>) target(%arg6 : memref<160x128xi32, #tpu.memory_space<vmem>>) target_semaphore(%run_scoped3A : memref<!tpu.dma_semaphore, #tpu.memory_space<semaphore_mem>>)
      %dma_wait3A = arith.constant 0 : i32
      %dma_wait3A_38 = arith.constant 0 : i32
      %dma_wait3A_39 = tpu.memref_slice %arg2[%arg1, %dma_wait3A, %dma_wait3A_38] : memref<16x160x128xi32, #tpu.memory_space<hbm>> -> memref<1x160x128xi32, #tpu.memory_space<hbm>>
      %dma_wait3A_40 = tpu.memref_squeeze %dma_wait3A_39 : memref<1x160x128xi32, #tpu.memory_space<hbm>> -> memref<160x128xi32, #tpu.memory_space<hbm>>
      %dma_wait3A_41 = arith.constant 0 : i32
      %dma_wait3A_42 = arith.constant 0 : i32
      %dma_wait3A_43 = tpu.memref_slice %arg2[%arg1, %dma_wait3A_41, %dma_wait3A_42] : memref<16x160x128xi32, #tpu.memory_space<hbm>> -> memref<1x160x128xi32, #tpu.memory_space<hbm>>
      %dma_wait3A_44 = tpu.memref_squeeze %dma_wait3A_43 : memref<1x160x128xi32, #tpu.memory_space<hbm>> -> memref<160x128xi32, #tpu.memory_space<hbm>>
      tpu.wait_dma2 semaphore(%run_scoped3A : memref<!tpu.dma_semaphore, #tpu.memory_space<semaphore_mem>>) src(%dma_wait3A_44 : memref<160x128xi32, #tpu.memory_space<hbm>>) dst(%arg6 : memref<160x128xi32, #tpu.memory_space<vmem>>)
      tpu.yield
    }) : () -> ()
    "tpu.region"() ({
      %run_scoped3A = tpu.sem_alloc : memref<!tpu.dma_semaphore, #tpu.memory_space<semaphore_mem>>
      %dma_start3A = arith.constant 0 : i32
      %dma_start3A_31 = arith.constant 0 : i32
      %dma_start3A_32 = tpu.memref_slice %arg3[%arg1, %dma_start3A, %dma_start3A_31] : memref<16x160x128xi32, #tpu.memory_space<hbm>> -> memref<1x160x128xi32, #tpu.memory_space<hbm>>
      %dma_start3A_33 = tpu.memref_squeeze %dma_start3A_32 : memref<1x160x128xi32, #tpu.memory_space<hbm>> -> memref<160x128xi32, #tpu.memory_space<hbm>>
      %dma_start3A_34 = arith.constant 0 : i32
      %dma_start3A_35 = arith.constant 0 : i32
      %dma_start3A_36 = tpu.memref_slice %arg3[%arg1, %dma_start3A_34, %dma_start3A_35] : memref<16x160x128xi32, #tpu.memory_space<hbm>> -> memref<1x160x128xi32, #tpu.memory_space<hbm>>
      %dma_start3A_37 = tpu.memref_squeeze %dma_start3A_36 : memref<1x160x128xi32, #tpu.memory_space<hbm>> -> memref<160x128xi32, #tpu.memory_space<hbm>>
      tpu.enqueue_dma source(%dma_start3A_37 : memref<160x128xi32, #tpu.memory_space<hbm>>) target(%arg7 : memref<160x128xi32, #tpu.memory_space<vmem>>) target_semaphore(%run_scoped3A : memref<!tpu.dma_semaphore, #tpu.memory_space<semaphore_mem>>)
      %dma_wait3A = arith.constant 0 : i32
      %dma_wait3A_38 = arith.constant 0 : i32
      %dma_wait3A_39 = tpu.memref_slice %arg3[%arg1, %dma_wait3A, %dma_wait3A_38] : memref<16x160x128xi32, #tpu.memory_space<hbm>> -> memref<1x160x128xi32, #tpu.memory_space<hbm>>
      %dma_wait3A_40 = tpu.memref_squeeze %dma_wait3A_39 : memref<1x160x128xi32, #tpu.memory_space<hbm>> -> memref<160x128xi32, #tpu.memory_space<hbm>>
      %dma_wait3A_41 = arith.constant 0 : i32
      %dma_wait3A_42 = arith.constant 0 : i32
      %dma_wait3A_43 = tpu.memref_slice %arg3[%arg1, %dma_wait3A_41, %dma_wait3A_42] : memref<16x160x128xi32, #tpu.memory_space<hbm>> -> memref<1x160x128xi32, #tpu.memory_space<hbm>>
      %dma_wait3A_44 = tpu.memref_squeeze %dma_wait3A_43 : memref<1x160x128xi32, #tpu.memory_space<hbm>> -> memref<160x128xi32, #tpu.memory_space<hbm>>
      tpu.wait_dma2 semaphore(%run_scoped3A : memref<!tpu.dma_semaphore, #tpu.memory_space<semaphore_mem>>) src(%dma_wait3A_44 : memref<160x128xi32, #tpu.memory_space<hbm>>) dst(%arg7 : memref<160x128xi32, #tpu.memory_space<vmem>>)
      tpu.yield
    }) : () -> ()
    %mul3A_12 = arith.constant 5120 : i32
    %mul3A_13 = arith.muli %arg0, %mul3A_12 : i32
    %scan3A_14 = arith.constant 0 : i32
    %scan3A_15 = arith.constant 0 : i32
    %scan3A_16 = arith.constant 160 : i32
    %scan3A_17 = arith.addi %scan3A_15, %scan3A_16 : i32
    %scan3A_18 = arith.constant 1 : i32
    scf.for %scan3A_31 = %scan3A_15 to %scan3A_17 step %scan3A_18  : i32 {
      %get3A = arith.index_cast %scan3A_31 : i32 to index
      %get3A_32 = arith.constant 0 : index
      %get3A_33 = tpu.vector_load %arg7[%get3A, %get3A_32] {strides = array<i32>} : memref<160x128xi32, #tpu.memory_space<vmem>>, vector<1x16xi32>,
      %get3A_34 = vector.shape_cast %get3A_33 : vector<1x16xi32> to vector<16xi32>
      %sub3A = vector.broadcast %mul3A_13 : i32 to vector<16xi32>
      %sub3A_35 = arith.subi %get3A_34, %sub3A : vector<16xi32>
      %ge3A = arith.constant 0 : i32
      %ge3A_36 = vector.broadcast %ge3A : i32 to vector<16xi32>
      %ge3A_37 = arith.cmpi sge, %sub3A_35, %ge3A_36 : vector<16xi32>
      %lt3A = arith.constant 5120 : i32
      %lt3A_38 = vector.broadcast %lt3A : i32 to vector<16xi32>
      %lt3A_39 = arith.cmpi slt, %sub3A_35, %lt3A_38 : vector<16xi32>
      %and3A = arith.andi %ge3A_37, %lt3A_39 : vector<16xi1>
      %broadcast_in_dim3A_40 = arith.constant 5184 : i32
      %broadcast_in_dim3A_41 = vector.broadcast %broadcast_in_dim3A_40 : i32 to vector<16xi32>
      %select_n3A = arith.select %and3A, %sub3A_35, %broadcast_in_dim3A_41 : vector<16xi1>, vector<16xi32>
      %swap3A = arith.index_cast %scan3A_31 : i32 to index
      %swap3A_42 = arith.constant 0 : index
      %swap3A_43 = tpu.vector_load %arg7[%swap3A, %swap3A_42] {strides = array<i32>} : memref<160x128xi32, #tpu.memory_space<vmem>>, vector<1x16xi32>,
      %swap3A_44 = vector.shape_cast %swap3A_43 : vector<1x16xi32> to vector<16xi32>
      %swap3A_45 = vector.shape_cast %select_n3A : vector<16xi32> to vector<1x16xi32>
      tpu.vector_store %arg7[%swap3A, %swap3A_42], %swap3A_45 {strides = array<i32>} : memref<160x128xi32, #tpu.memory_space<vmem>>, vector<1x16xi32>,
      %get3A_46 = arith.index_cast %scan3A_31 : i32 to index
      %get3A_47 = arith.constant 16 : index
      %get3A_48 = tpu.vector_load %arg7[%get3A_46, %get3A_47] {strides = array<i32>} : memref<160x128xi32, #tpu.memory_space<vmem>>, vector<1x16xi32>,
      %get3A_49 = vector.shape_cast %get3A_48 : vector<1x16xi32> to vector<16xi32>
      %sub3A_50 = vector.broadcast %mul3A_13 : i32 to vector<16xi32>
      %sub3A_51 = arith.subi %get3A_49, %sub3A_50 : vector<16xi32>
      %ge3A_52 = arith.constant 0 : i32
      %ge3A_53 = vector.broadcast %ge3A_52 : i32 to vector<16xi32>
      %ge3A_54 = arith.cmpi sge, %sub3A_51, %ge3A_53 : vector<16xi32>
      %lt3A_55 = arith.constant 5120 : i32
      %lt3A_56 = vector.broadcast %lt3A_55 : i32 to vector<16xi32>
      %lt3A_57 = arith.cmpi slt, %sub3A_51, %lt3A_56 : vector<16xi32>
      %and3A_58 = arith.andi %ge3A_54, %lt3A_57 : vector<16xi1>
      %broadcast_in_dim3A_59 = arith.constant 5184 : i32
      %broadcast_in_dim3A_60 = vector.broadcast %broadcast_in_dim3A_59 : i32 to vector<16xi32>
      %select_n3A_61 = arith.select %and3A_58, %sub3A_51, %broadcast_in_dim3A_60 : vector<16xi1>, vector<16xi32>
      %swap3A_62 = arith.index_cast %scan3A_31 : i32 to index
      %swap3A_63 = arith.constant 16 : index
      %swap3A_64 = tpu.vector_load %arg7[%swap3A_62, %swap3A_63] {strides = array<i32>} : memref<160x128xi32, #tpu.memory_space<vmem>>, vector<1x16xi32>,
      %swap3A_65 = vector.shape_cast %swap3A_64 : vector<1x16xi32> to vector<16xi32>
      %swap3A_66 = vector.shape_cast %select_n3A_61 : vector<16xi32> to vector<1x16xi32>
      tpu.vector_store %arg7[%swap3A_62, %swap3A_63], %swap3A_66 {strides = array<i32>} : memref<160x128xi32, #tpu.memory_space<vmem>>, vector<1x16xi32>,
      %get3A_67 = arith.index_cast %scan3A_31 : i32 to index
      %get3A_68 = arith.constant 32 : index
      %get3A_69 = tpu.vector_load %arg7[%get3A_67, %get3A_68] {strides = array<i32>} : memref<160x128xi32, #tpu.memory_space<vmem>>, vector<1x16xi32>,
      %get3A_70 = vector.shape_cast %get3A_69 : vector<1x16xi32> to vector<16xi32>
      %sub3A_71 = vector.broadcast %mul3A_13 : i32 to vector<16xi32>
      %sub3A_72 = arith.subi %get3A_70, %sub3A_71 : vector<16xi32>
      %ge3A_73 = arith.constant 0 : i32
      %ge3A_74 = vector.broadcast %ge3A_73 : i32 to vector<16xi32>
      %ge3A_75 = arith.cmpi sge, %sub3A_72, %ge3A_74 : vector<16xi32>
      %lt3A_76 = arith.constant 5120 : i32
      %lt3A_77 = vector.broadcast %lt3A_76 : i32 to vector<16xi32>
      %lt3A_78 = arith.cmpi slt, %sub3A_72, %lt3A_77 : vector<16xi32>
      %and3A_79 = arith.andi %ge3A_75, %lt3A_78 : vector<16xi1>
      %broadcast_in_dim3A_80 = arith.constant 5184 : i32
      %broadcast_in_dim3A_81 = vector.broadcast %broadcast_in_dim3A_80 : i32 to vector<16xi32>
      %select_n3A_82 = arith.select %and3A_79, %sub3A_72, %broadcast_in_dim3A_81 : vector<16xi1>, vector<16xi32>
      %swap3A_83 = arith.index_cast %scan3A_31 : i32 to index
      %swap3A_84 = arith.constant 32 : index
      %swap3A_85 = tpu.vector_load %arg7[%swap3A_83, %swap3A_84] {strides = array<i32>} : memref<160x128xi32, #tpu.memory_space<vmem>>, vector<1x16xi32>,
      %swap3A_86 = vector.shape_cast %swap3A_85 : vector<1x16xi32> to vector<16xi32>
      %swap3A_87 = vector.shape_cast %select_n3A_82 : vector<16xi32> to vector<1x16xi32>
      tpu.vector_store %arg7[%swap3A_83, %swap3A_84], %swap3A_87 {strides = array<i32>} : memref<160x128xi32, #tpu.memory_space<vmem>>, vector<1x16xi32>,
      %get3A_88 = arith.index_cast %scan3A_31 : i32 to index
      %get3A_89 = arith.constant 48 : index
      %get3A_90 = tpu.vector_load %arg7[%get3A_88, %get3A_89] {strides = array<i32>} : memref<160x128xi32, #tpu.memory_space<vmem>>, vector<1x16xi32>,
      %get3A_91 = vector.shape_cast %get3A_90 : vector<1x16xi32> to vector<16xi32>
      %sub3A_92 = vector.broadcast %mul3A_13 : i32 to vector<16xi32>
      %sub3A_93 = arith.subi %get3A_91, %sub3A_92 : vector<16xi32>
      %ge3A_94 = arith.constant 0 : i32
      %ge3A_95 = vector.broadcast %ge3A_94 : i32 to vector<16xi32>
      %ge3A_96 = arith.cmpi sge, %sub3A_93, %ge3A_95 : vector<16xi32>
      %lt3A_97 = arith.constant 5120 : i32
      %lt3A_98 = vector.broadcast %lt3A_97 : i32 to vector<16xi32>
      %lt3A_99 = arith.cmpi slt, %sub3A_93, %lt3A_98 : vector<16xi32>
      %and3A_100 = arith.andi %ge3A_96, %lt3A_99 : vector<16xi1>
      %broadcast_in_dim3A_101 = arith.constant 5184 : i32
      %broadcast_in_dim3A_102 = vector.broadcast %broadcast_in_dim3A_101 : i32 to vector<16xi32>
      %select_n3A_103 = arith.select %and3A_100, %sub3A_93, %broadcast_in_dim3A_102 : vector<16xi1>, vector<16xi32>
      %swap3A_104 = arith.index_cast %scan3A_31 : i32 to index
      %swap3A_105 = arith.constant 48 : index
      %swap3A_106 = tpu.vector_load %arg7[%swap3A_104, %swap3A_105] {strides = array<i32>} : memref<160x128xi32, #tpu.memory_space<vmem>>, vector<1x16xi32>,
      %swap3A_107 = vector.shape_cast %swap3A_106 : vector<1x16xi32> to vector<16xi32>
      %swap3A_108 = vector.shape_cast %select_n3A_103 : vector<16xi32> to vector<1x16xi32>
      tpu.vector_store %arg7[%swap3A_104, %swap3A_105], %swap3A_108 {strides = array<i32>} : memref<160x128xi32, #tpu.memory_space<vmem>>, vector<1x16xi32>,
      %get3A_109 = arith.index_cast %scan3A_31 : i32 to index
      %get3A_110 = arith.constant 64 : index
      %get3A_111 = tpu.vector_load %arg7[%get3A_109, %get3A_110] {strides = array<i32>} : memref<160x128xi32, #tpu.memory_space<vmem>>, vector<1x16xi32>,
      %get3A_112 = vector.shape_cast %get3A_111 : vector<1x16xi32> to vector<16xi32>
      %sub3A_113 = vector.broadcast %mul3A_13 : i32 to vector<16xi32>
      %sub3A_114 = arith.subi %get3A_112, %sub3A_113 : vector<16xi32>
      %ge3A_115 = arith.constant 0 : i32
      %ge3A_116 = vector.broadcast %ge3A_115 : i32 to vector<16xi32>
      %ge3A_117 = arith.cmpi sge, %sub3A_114, %ge3A_116 : vector<16xi32>
      %lt3A_118 = arith.constant 5120 : i32
      %lt3A_119 = vector.broadcast %lt3A_118 : i32 to vector<16xi32>
      %lt3A_120 = arith.cmpi slt, %sub3A_114, %lt3A_119 : vector<16xi32>
      %and3A_121 = arith.andi %ge3A_117, %lt3A_120 : vector<16xi1>
      %broadcast_in_dim3A_122 = arith.constant 5184 : i32
      %broadcast_in_dim3A_123 = vector.broadcast %broadcast_in_dim3A_122 : i32 to vector<16xi32>
      %select_n3A_124 = arith.select %and3A_121, %sub3A_114, %broadcast_in_dim3A_123 : vector<16xi1>, vector<16xi32>
      %swap3A_125 = arith.index_cast %scan3A_31 : i32 to index
      %swap3A_126 = arith.constant 64 : index
      %swap3A_127 = tpu.vector_load %arg7[%swap3A_125, %swap3A_126] {strides = array<i32>} : memref<160x128xi32, #tpu.memory_space<vmem>>, vector<1x16xi32>,
      %swap3A_128 = vector.shape_cast %swap3A_127 : vector<1x16xi32> to vector<16xi32>
      %swap3A_129 = vector.shape_cast %select_n3A_124 : vector<16xi32> to vector<1x16xi32>
      tpu.vector_store %arg7[%swap3A_125, %swap3A_126], %swap3A_129 {strides = array<i32>} : memref<160x128xi32, #tpu.memory_space<vmem>>, vector<1x16xi32>,
      %get3A_130 = arith.index_cast %scan3A_31 : i32 to index
      %get3A_131 = arith.constant 80 : index
      %get3A_132 = tpu.vector_load %arg7[%get3A_130, %get3A_131] {strides = array<i32>} : memref<160x128xi32, #tpu.memory_space<vmem>>, vector<1x16xi32>,
      %get3A_133 = vector.shape_cast %get3A_132 : vector<1x16xi32> to vector<16xi32>
      %sub3A_134 = vector.broadcast %mul3A_13 : i32 to vector<16xi32>
      %sub3A_135 = arith.subi %get3A_133, %sub3A_134 : vector<16xi32>
      %ge3A_136 = arith.constant 0 : i32
      %ge3A_137 = vector.broadcast %ge3A_136 : i32 to vector<16xi32>
      %ge3A_138 = arith.cmpi sge, %sub3A_135, %ge3A_137 : vector<16xi32>
      %lt3A_139 = arith.constant 5120 : i32
      %lt3A_140 = vector.broadcast %lt3A_139 : i32 to vector<16xi32>
      %lt3A_141 = arith.cmpi slt, %sub3A_135, %lt3A_140 : vector<16xi32>
      %and3A_142 = arith.andi %ge3A_138, %lt3A_141 : vector<16xi1>
      %broadcast_in_dim3A_143 = arith.constant 5184 : i32
      %broadcast_in_dim3A_144 = vector.broadcast %broadcast_in_dim3A_143 : i32 to vector<16xi32>
      %select_n3A_145 = arith.select %and3A_142, %sub3A_135, %broadcast_in_dim3A_144 : vector<16xi1>, vector<16xi32>
      %swap3A_146 = arith.index_cast %scan3A_31 : i32 to index
      %swap3A_147 = arith.constant 80 : index
      %swap3A_148 = tpu.vector_load %arg7[%swap3A_146, %swap3A_147] {strides = array<i32>} : memref<160x128xi32, #tpu.memory_space<vmem>>, vector<1x16xi32>,
      %swap3A_149 = vector.shape_cast %swap3A_148 : vector<1x16xi32> to vector<16xi32>
      %swap3A_150 = vector.shape_cast %select_n3A_145 : vector<16xi32> to vector<1x16xi32>
      tpu.vector_store %arg7[%swap3A_146, %swap3A_147], %swap3A_150 {strides = array<i32>} : memref<160x128xi32, #tpu.memory_space<vmem>>, vector<1x16xi32>,
      %get3A_151 = arith.index_cast %scan3A_31 : i32 to index
      %get3A_152 = arith.constant 96 : index
      %get3A_153 = tpu.vector_load %arg7[%get3A_151, %get3A_152] {strides = array<i32>} : memref<160x128xi32, #tpu.memory_space<vmem>>, vector<1x16xi32>,
      %get3A_154 = vector.shape_cast %get3A_153 : vector<1x16xi32> to vector<16xi32>
      %sub3A_155 = vector.broadcast %mul3A_13 : i32 to vector<16xi32>
      %sub3A_156 = arith.subi %get3A_154, %sub3A_155 : vector<16xi32>
      %ge3A_157 = arith.constant 0 : i32
      %ge3A_158 = vector.broadcast %ge3A_157 : i32 to vector<16xi32>
      %ge3A_159 = arith.cmpi sge, %sub3A_156, %ge3A_158 : vector<16xi32>
      %lt3A_160 = arith.constant 5120 : i32
      %lt3A_161 = vector.broadcast %lt3A_160 : i32 to vector<16xi32>
      %lt3A_162 = arith.cmpi slt, %sub3A_156, %lt3A_161 : vector<16xi32>
      %and3A_163 = arith.andi %ge3A_159, %lt3A_162 : vector<16xi1>
      %broadcast_in_dim3A_164 = arith.constant 5184 : i32
      %broadcast_in_dim3A_165 = vector.broadcast %broadcast_in_dim3A_164 : i32 to vector<16xi32>
      %select_n3A_166 = arith.select %and3A_163, %sub3A_156, %broadcast_in_dim3A_165 : vector<16xi1>, vector<16xi32>
      %swap3A_167 = arith.index_cast %scan3A_31 : i32 to index
      %swap3A_168 = arith.constant 96 : index
      %swap3A_169 = tpu.vector_load %arg7[%swap3A_167, %swap3A_168] {strides = array<i32>} : memref<160x128xi32, #tpu.memory_space<vmem>>, vector<1x16xi32>,
      %swap3A_170 = vector.shape_cast %swap3A_169 : vector<1x16xi32> to vector<16xi32>
      %swap3A_171 = vector.shape_cast %select_n3A_166 : vector<16xi32> to vector<1x16xi32>
      tpu.vector_store %arg7[%swap3A_167, %swap3A_168], %swap3A_171 {strides = array<i32>} : memref<160x128xi32, #tpu.memory_space<vmem>>, vector<1x16xi32>,
      %get3A_172 = arith.index_cast %scan3A_31 : i32 to index
      %get3A_173 = arith.constant 112 : index
      %get3A_174 = tpu.vector_load %arg7[%get3A_172, %get3A_173] {strides = array<i32>} : memref<160x128xi32, #tpu.memory_space<vmem>>, vector<1x16xi32>,
      %get3A_175 = vector.shape_cast %get3A_174 : vector<1x16xi32> to vector<16xi32>
      %sub3A_176 = vector.broadcast %mul3A_13 : i32 to vector<16xi32>
      %sub3A_177 = arith.subi %get3A_175, %sub3A_176 : vector<16xi32>
      %ge3A_178 = arith.constant 0 : i32
      %ge3A_179 = vector.broadcast %ge3A_178 : i32 to vector<16xi32>
      %ge3A_180 = arith.cmpi sge, %sub3A_177, %ge3A_179 : vector<16xi32>
      %lt3A_181 = arith.constant 5120 : i32
      %lt3A_182 = vector.broadcast %lt3A_181 : i32 to vector<16xi32>
      %lt3A_183 = arith.cmpi slt, %sub3A_177, %lt3A_182 : vector<16xi32>
      %and3A_184 = arith.andi %ge3A_180, %lt3A_183 : vector<16xi1>
      %broadcast_in_dim3A_185 = arith.constant 5184 : i32
      %broadcast_in_dim3A_186 = vector.broadcast %broadcast_in_dim3A_185 : i32 to vector<16xi32>
      %select_n3A_187 = arith.select %and3A_184, %sub3A_177, %broadcast_in_dim3A_186 : vector<16xi1>, vector<16xi32>
      %swap3A_188 = arith.index_cast %scan3A_31 : i32 to index
      %swap3A_189 = arith.constant 112 : index
      %swap3A_190 = tpu.vector_load %arg7[%swap3A_188, %swap3A_189] {strides = array<i32>} : memref<160x128xi32, #tpu.memory_space<vmem>>, vector<1x16xi32>,
      %swap3A_191 = vector.shape_cast %swap3A_190 : vector<1x16xi32> to vector<16xi32>
      %swap3A_192 = vector.shape_cast %select_n3A_187 : vector<16xi32> to vector<1x16xi32>
      tpu.vector_store %arg7[%swap3A_188, %swap3A_189], %swap3A_192 {strides = array<i32>} : memref<160x128xi32, #tpu.memory_space<vmem>>, vector<1x16xi32>,
    }
    %scan3A_19 = arith.constant 160 : i32
    %barrier3A = arith.constant 0 : index
    tpu.barrier barrier_id(%barrier3A)
    %scan3A_20 = arith.constant 0 : i32
    %scan3A_21 = arith.constant 0 : i32
    %scan3A_22 = arith.constant 80 : i32
    %scan3A_23 = arith.addi %scan3A_21, %scan3A_22 : i32
    %scan3A_24 = arith.constant 1 : i32
    scf.for %scan3A_31 = %scan3A_21 to %scan3A_23 step %scan3A_24  : i32 {
      %mul3A_32 = arith.constant 2 : i32
      %mul3A_33 = arith.muli %mul3A_32, %scan3A_31 : i32
      %dma_start3A = arith.constant 0 : i32
      %dma_start3A_34 = tpu.memref_slice %arg6[%mul3A_33, %dma_start3A] : memref<160x128xi32, #tpu.memory_space<vmem>> -> memref<1x128xi32, #tpu.memory_space<vmem>>
      %dma_start3A_35 = tpu.memref_squeeze %dma_start3A_34 : memref<1x128xi32, #tpu.memory_space<vmem>> -> memref<128xi32, #tpu.memory_space<vmem>>
      %dma_start3A_36 = arith.constant 0 : i32
      %dma_start3A_37 = arith.constant 0 : i32
      %dma_start3A_38 = tpu.memref_slice %arg4[%dma_start3A_36, %dma_start3A_37] : memref<10000x128xf32, #tpu.memory_space<hbm>> -> memref<10000x128xf32, #tpu.memory_space<hbm>>
      tpu.enqueue_indirect_dma source(%dma_start3A_38 : memref<10000x128xf32, #tpu.memory_space<hbm>>) target(%arg8 : memref<128x128xf32, #tpu.memory_space<vmem>>) offsets(%dma_start3A_35 : memref<128xi32, #tpu.memory_space<vmem>>) semaphore(%arg10 : memref<!tpu.dma_semaphore, #tpu.memory_space<semaphore_mem>>)
      %dma_wait3A = arith.constant 0 : i32
      %dma_wait3A_39 = tpu.memref_slice %arg6[%mul3A_33, %dma_wait3A] : memref<160x128xi32, #tpu.memory_space<vmem>> -> memref<1x128xi32, #tpu.memory_space<vmem>>
      %dma_wait3A_40 = tpu.memref_squeeze %dma_wait3A_39 : memref<1x128xi32, #tpu.memory_space<vmem>> -> memref<128xi32, #tpu.memory_space<vmem>>
      %dma_wait3A_41 = arith.constant 0 : i32
      %dma_wait3A_42 = arith.constant 0 : i32
      %dma_wait3A_43 = tpu.memref_slice %arg4[%dma_wait3A_41, %dma_wait3A_42] : memref<10000x128xf32, #tpu.memory_space<hbm>> -> memref<10000x128xf32, #tpu.memory_space<hbm>>
      tpu.wait_indirect_dma semaphore(%arg10 : memref<!tpu.dma_semaphore, #tpu.memory_space<semaphore_mem>>) src(%dma_wait3A_43 : memref<10000x128xf32, #tpu.memory_space<hbm>>) dst(%arg8 : memref<128x128xf32, #tpu.memory_space<vmem>>)
      "tpu.region"() ({
        %run_scoped3A = tpu.sem_alloc : memref<!tpu.dma_semaphore, #tpu.memory_space<semaphore_mem>>
        %dma_start3A_60 = arith.constant 0 : i32
        %dma_start3A_61 = tpu.memref_slice %arg7[%mul3A_33, %dma_start3A_60] : memref<160x128xi32, #tpu.memory_space<vmem>> -> memref<1x128xi32, #tpu.memory_space<vmem>>
        %dma_start3A_62 = tpu.memref_squeeze %dma_start3A_61 : memref<1x128xi32, #tpu.memory_space<vmem>> -> memref<128xi32, #tpu.memory_space<vmem>>
        %dma_start3A_63 = arith.constant 0 : i32
        %dma_start3A_64 = arith.constant 0 : i32
        %dma_start3A_65 = tpu.memref_slice %arg11[%dma_start3A_63, %dma_start3A_64] : memref<5248x128xf32, #tpu.memory_space<vmem_shared>> -> memref<5248x128xf32, #tpu.memory_space<vmem_shared>>
        tpu.enqueue_indirect_dma source(%arg8 : memref<128x128xf32, #tpu.memory_space<vmem>>) target(%dma_start3A_65 : memref<5248x128xf32, #tpu.memory_space<vmem_shared>>) offsets(%dma_start3A_62 : memref<128xi32, #tpu.memory_space<vmem>>) semaphore(%run_scoped3A : memref<!tpu.dma_semaphore, #tpu.memory_space<semaphore_mem>>) {add = true}
        %dma_wait3A_66 = arith.constant 0 : i32
        %dma_wait3A_67 = tpu.memref_slice %arg7[%mul3A_33, %dma_wait3A_66] : memref<160x128xi32, #tpu.memory_space<vmem>> -> memref<1x128xi32, #tpu.memory_space<vmem>>
        %dma_wait3A_68 = tpu.memref_squeeze %dma_wait3A_67 : memref<1x128xi32, #tpu.memory_space<vmem>> -> memref<128xi32, #tpu.memory_space<vmem>>
        %dma_wait3A_69 = arith.constant 0 : i32
        %dma_wait3A_70 = arith.constant 0 : i32
        %dma_wait3A_71 = tpu.memref_slice %arg11[%dma_wait3A_69, %dma_wait3A_70] : memref<5248x128xf32, #tpu.memory_space<vmem_shared>> -> memref<5248x128xf32, #tpu.memory_space<vmem_shared>>
        tpu.wait_indirect_dma semaphore(%run_scoped3A : memref<!tpu.dma_semaphore, #tpu.memory_space<semaphore_mem>>) src(%arg8 : memref<128x128xf32, #tpu.memory_space<vmem>>) dst(%dma_wait3A_71 : memref<5248x128xf32, #tpu.memory_space<vmem_shared>>)
        tpu.yield
      }) : () -> ()
      %add3A_44 = arith.constant 1 : i32
      %add3A_45 = arith.addi %mul3A_33, %add3A_44 : i32
      %dma_start3A_46 = arith.constant 0 : i32
      %dma_start3A_47 = tpu.memref_slice %arg6[%add3A_45, %dma_start3A_46] : memref<160x128xi32, #tpu.memory_space<vmem>> -> memref<1x128xi32, #tpu.memory_space<vmem>>
      %dma_start3A_48 = tpu.memref_squeeze %dma_start3A_47 : memref<1x128xi32, #tpu.memory_space<vmem>> -> memref<128xi32, #tpu.memory_space<vmem>>
      %dma_start3A_49 = arith.constant 0 : i32
      %dma_start3A_50 = arith.constant 0 : i32
      %dma_start3A_51 = tpu.memref_slice %arg4[%dma_start3A_49, %dma_start3A_50] : memref<10000x128xf32, #tpu.memory_space<hbm>> -> memref<10000x128xf32, #tpu.memory_space<hbm>>
      tpu.enqueue_indirect_dma source(%dma_start3A_51 : memref<10000x128xf32, #tpu.memory_space<hbm>>) target(%arg9 : memref<128x128xf32, #tpu.memory_space<vmem>>) offsets(%dma_start3A_48 : memref<128xi32, #tpu.memory_space<vmem>>) semaphore(%arg10 : memref<!tpu.dma_semaphore, #tpu.memory_space<semaphore_mem>>)
      %dma_wait3A_52 = arith.constant 0 : i32
      %dma_wait3A_53 = tpu.memref_slice %arg6[%add3A_45, %dma_wait3A_52] : memref<160x128xi32, #tpu.memory_space<vmem>> -> memref<1x128xi32, #tpu.memory_space<vmem>>
      %dma_wait3A_54 = tpu.memref_squeeze %dma_wait3A_53 : memref<1x128xi32, #tpu.memory_space<vmem>> -> memref<128xi32, #tpu.memory_space<vmem>>
      %dma_wait3A_55 = arith.constant 0 : i32
      %dma_wait3A_56 = arith.constant 0 : i32
      %dma_wait3A_57 = tpu.memref_slice %arg4[%dma_wait3A_55, %dma_wait3A_56] : memref<10000x128xf32, #tpu.memory_space<hbm>> -> memref<10000x128xf32, #tpu.memory_space<hbm>>
      tpu.wait_indirect_dma semaphore(%arg10 : memref<!tpu.dma_semaphore, #tpu.memory_space<semaphore_mem>>) src(%dma_wait3A_57 : memref<10000x128xf32, #tpu.memory_space<hbm>>) dst(%arg9 : memref<128x128xf32, #tpu.memory_space<vmem>>)
      %add3A_58 = arith.constant 1 : i32
      %add3A_59 = arith.addi %mul3A_33, %add3A_58 : i32
      "tpu.region"() ({
        %run_scoped3A = tpu.sem_alloc : memref<!tpu.dma_semaphore, #tpu.memory_space<semaphore_mem>>
        %dma_start3A_60 = arith.constant 0 : i32
        %dma_start3A_61 = tpu.memref_slice %arg7[%add3A_59, %dma_start3A_60] : memref<160x128xi32, #tpu.memory_space<vmem>> -> memref<1x128xi32, #tpu.memory_space<vmem>>
        %dma_start3A_62 = tpu.memref_squeeze %dma_start3A_61 : memref<1x128xi32, #tpu.memory_space<vmem>> -> memref<128xi32, #tpu.memory_space<vmem>>
        %dma_start3A_63 = arith.constant 0 : i32
        %dma_start3A_64 = arith.constant 0 : i32
        %dma_start3A_65 = tpu.memref_slice %arg11[%dma_start3A_63, %dma_start3A_64] : memref<5248x128xf32, #tpu.memory_space<vmem_shared>> -> memref<5248x128xf32, #tpu.memory_space<vmem_shared>>
        tpu.enqueue_indirect_dma source(%arg9 : memref<128x128xf32, #tpu.memory_space<vmem>>) target(%dma_start3A_65 : memref<5248x128xf32, #tpu.memory_space<vmem_shared>>) offsets(%dma_start3A_62 : memref<128xi32, #tpu.memory_space<vmem>>) semaphore(%run_scoped3A : memref<!tpu.dma_semaphore, #tpu.memory_space<semaphore_mem>>) {add = true}
        %dma_wait3A_66 = arith.constant 0 : i32
        %dma_wait3A_67 = tpu.memref_slice %arg7[%add3A_59, %dma_wait3A_66] : memref<160x128xi32, #tpu.memory_space<vmem>> -> memref<1x128xi32, #tpu.memory_space<vmem>>
        %dma_wait3A_68 = tpu.memref_squeeze %dma_wait3A_67 : memref<1x128xi32, #tpu.memory_space<vmem>> -> memref<128xi32, #tpu.memory_space<vmem>>
        %dma_wait3A_69 = arith.constant 0 : i32
        %dma_wait3A_70 = arith.constant 0 : i32
        %dma_wait3A_71 = tpu.memref_slice %arg11[%dma_wait3A_69, %dma_wait3A_70] : memref<5248x128xf32, #tpu.memory_space<vmem_shared>> -> memref<5248x128xf32, #tpu.memory_space<vmem_shared>>
        tpu.wait_indirect_dma semaphore(%run_scoped3A : memref<!tpu.dma_semaphore, #tpu.memory_space<semaphore_mem>>) src(%arg9 : memref<128x128xf32, #tpu.memory_space<vmem>>) dst(%dma_wait3A_71 : memref<5248x128xf32, #tpu.memory_space<vmem_shared>>)
        tpu.yield
      }) : () -> ()
    }
    %scan3A_25 = arith.constant 80 : i32
    %barrier3A_26 = arith.constant 0 : index
    tpu.barrier barrier_id(%barrier3A_26)
    %mul3A_27 = arith.constant 320 : i32
    %mul3A_28 = arith.muli %arg1, %mul3A_27 : i32
    %mul3A_29 = arith.constant 320 : i32
    %mul3A_30 = arith.muli %arg1, %mul3A_29 : i32
    "tpu.region"() ({
      %run_scoped3A = tpu.sem_alloc : memref<!tpu.dma_semaphore, #tpu.memory_space<semaphore_mem>>
      %dma_start3A = arith.constant 0 : i32
      %dma_start3A_31 = arith.constant 0 : i32
      %dma_start3A_32 = tpu.memref_slice %arg5[%arg0, %dma_start3A, %dma_start3A_31] : memref<2x5120x128xf32, #tpu.memory_space<hbm>> -> memref<1x5120x128xf32, #tpu.memory_space<hbm>>
      %dma_start3A_33 = tpu.memref_squeeze %dma_start3A_32 : memref<1x5120x128xf32, #tpu.memory_space<hbm>> -> memref<5120x128xf32, #tpu.memory_space<hbm>>
      %dma_start3A_34 = arith.constant 0 : i32
      %dma_start3A_35 = tpu.memref_slice %dma_start3A_33[%mul3A_30, %dma_start3A_34] : memref<5120x128xf32, #tpu.memory_space<hbm>> -> memref<320x128xf32, #tpu.memory_space<hbm>>
      %dma_start3A_36 = arith.constant 0 : i32
      %dma_start3A_37 = tpu.memref_slice %arg11[%mul3A_28, %dma_start3A_36] : memref<5248x128xf32, #tpu.memory_space<vmem_shared>> -> memref<320x128xf32, #tpu.memory_space<vmem_shared>>
      tpu.enqueue_dma source(%dma_start3A_37 : memref<320x128xf32, #tpu.memory_space<vmem_shared>>) target(%dma_start3A_35 : memref<320x128xf32, #tpu.memory_space<hbm>>) target_semaphore(%run_scoped3A : memref<!tpu.dma_semaphore, #tpu.memory_space<semaphore_mem>>)
      %dma_wait3A = arith.constant 0 : i32
      %dma_wait3A_38 = arith.constant 0 : i32
      %dma_wait3A_39 = tpu.memref_slice %arg5[%arg0, %dma_wait3A, %dma_wait3A_38] : memref<2x5120x128xf32, #tpu.memory_space<hbm>> -> memref<1x5120x128xf32, #tpu.memory_space<hbm>>
      %dma_wait3A_40 = tpu.memref_squeeze %dma_wait3A_39 : memref<1x5120x128xf32, #tpu.memory_space<hbm>> -> memref<5120x128xf32, #tpu.memory_space<hbm>>
      %dma_wait3A_41 = arith.constant 0 : i32
      %dma_wait3A_42 = tpu.memref_slice %dma_wait3A_40[%mul3A_30, %dma_wait3A_41] : memref<5120x128xf32, #tpu.memory_space<hbm>> -> memref<320x128xf32, #tpu.memory_space<hbm>>
      %dma_wait3A_43 = arith.constant 0 : i32
      %dma_wait3A_44 = tpu.memref_slice %arg11[%mul3A_28, %dma_wait3A_43] : memref<5248x128xf32, #tpu.memory_space<vmem_shared>> -> memref<320x128xf32, #tpu.memory_space<vmem_shared>>
      tpu.wait_dma2 semaphore(%run_scoped3A : memref<!tpu.dma_semaphore, #tpu.memory_space<semaphore_mem>>) src(%dma_wait3A_44 : memref<320x128xf32, #tpu.memory_space<vmem_shared>>) dst(%dma_wait3A_42 : memref<320x128xf32, #tpu.memory_space<hbm>>)
      tpu.yield
    }) : () -> ()
    return
  }
}

#map = affine_map<(d0, d1) -> (0, 0, 0)>
#map1 = affine_map<(d0, d1) -> (0, 0)>
module attributes {stable_mosaic.version = 14 : i64} {
  func.func @scat_kernel(%arg0: i32, %arg1: i32, %arg2: memref<16x160x128xi32, #tpu.memory_space<hbm>>, %arg3: memref<16x160x128xi32, #tpu.memory_space<hbm>>, %arg4: memref<10000x128xf32, #tpu.memory_space<hbm>>, %arg5: memref<2x5120x128xf32, #tpu.memory_space<hbm>>, %arg6: memref<160x128xi32, #tpu.memory_space<vmem>>, %arg7: memref<160x128xi32, #tpu.memory_space<vmem>>, %arg8: memref<128x128xf32, #tpu.memory_space<vmem>>, %arg9: memref<128x128xf32, #tpu.memory_space<vmem>>, %arg10: memref<!tpu.dma_semaphore, #tpu.memory_space<semaphore_mem>>, %arg11: memref<5248x128xf32, #tpu.memory_space<vmem_shared>>) attributes {dimension_semantics = [#tpu.dimension_semantics<core_parallel>, #tpu.dimension_semantics<subcore_parallel>], iteration_bounds = array<i64: 2, 16>, scalar_prefetch = 0 : i64, scratch_operands = 6 : i64, tpu.core_type = #tpu.core_type<sc_vector_subcore>, window_params = [{transform_indices = #map}, {transform_indices = #map}, {transform_indices = #map1}, {transform_indices = #map}]} {
    %broadcast_in_dim3A = arith.constant 0.000000e+00 : f32
    %broadcast_in_dim3A_0 = vector.broadcast %broadcast_in_dim3A : f32 to vector<16xf32>
    %scan3A = arith.constant 0 : i32
    %scan3A_1 = arith.constant 0 : i32
    %scan3A_2 = arith.constant 128 : i32
    %scan3A_3 = arith.addi %scan3A_1, %scan3A_2 : i32
    %scan3A_4 = arith.constant 1 : i32
    scf.for %scan3A_31 = %scan3A_1 to %scan3A_3 step %scan3A_4  : i32 {
      %swap3A = arith.index_cast %scan3A_31 : i32 to index
      %swap3A_32 = arith.constant 0 : index
      %swap3A_33 = tpu.vector_load %arg8[%swap3A, %swap3A_32] {strides = array<i32>} : memref<128x128xf32, #tpu.memory_space<vmem>>, vector<1x16xf32>,
      %swap3A_34 = vector.shape_cast %swap3A_33 : vector<1x16xf32> to vector<16xf32>
      %swap3A_35 = vector.shape_cast %broadcast_in_dim3A_0 : vector<16xf32> to vector<1x16xf32>
      tpu.vector_store %arg8[%swap3A, %swap3A_32], %swap3A_35 {strides = array<i32>} : memref<128x128xf32, #tpu.memory_space<vmem>>, vector<1x16xf32>,
      %swap3A_36 = arith.index_cast %scan3A_31 : i32 to index
      %swap3A_37 = arith.constant 16 : index
      %swap3A_38 = tpu.vector_load %arg8[%swap3A_36, %swap3A_37] {strides = array<i32>} : memref<128x128xf32, #tpu.memory_space<vmem>>, vector<1x16xf32>,
      %swap3A_39 = vector.shape_cast %swap3A_38 : vector<1x16xf32> to vector<16xf32>
      %swap3A_40 = vector.shape_cast %broadcast_in_dim3A_0 : vector<16xf32> to vector<1x16xf32>
      tpu.vector_store %arg8[%swap3A_36, %swap3A_37], %swap3A_40 {strides = array<i32>} : memref<128x128xf32, #tpu.memory_space<vmem>>, vector<1x16xf32>,
      %swap3A_41 = arith.index_cast %scan3A_31 : i32 to index
      %swap3A_42 = arith.constant 32 : index
      %swap3A_43 = tpu.vector_load %arg8[%swap3A_41, %swap3A_42] {strides = array<i32>} : memref<128x128xf32, #tpu.memory_space<vmem>>, vector<1x16xf32>,
      %swap3A_44 = vector.shape_cast %swap3A_43 : vector<1x16xf32> to vector<16xf32>
      %swap3A_45 = vector.shape_cast %broadcast_in_dim3A_0 : vector<16xf32> to vector<1x16xf32>
      tpu.vector_store %arg8[%swap3A_41, %swap3A_42], %swap3A_45 {strides = array<i32>} : memref<128x128xf32, #tpu.memory_space<vmem>>, vector<1x16xf32>,
      %swap3A_46 = arith.index_cast %scan3A_31 : i32 to index
      %swap3A_47 = arith.constant 48 : index
      %swap3A_48 = tpu.vector_load %arg8[%swap3A_46, %swap3A_47] {strides = array<i32>} : memref<128x128xf32, #tpu.memory_space<vmem>>, vector<1x16xf32>,
      %swap3A_49 = vector.shape_cast %swap3A_48 : vector<1x16xf32> to vector<16xf32>
      %swap3A_50 = vector.shape_cast %broadcast_in_dim3A_0 : vector<16xf32> to vector<1x16xf32>
      tpu.vector_store %arg8[%swap3A_46, %swap3A_47], %swap3A_50 {strides = array<i32>} : memref<128x128xf32, #tpu.memory_space<vmem>>, vector<1x16xf32>,
      %swap3A_51 = arith.index_cast %scan3A_31 : i32 to index
      %swap3A_52 = arith.constant 64 : index
      %swap3A_53 = tpu.vector_load %arg8[%swap3A_51, %swap3A_52] {strides = array<i32>} : memref<128x128xf32, #tpu.memory_space<vmem>>, vector<1x16xf32>,
      %swap3A_54 = vector.shape_cast %swap3A_53 : vector<1x16xf32> to vector<16xf32>
      %swap3A_55 = vector.shape_cast %broadcast_in_dim3A_0 : vector<16xf32> to vector<1x16xf32>
      tpu.vector_store %arg8[%swap3A_51, %swap3A_52], %swap3A_55 {strides = array<i32>} : memref<128x128xf32, #tpu.memory_space<vmem>>, vector<1x16xf32>,
      %swap3A_56 = arith.index_cast %scan3A_31 : i32 to index
      %swap3A_57 = arith.constant 80 : index
      %swap3A_58 = tpu.vector_load %arg8[%swap3A_56, %swap3A_57] {strides = array<i32>} : memref<128x128xf32, #tpu.memory_space<vmem>>, vector<1x16xf32>,
      %swap3A_59 = vector.shape_cast %swap3A_58 : vector<1x16xf32> to vector<16xf32>
      %swap3A_60 = vector.shape_cast %broadcast_in_dim3A_0 : vector<16xf32> to vector<1x16xf32>
      tpu.vector_store %arg8[%swap3A_56, %swap3A_57], %swap3A_60 {strides = array<i32>} : memref<128x128xf32, #tpu.memory_space<vmem>>, vector<1x16xf32>,
      %swap3A_61 = arith.index_cast %scan3A_31 : i32 to index
      %swap3A_62 = arith.constant 96 : index
      %swap3A_63 = tpu.vector_load %arg8[%swap3A_61, %swap3A_62] {strides = array<i32>} : memref<128x128xf32, #tpu.memory_space<vmem>>, vector<1x16xf32>,
      %swap3A_64 = vector.shape_cast %swap3A_63 : vector<1x16xf32> to vector<16xf32>
      %swap3A_65 = vector.shape_cast %broadcast_in_dim3A_0 : vector<16xf32> to vector<1x16xf32>
      tpu.vector_store %arg8[%swap3A_61, %swap3A_62], %swap3A_65 {strides = array<i32>} : memref<128x128xf32, #tpu.memory_space<vmem>>, vector<1x16xf32>,
      %swap3A_66 = arith.index_cast %scan3A_31 : i32 to index
      %swap3A_67 = arith.constant 112 : index
      %swap3A_68 = tpu.vector_load %arg8[%swap3A_66, %swap3A_67] {strides = array<i32>} : memref<128x128xf32, #tpu.memory_space<vmem>>, vector<1x16xf32>,
      %swap3A_69 = vector.shape_cast %swap3A_68 : vector<1x16xf32> to vector<16xf32>
      %swap3A_70 = vector.shape_cast %broadcast_in_dim3A_0 : vector<16xf32> to vector<1x16xf32>
      tpu.vector_store %arg8[%swap3A_66, %swap3A_67], %swap3A_70 {strides = array<i32>} : memref<128x128xf32, #tpu.memory_space<vmem>>, vector<1x16xf32>,
    }
    %scan3A_5 = arith.constant 128 : i32
    %mul3A = arith.constant 328 : i32
    %mul3A_6 = arith.muli %arg1, %mul3A : i32
    %add3A = arith.constant 0 : i32
    %add3A_7 = arith.addi %mul3A_6, %add3A : i32
    "tpu.region"() ({
      %run_scoped3A = tpu.sem_alloc : memref<!tpu.dma_semaphore, #tpu.memory_space<semaphore_mem>>
      %dma_start3A = arith.constant 0 : i32
      %dma_start3A_31 = tpu.memref_slice %arg11[%add3A_7, %dma_start3A] : memref<5248x128xf32, #tpu.memory_space<vmem_shared>> -> memref<128x128xf32, #tpu.memory_space<vmem_shared>>
      %dma_start3A_32 = arith.constant 0 : i32
      %dma_start3A_33 = tpu.memref_slice %arg11[%add3A_7, %dma_start3A_32] : memref<5248x128xf32, #tpu.memory_space<vmem_shared>> -> memref<128x128xf32, #tpu.memory_space<vmem_shared>>
      tpu.enqueue_dma source(%arg8 : memref<128x128xf32, #tpu.memory_space<vmem>>) target(%dma_start3A_33 : memref<128x128xf32, #tpu.memory_space<vmem_shared>>) target_semaphore(%run_scoped3A : memref<!tpu.dma_semaphore, #tpu.memory_space<semaphore_mem>>)
      %dma_wait3A = arith.constant 0 : i32
      %dma_wait3A_34 = tpu.memref_slice %arg11[%add3A_7, %dma_wait3A] : memref<5248x128xf32, #tpu.memory_space<vmem_shared>> -> memref<128x128xf32, #tpu.memory_space<vmem_shared>>
      %dma_wait3A_35 = arith.constant 0 : i32
      %dma_wait3A_36 = tpu.memref_slice %arg11[%add3A_7, %dma_wait3A_35] : memref<5248x128xf32, #tpu.memory_space<vmem_shared>> -> memref<128x128xf32, #tpu.memory_space<vmem_shared>>
      tpu.wait_dma2 semaphore(%run_scoped3A : memref<!tpu.dma_semaphore, #tpu.memory_space<semaphore_mem>>) src(%arg8 : memref<128x128xf32, #tpu.memory_space<vmem>>) dst(%dma_wait3A_36 : memref<128x128xf32, #tpu.memory_space<vmem_shared>>)
      tpu.yield
    }) : () -> ()
    %add3A_8 = arith.constant 128 : i32
    %add3A_9 = arith.addi %mul3A_6, %add3A_8 : i32
    "tpu.region"() ({
      %run_scoped3A = tpu.sem_alloc : memref<!tpu.dma_semaphore, #tpu.memory_space<semaphore_mem>>
      %dma_start3A = arith.constant 0 : i32
      %dma_start3A_31 = tpu.memref_slice %arg11[%add3A_9, %dma_start3A] : memref<5248x128xf32, #tpu.memory_space<vmem_shared>> -> memref<128x128xf32, #tpu.memory_space<vmem_shared>>
      %dma_start3A_32 = arith.constant 0 : i32
      %dma_start3A_33 = tpu.memref_slice %arg11[%add3A_9, %dma_start3A_32] : memref<5248x128xf32, #tpu.memory_space<vmem_shared>> -> memref<128x128xf32, #tpu.memory_space<vmem_shared>>
      tpu.enqueue_dma source(%arg8 : memref<128x128xf32, #tpu.memory_space<vmem>>) target(%dma_start3A_33 : memref<128x128xf32, #tpu.memory_space<vmem_shared>>) target_semaphore(%run_scoped3A : memref<!tpu.dma_semaphore, #tpu.memory_space<semaphore_mem>>)
      %dma_wait3A = arith.constant 0 : i32
      %dma_wait3A_34 = tpu.memref_slice %arg11[%add3A_9, %dma_wait3A] : memref<5248x128xf32, #tpu.memory_space<vmem_shared>> -> memref<128x128xf32, #tpu.memory_space<vmem_shared>>
      %dma_wait3A_35 = arith.constant 0 : i32
      %dma_wait3A_36 = tpu.memref_slice %arg11[%add3A_9, %dma_wait3A_35] : memref<5248x128xf32, #tpu.memory_space<vmem_shared>> -> memref<128x128xf32, #tpu.memory_space<vmem_shared>>
      tpu.wait_dma2 semaphore(%run_scoped3A : memref<!tpu.dma_semaphore, #tpu.memory_space<semaphore_mem>>) src(%arg8 : memref<128x128xf32, #tpu.memory_space<vmem>>) dst(%dma_wait3A_36 : memref<128x128xf32, #tpu.memory_space<vmem_shared>>)
      tpu.yield
    }) : () -> ()
    %add3A_10 = arith.constant 256 : i32
    %add3A_11 = arith.addi %mul3A_6, %add3A_10 : i32
    "tpu.region"() ({
      %run_scoped3A = tpu.sem_alloc : memref<!tpu.dma_semaphore, #tpu.memory_space<semaphore_mem>>
      %dma_start3A = arith.constant 0 : i32
      %dma_start3A_31 = arith.constant 0 : i32
      %dma_start3A_32 = tpu.memref_slice %arg8[%dma_start3A, %dma_start3A_31] : memref<128x128xf32, #tpu.memory_space<vmem>> -> memref<72x128xf32, #tpu.memory_space<vmem>>
      %dma_start3A_33 = arith.constant 0 : i32
      %dma_start3A_34 = tpu.memref_slice %arg11[%add3A_11, %dma_start3A_33] : memref<5248x128xf32, #tpu.memory_space<vmem_shared>> -> memref<72x128xf32, #tpu.memory_space<vmem_shared>>
      %dma_start3A_35 = arith.constant 0 : i32
      %dma_start3A_36 = tpu.memref_slice %arg11[%add3A_11, %dma_start3A_35] : memref<5248x128xf32, #tpu.memory_space<vmem_shared>> -> memref<72x128xf32, #tpu.memory_space<vmem_shared>>
      %dma_start3A_37 = arith.constant 0 : i32
      %dma_start3A_38 = arith.constant 0 : i32
      %dma_start3A_39 = tpu.memref_slice %arg8[%dma_start3A_37, %dma_start3A_38] : memref<128x128xf32, #tpu.memory_space<vmem>> -> memref<72x128xf32, #tpu.memory_space<vmem>>
      tpu.enqueue_dma source(%dma_start3A_39 : memref<72x128xf32, #tpu.memory_space<vmem>>) target(%dma_start3A_36 : memref<72x128xf32, #tpu.memory_space<vmem_shared>>) target_semaphore(%run_scoped3A : memref<!tpu.dma_semaphore, #tpu.memory_space<semaphore_mem>>)
      %dma_wait3A = arith.constant 0 : i32
      %dma_wait3A_40 = arith.constant 0 : i32
      %dma_wait3A_41 = tpu.memref_slice %arg8[%dma_wait3A, %dma_wait3A_40] : memref<128x128xf32, #tpu.memory_space<vmem>> -> memref<72x128xf32, #tpu.memory_space<vmem>>
      %dma_wait3A_42 = arith.constant 0 : i32
      %dma_wait3A_43 = tpu.memref_slice %arg11[%add3A_11, %dma_wait3A_42] : memref<5248x128xf32, #tpu.memory_space<vmem_shared>> -> memref<72x128xf32, #tpu.memory_space<vmem_shared>>
      %dma_wait3A_44 = arith.constant 0 : i32
      %dma_wait3A_45 = tpu.memref_slice %arg11[%add3A_11, %dma_wait3A_44] : memref<5248x128xf32, #tpu.memory_space<vmem_shared>> -> memref<72x128xf32, #tpu.memory_space<vmem_shared>>
      %dma_wait3A_46 = arith.constant 0 : i32
      %dma_wait3A_47 = arith.constant 0 : i32
      %dma_wait3A_48 = tpu.memref_slice %arg8[%dma_wait3A_46, %dma_wait3A_47] : memref<128x128xf32, #tpu.memory_space<vmem>> -> memref<72x128xf32, #tpu.memory_space<vmem>>
      tpu.wait_dma2 semaphore(%run_scoped3A : memref<!tpu.dma_semaphore, #tpu.memory_space<semaphore_mem>>) src(%dma_wait3A_48 : memref<72x128xf32, #tpu.memory_space<vmem>>) dst(%dma_wait3A_45 : memref<72x128xf32, #tpu.memory_space<vmem_shared>>)
      tpu.yield
    }) : () -> ()
    "tpu.region"() ({
      %run_scoped3A = tpu.sem_alloc : memref<!tpu.dma_semaphore, #tpu.memory_space<semaphore_mem>>
      %dma_start3A = arith.constant 0 : i32
      %dma_start3A_31 = arith.constant 0 : i32
      %dma_start3A_32 = tpu.memref_slice %arg2[%arg1, %dma_start3A, %dma_start3A_31] : memref<16x160x128xi32, #tpu.memory_space<hbm>> -> memref<1x160x128xi32, #tpu.memory_space<hbm>>
      %dma_start3A_33 = tpu.memref_squeeze %dma_start3A_32 : memref<1x160x128xi32, #tpu.memory_space<hbm>> -> memref<160x128xi32, #tpu.memory_space<hbm>>
      %dma_start3A_34 = arith.constant 0 : i32
      %dma_start3A_35 = arith.constant 0 : i32
      %dma_start3A_36 = tpu.memref_slice %arg2[%arg1, %dma_start3A_34, %dma_start3A_35] : memref<16x160x128xi32, #tpu.memory_space<hbm>> -> memref<1x160x128xi32, #tpu.memory_space<hbm>>
      %dma_start3A_37 = tpu.memref_squeeze %dma_start3A_36 : memref<1x160x128xi32, #tpu.memory_space<hbm>> -> memref<160x128xi32, #tpu.memory_space<hbm>>
      tpu.enqueue_dma source(%dma_start3A_37 : memref<160x128xi32, #tpu.memory_space<hbm>>) target(%arg6 : memref<160x128xi32, #tpu.memory_space<vmem>>) target_semaphore(%run_scoped3A : memref<!tpu.dma_semaphore, #tpu.memory_space<semaphore_mem>>)
      %dma_wait3A = arith.constant 0 : i32
      %dma_wait3A_38 = arith.constant 0 : i32
      %dma_wait3A_39 = tpu.memref_slice %arg2[%arg1, %dma_wait3A, %dma_wait3A_38] : memref<16x160x128xi32, #tpu.memory_space<hbm>> -> memref<1x160x128xi32, #tpu.memory_space<hbm>>
      %dma_wait3A_40 = tpu.memref_squeeze %dma_wait3A_39 : memref<1x160x128xi32, #tpu.memory_space<hbm>> -> memref<160x128xi32, #tpu.memory_space<hbm>>
      %dma_wait3A_41 = arith.constant 0 : i32
      %dma_wait3A_42 = arith.constant 0 : i32
      %dma_wait3A_43 = tpu.memref_slice %arg2[%arg1, %dma_wait3A_41, %dma_wait3A_42] : memref<16x160x128xi32, #tpu.memory_space<hbm>> -> memref<1x160x128xi32, #tpu.memory_space<hbm>>
      %dma_wait3A_44 = tpu.memref_squeeze %dma_wait3A_43 : memref<1x160x128xi32, #tpu.memory_space<hbm>> -> memref<160x128xi32, #tpu.memory_space<hbm>>
      tpu.wait_dma2 semaphore(%run_scoped3A : memref<!tpu.dma_semaphore, #tpu.memory_space<semaphore_mem>>) src(%dma_wait3A_44 : memref<160x128xi32, #tpu.memory_space<hbm>>) dst(%arg6 : memref<160x128xi32, #tpu.memory_space<vmem>>)
      tpu.yield
    }) : () -> ()
    "tpu.region"() ({
      %run_scoped3A = tpu.sem_alloc : memref<!tpu.dma_semaphore, #tpu.memory_space<semaphore_mem>>
      %dma_start3A = arith.constant 0 : i32
      %dma_start3A_31 = arith.constant 0 : i32
      %dma_start3A_32 = tpu.memref_slice %arg3[%arg1, %dma_start3A, %dma_start3A_31] : memref<16x160x128xi32, #tpu.memory_space<hbm>> -> memref<1x160x128xi32, #tpu.memory_space<hbm>>
      %dma_start3A_33 = tpu.memref_squeeze %dma_start3A_32 : memref<1x160x128xi32, #tpu.memory_space<hbm>> -> memref<160x128xi32, #tpu.memory_space<hbm>>
      %dma_start3A_34 = arith.constant 0 : i32
      %dma_start3A_35 = arith.constant 0 : i32
      %dma_start3A_36 = tpu.memref_slice %arg3[%arg1, %dma_start3A_34, %dma_start3A_35] : memref<16x160x128xi32, #tpu.memory_space<hbm>> -> memref<1x160x128xi32, #tpu.memory_space<hbm>>
      %dma_start3A_37 = tpu.memref_squeeze %dma_start3A_36 : memref<1x160x128xi32, #tpu.memory_space<hbm>> -> memref<160x128xi32, #tpu.memory_space<hbm>>
      tpu.enqueue_dma source(%dma_start3A_37 : memref<160x128xi32, #tpu.memory_space<hbm>>) target(%arg7 : memref<160x128xi32, #tpu.memory_space<vmem>>) target_semaphore(%run_scoped3A : memref<!tpu.dma_semaphore, #tpu.memory_space<semaphore_mem>>)
      %dma_wait3A = arith.constant 0 : i32
      %dma_wait3A_38 = arith.constant 0 : i32
      %dma_wait3A_39 = tpu.memref_slice %arg3[%arg1, %dma_wait3A, %dma_wait3A_38] : memref<16x160x128xi32, #tpu.memory_space<hbm>> -> memref<1x160x128xi32, #tpu.memory_space<hbm>>
      %dma_wait3A_40 = tpu.memref_squeeze %dma_wait3A_39 : memref<1x160x128xi32, #tpu.memory_space<hbm>> -> memref<160x128xi32, #tpu.memory_space<hbm>>
      %dma_wait3A_41 = arith.constant 0 : i32
      %dma_wait3A_42 = arith.constant 0 : i32
      %dma_wait3A_43 = tpu.memref_slice %arg3[%arg1, %dma_wait3A_41, %dma_wait3A_42] : memref<16x160x128xi32, #tpu.memory_space<hbm>> -> memref<1x160x128xi32, #tpu.memory_space<hbm>>
      %dma_wait3A_44 = tpu.memref_squeeze %dma_wait3A_43 : memref<1x160x128xi32, #tpu.memory_space<hbm>> -> memref<160x128xi32, #tpu.memory_space<hbm>>
      tpu.wait_dma2 semaphore(%run_scoped3A : memref<!tpu.dma_semaphore, #tpu.memory_space<semaphore_mem>>) src(%dma_wait3A_44 : memref<160x128xi32, #tpu.memory_space<hbm>>) dst(%arg7 : memref<160x128xi32, #tpu.memory_space<vmem>>)
      tpu.yield
    }) : () -> ()
    %mul3A_12 = arith.constant 5120 : i32
    %mul3A_13 = arith.muli %arg0, %mul3A_12 : i32
    %scan3A_14 = arith.constant 0 : i32
    %scan3A_15 = arith.constant 0 : i32
    %scan3A_16 = arith.constant 160 : i32
    %scan3A_17 = arith.addi %scan3A_15, %scan3A_16 : i32
    %scan3A_18 = arith.constant 1 : i32
    scf.for %scan3A_31 = %scan3A_15 to %scan3A_17 step %scan3A_18  : i32 {
      %get3A = arith.index_cast %scan3A_31 : i32 to index
      %get3A_32 = arith.constant 0 : index
      %get3A_33 = tpu.vector_load %arg7[%get3A, %get3A_32] {strides = array<i32>} : memref<160x128xi32, #tpu.memory_space<vmem>>, vector<1x16xi32>,
      %get3A_34 = vector.shape_cast %get3A_33 : vector<1x16xi32> to vector<16xi32>
      %sub3A = vector.broadcast %mul3A_13 : i32 to vector<16xi32>
      %sub3A_35 = arith.subi %get3A_34, %sub3A : vector<16xi32>
      %ge3A = arith.constant 0 : i32
      %ge3A_36 = vector.broadcast %ge3A : i32 to vector<16xi32>
      %ge3A_37 = arith.cmpi sge, %sub3A_35, %ge3A_36 : vector<16xi32>
      %lt3A = arith.constant 5120 : i32
      %lt3A_38 = vector.broadcast %lt3A : i32 to vector<16xi32>
      %lt3A_39 = arith.cmpi slt, %sub3A_35, %lt3A_38 : vector<16xi32>
      %and3A = arith.andi %ge3A_37, %lt3A_39 : vector<16xi1>
      %broadcast_in_dim3A_40 = arith.constant 5184 : i32
      %broadcast_in_dim3A_41 = vector.broadcast %broadcast_in_dim3A_40 : i32 to vector<16xi32>
      %select_n3A = arith.select %and3A, %sub3A_35, %broadcast_in_dim3A_41 : vector<16xi1>, vector<16xi32>
      %swap3A = arith.index_cast %scan3A_31 : i32 to index
      %swap3A_42 = arith.constant 0 : index
      %swap3A_43 = tpu.vector_load %arg7[%swap3A, %swap3A_42] {strides = array<i32>} : memref<160x128xi32, #tpu.memory_space<vmem>>, vector<1x16xi32>,
      %swap3A_44 = vector.shape_cast %swap3A_43 : vector<1x16xi32> to vector<16xi32>
      %swap3A_45 = vector.shape_cast %select_n3A : vector<16xi32> to vector<1x16xi32>
      tpu.vector_store %arg7[%swap3A, %swap3A_42], %swap3A_45 {strides = array<i32>} : memref<160x128xi32, #tpu.memory_space<vmem>>, vector<1x16xi32>,
      %get3A_46 = arith.index_cast %scan3A_31 : i32 to index
      %get3A_47 = arith.constant 16 : index
      %get3A_48 = tpu.vector_load %arg7[%get3A_46, %get3A_47] {strides = array<i32>} : memref<160x128xi32, #tpu.memory_space<vmem>>, vector<1x16xi32>,
      %get3A_49 = vector.shape_cast %get3A_48 : vector<1x16xi32> to vector<16xi32>
      %sub3A_50 = vector.broadcast %mul3A_13 : i32 to vector<16xi32>
      %sub3A_51 = arith.subi %get3A_49, %sub3A_50 : vector<16xi32>
      %ge3A_52 = arith.constant 0 : i32
      %ge3A_53 = vector.broadcast %ge3A_52 : i32 to vector<16xi32>
      %ge3A_54 = arith.cmpi sge, %sub3A_51, %ge3A_53 : vector<16xi32>
      %lt3A_55 = arith.constant 5120 : i32
      %lt3A_56 = vector.broadcast %lt3A_55 : i32 to vector<16xi32>
      %lt3A_57 = arith.cmpi slt, %sub3A_51, %lt3A_56 : vector<16xi32>
      %and3A_58 = arith.andi %ge3A_54, %lt3A_57 : vector<16xi1>
      %broadcast_in_dim3A_59 = arith.constant 5184 : i32
      %broadcast_in_dim3A_60 = vector.broadcast %broadcast_in_dim3A_59 : i32 to vector<16xi32>
      %select_n3A_61 = arith.select %and3A_58, %sub3A_51, %broadcast_in_dim3A_60 : vector<16xi1>, vector<16xi32>
      %swap3A_62 = arith.index_cast %scan3A_31 : i32 to index
      %swap3A_63 = arith.constant 16 : index
      %swap3A_64 = tpu.vector_load %arg7[%swap3A_62, %swap3A_63] {strides = array<i32>} : memref<160x128xi32, #tpu.memory_space<vmem>>, vector<1x16xi32>,
      %swap3A_65 = vector.shape_cast %swap3A_64 : vector<1x16xi32> to vector<16xi32>
      %swap3A_66 = vector.shape_cast %select_n3A_61 : vector<16xi32> to vector<1x16xi32>
      tpu.vector_store %arg7[%swap3A_62, %swap3A_63], %swap3A_66 {strides = array<i32>} : memref<160x128xi32, #tpu.memory_space<vmem>>, vector<1x16xi32>,
      %get3A_67 = arith.index_cast %scan3A_31 : i32 to index
      %get3A_68 = arith.constant 32 : index
      %get3A_69 = tpu.vector_load %arg7[%get3A_67, %get3A_68] {strides = array<i32>} : memref<160x128xi32, #tpu.memory_space<vmem>>, vector<1x16xi32>,
      %get3A_70 = vector.shape_cast %get3A_69 : vector<1x16xi32> to vector<16xi32>
      %sub3A_71 = vector.broadcast %mul3A_13 : i32 to vector<16xi32>
      %sub3A_72 = arith.subi %get3A_70, %sub3A_71 : vector<16xi32>
      %ge3A_73 = arith.constant 0 : i32
      %ge3A_74 = vector.broadcast %ge3A_73 : i32 to vector<16xi32>
      %ge3A_75 = arith.cmpi sge, %sub3A_72, %ge3A_74 : vector<16xi32>
      %lt3A_76 = arith.constant 5120 : i32
      %lt3A_77 = vector.broadcast %lt3A_76 : i32 to vector<16xi32>
      %lt3A_78 = arith.cmpi slt, %sub3A_72, %lt3A_77 : vector<16xi32>
      %and3A_79 = arith.andi %ge3A_75, %lt3A_78 : vector<16xi1>
      %broadcast_in_dim3A_80 = arith.constant 5184 : i32
      %broadcast_in_dim3A_81 = vector.broadcast %broadcast_in_dim3A_80 : i32 to vector<16xi32>
      %select_n3A_82 = arith.select %and3A_79, %sub3A_72, %broadcast_in_dim3A_81 : vector<16xi1>, vector<16xi32>
      %swap3A_83 = arith.index_cast %scan3A_31 : i32 to index
      %swap3A_84 = arith.constant 32 : index
      %swap3A_85 = tpu.vector_load %arg7[%swap3A_83, %swap3A_84] {strides = array<i32>} : memref<160x128xi32, #tpu.memory_space<vmem>>, vector<1x16xi32>,
      %swap3A_86 = vector.shape_cast %swap3A_85 : vector<1x16xi32> to vector<16xi32>
      %swap3A_87 = vector.shape_cast %select_n3A_82 : vector<16xi32> to vector<1x16xi32>
      tpu.vector_store %arg7[%swap3A_83, %swap3A_84], %swap3A_87 {strides = array<i32>} : memref<160x128xi32, #tpu.memory_space<vmem>>, vector<1x16xi32>,
      %get3A_88 = arith.index_cast %scan3A_31 : i32 to index
      %get3A_89 = arith.constant 48 : index
      %get3A_90 = tpu.vector_load %arg7[%get3A_88, %get3A_89] {strides = array<i32>} : memref<160x128xi32, #tpu.memory_space<vmem>>, vector<1x16xi32>,
      %get3A_91 = vector.shape_cast %get3A_90 : vector<1x16xi32> to vector<16xi32>
      %sub3A_92 = vector.broadcast %mul3A_13 : i32 to vector<16xi32>
      %sub3A_93 = arith.subi %get3A_91, %sub3A_92 : vector<16xi32>
      %ge3A_94 = arith.constant 0 : i32
      %ge3A_95 = vector.broadcast %ge3A_94 : i32 to vector<16xi32>
      %ge3A_96 = arith.cmpi sge, %sub3A_93, %ge3A_95 : vector<16xi32>
      %lt3A_97 = arith.constant 5120 : i32
      %lt3A_98 = vector.broadcast %lt3A_97 : i32 to vector<16xi32>
      %lt3A_99 = arith.cmpi slt, %sub3A_93, %lt3A_98 : vector<16xi32>
      %and3A_100 = arith.andi %ge3A_96, %lt3A_99 : vector<16xi1>
      %broadcast_in_dim3A_101 = arith.constant 5184 : i32
      %broadcast_in_dim3A_102 = vector.broadcast %broadcast_in_dim3A_101 : i32 to vector<16xi32>
      %select_n3A_103 = arith.select %and3A_100, %sub3A_93, %broadcast_in_dim3A_102 : vector<16xi1>, vector<16xi32>
      %swap3A_104 = arith.index_cast %scan3A_31 : i32 to index
      %swap3A_105 = arith.constant 48 : index
      %swap3A_106 = tpu.vector_load %arg7[%swap3A_104, %swap3A_105] {strides = array<i32>} : memref<160x128xi32, #tpu.memory_space<vmem>>, vector<1x16xi32>,
      %swap3A_107 = vector.shape_cast %swap3A_106 : vector<1x16xi32> to vector<16xi32>
      %swap3A_108 = vector.shape_cast %select_n3A_103 : vector<16xi32> to vector<1x16xi32>
      tpu.vector_store %arg7[%swap3A_104, %swap3A_105], %swap3A_108 {strides = array<i32>} : memref<160x128xi32, #tpu.memory_space<vmem>>, vector<1x16xi32>,
      %get3A_109 = arith.index_cast %scan3A_31 : i32 to index
      %get3A_110 = arith.constant 64 : index
      %get3A_111 = tpu.vector_load %arg7[%get3A_109, %get3A_110] {strides = array<i32>} : memref<160x128xi32, #tpu.memory_space<vmem>>, vector<1x16xi32>,
      %get3A_112 = vector.shape_cast %get3A_111 : vector<1x16xi32> to vector<16xi32>
      %sub3A_113 = vector.broadcast %mul3A_13 : i32 to vector<16xi32>
      %sub3A_114 = arith.subi %get3A_112, %sub3A_113 : vector<16xi32>
      %ge3A_115 = arith.constant 0 : i32
      %ge3A_116 = vector.broadcast %ge3A_115 : i32 to vector<16xi32>
      %ge3A_117 = arith.cmpi sge, %sub3A_114, %ge3A_116 : vector<16xi32>
      %lt3A_118 = arith.constant 5120 : i32
      %lt3A_119 = vector.broadcast %lt3A_118 : i32 to vector<16xi32>
      %lt3A_120 = arith.cmpi slt, %sub3A_114, %lt3A_119 : vector<16xi32>
      %and3A_121 = arith.andi %ge3A_117, %lt3A_120 : vector<16xi1>
      %broadcast_in_dim3A_122 = arith.constant 5184 : i32
      %broadcast_in_dim3A_123 = vector.broadcast %broadcast_in_dim3A_122 : i32 to vector<16xi32>
      %select_n3A_124 = arith.select %and3A_121, %sub3A_114, %broadcast_in_dim3A_123 : vector<16xi1>, vector<16xi32>
      %swap3A_125 = arith.index_cast %scan3A_31 : i32 to index
      %swap3A_126 = arith.constant 64 : index
      %swap3A_127 = tpu.vector_load %arg7[%swap3A_125, %swap3A_126] {strides = array<i32>} : memref<160x128xi32, #tpu.memory_space<vmem>>, vector<1x16xi32>,
      %swap3A_128 = vector.shape_cast %swap3A_127 : vector<1x16xi32> to vector<16xi32>
      %swap3A_129 = vector.shape_cast %select_n3A_124 : vector<16xi32> to vector<1x16xi32>
      tpu.vector_store %arg7[%swap3A_125, %swap3A_126], %swap3A_129 {strides = array<i32>} : memref<160x128xi32, #tpu.memory_space<vmem>>, vector<1x16xi32>,
      %get3A_130 = arith.index_cast %scan3A_31 : i32 to index
      %get3A_131 = arith.constant 80 : index
      %get3A_132 = tpu.vector_load %arg7[%get3A_130, %get3A_131] {strides = array<i32>} : memref<160x128xi32, #tpu.memory_space<vmem>>, vector<1x16xi32>,
      %get3A_133 = vector.shape_cast %get3A_132 : vector<1x16xi32> to vector<16xi32>
      %sub3A_134 = vector.broadcast %mul3A_13 : i32 to vector<16xi32>
      %sub3A_135 = arith.subi %get3A_133, %sub3A_134 : vector<16xi32>
      %ge3A_136 = arith.constant 0 : i32
      %ge3A_137 = vector.broadcast %ge3A_136 : i32 to vector<16xi32>
      %ge3A_138 = arith.cmpi sge, %sub3A_135, %ge3A_137 : vector<16xi32>
      %lt3A_139 = arith.constant 5120 : i32
      %lt3A_140 = vector.broadcast %lt3A_139 : i32 to vector<16xi32>
      %lt3A_141 = arith.cmpi slt, %sub3A_135, %lt3A_140 : vector<16xi32>
      %and3A_142 = arith.andi %ge3A_138, %lt3A_141 : vector<16xi1>
      %broadcast_in_dim3A_143 = arith.constant 5184 : i32
      %broadcast_in_dim3A_144 = vector.broadcast %broadcast_in_dim3A_143 : i32 to vector<16xi32>
      %select_n3A_145 = arith.select %and3A_142, %sub3A_135, %broadcast_in_dim3A_144 : vector<16xi1>, vector<16xi32>
      %swap3A_146 = arith.index_cast %scan3A_31 : i32 to index
      %swap3A_147 = arith.constant 80 : index
      %swap3A_148 = tpu.vector_load %arg7[%swap3A_146, %swap3A_147] {strides = array<i32>} : memref<160x128xi32, #tpu.memory_space<vmem>>, vector<1x16xi32>,
      %swap3A_149 = vector.shape_cast %swap3A_148 : vector<1x16xi32> to vector<16xi32>
      %swap3A_150 = vector.shape_cast %select_n3A_145 : vector<16xi32> to vector<1x16xi32>
      tpu.vector_store %arg7[%swap3A_146, %swap3A_147], %swap3A_150 {strides = array<i32>} : memref<160x128xi32, #tpu.memory_space<vmem>>, vector<1x16xi32>,
      %get3A_151 = arith.index_cast %scan3A_31 : i32 to index
      %get3A_152 = arith.constant 96 : index
      %get3A_153 = tpu.vector_load %arg7[%get3A_151, %get3A_152] {strides = array<i32>} : memref<160x128xi32, #tpu.memory_space<vmem>>, vector<1x16xi32>,
      %get3A_154 = vector.shape_cast %get3A_153 : vector<1x16xi32> to vector<16xi32>
      %sub3A_155 = vector.broadcast %mul3A_13 : i32 to vector<16xi32>
      %sub3A_156 = arith.subi %get3A_154, %sub3A_155 : vector<16xi32>
      %ge3A_157 = arith.constant 0 : i32
      %ge3A_158 = vector.broadcast %ge3A_157 : i32 to vector<16xi32>
      %ge3A_159 = arith.cmpi sge, %sub3A_156, %ge3A_158 : vector<16xi32>
      %lt3A_160 = arith.constant 5120 : i32
      %lt3A_161 = vector.broadcast %lt3A_160 : i32 to vector<16xi32>
      %lt3A_162 = arith.cmpi slt, %sub3A_156, %lt3A_161 : vector<16xi32>
      %and3A_163 = arith.andi %ge3A_159, %lt3A_162 : vector<16xi1>
      %broadcast_in_dim3A_164 = arith.constant 5184 : i32
      %broadcast_in_dim3A_165 = vector.broadcast %broadcast_in_dim3A_164 : i32 to vector<16xi32>
      %select_n3A_166 = arith.select %and3A_163, %sub3A_156, %broadcast_in_dim3A_165 : vector<16xi1>, vector<16xi32>
      %swap3A_167 = arith.index_cast %scan3A_31 : i32 to index
      %swap3A_168 = arith.constant 96 : index
      %swap3A_169 = tpu.vector_load %arg7[%swap3A_167, %swap3A_168] {strides = array<i32>} : memref<160x128xi32, #tpu.memory_space<vmem>>, vector<1x16xi32>,
      %swap3A_170 = vector.shape_cast %swap3A_169 : vector<1x16xi32> to vector<16xi32>
      %swap3A_171 = vector.shape_cast %select_n3A_166 : vector<16xi32> to vector<1x16xi32>
      tpu.vector_store %arg7[%swap3A_167, %swap3A_168], %swap3A_171 {strides = array<i32>} : memref<160x128xi32, #tpu.memory_space<vmem>>, vector<1x16xi32>,
      %get3A_172 = arith.index_cast %scan3A_31 : i32 to index
      %get3A_173 = arith.constant 112 : index
      %get3A_174 = tpu.vector_load %arg7[%get3A_172, %get3A_173] {strides = array<i32>} : memref<160x128xi32, #tpu.memory_space<vmem>>, vector<1x16xi32>,
      %get3A_175 = vector.shape_cast %get3A_174 : vector<1x16xi32> to vector<16xi32>
      %sub3A_176 = vector.broadcast %mul3A_13 : i32 to vector<16xi32>
      %sub3A_177 = arith.subi %get3A_175, %sub3A_176 : vector<16xi32>
      %ge3A_178 = arith.constant 0 : i32
      %ge3A_179 = vector.broadcast %ge3A_178 : i32 to vector<16xi32>
      %ge3A_180 = arith.cmpi sge, %sub3A_177, %ge3A_179 : vector<16xi32>
      %lt3A_181 = arith.constant 5120 : i32
      %lt3A_182 = vector.broadcast %lt3A_181 : i32 to vector<16xi32>
      %lt3A_183 = arith.cmpi slt, %sub3A_177, %lt3A_182 : vector<16xi32>
      %and3A_184 = arith.andi %ge3A_180, %lt3A_183 : vector<16xi1>
      %broadcast_in_dim3A_185 = arith.constant 5184 : i32
      %broadcast_in_dim3A_186 = vector.broadcast %broadcast_in_dim3A_185 : i32 to vector<16xi32>
      %select_n3A_187 = arith.select %and3A_184, %sub3A_177, %broadcast_in_dim3A_186 : vector<16xi1>, vector<16xi32>
      %swap3A_188 = arith.index_cast %scan3A_31 : i32 to index
      %swap3A_189 = arith.constant 112 : index
      %swap3A_190 = tpu.vector_load %arg7[%swap3A_188, %swap3A_189] {strides = array<i32>} : memref<160x128xi32, #tpu.memory_space<vmem>>, vector<1x16xi32>,
      %swap3A_191 = vector.shape_cast %swap3A_190 : vector<1x16xi32> to vector<16xi32>
      %swap3A_192 = vector.shape_cast %select_n3A_187 : vector<16xi32> to vector<1x16xi32>
      tpu.vector_store %arg7[%swap3A_188, %swap3A_189], %swap3A_192 {strides = array<i32>} : memref<160x128xi32, #tpu.memory_space<vmem>>, vector<1x16xi32>,
    }
    %scan3A_19 = arith.constant 160 : i32
    %barrier3A = arith.constant 0 : index
    tpu.barrier barrier_id(%barrier3A)
    %scan3A_20 = arith.constant 0 : i32
    %scan3A_21 = arith.constant 0 : i32
    %scan3A_22 = arith.constant 80 : i32
    %scan3A_23 = arith.addi %scan3A_21, %scan3A_22 : i32
    %scan3A_24 = arith.constant 1 : i32
    scf.for %scan3A_31 = %scan3A_21 to %scan3A_23 step %scan3A_24  : i32 {
      %mul3A_32 = arith.constant 2 : i32
      %mul3A_33 = arith.muli %mul3A_32, %scan3A_31 : i32
      %dma_start3A = arith.constant 0 : i32
      %dma_start3A_34 = tpu.memref_slice %arg6[%mul3A_33, %dma_start3A] : memref<160x128xi32, #tpu.memory_space<vmem>> -> memref<1x128xi32, #tpu.memory_space<vmem>>
      %dma_start3A_35 = tpu.memref_squeeze %dma_start3A_34 : memref<1x128xi32, #tpu.memory_space<vmem>> -> memref<128xi32, #tpu.memory_space<vmem>>
      %dma_start3A_36 = arith.constant 0 : i32
      %dma_start3A_37 = arith.constant 0 : i32
      %dma_start3A_38 = tpu.memref_slice %arg4[%dma_start3A_36, %dma_start3A_37] : memref<10000x128xf32, #tpu.memory_space<hbm>> -> memref<10000x128xf32, #tpu.memory_space<hbm>>
      tpu.enqueue_indirect_dma source(%dma_start3A_38 : memref<10000x128xf32, #tpu.memory_space<hbm>>) target(%arg8 : memref<128x128xf32, #tpu.memory_space<vmem>>) offsets(%dma_start3A_35 : memref<128xi32, #tpu.memory_space<vmem>>) semaphore(%arg10 : memref<!tpu.dma_semaphore, #tpu.memory_space<semaphore_mem>>)
      %dma_wait3A = arith.constant 0 : i32
      %dma_wait3A_39 = tpu.memref_slice %arg6[%mul3A_33, %dma_wait3A] : memref<160x128xi32, #tpu.memory_space<vmem>> -> memref<1x128xi32, #tpu.memory_space<vmem>>
      %dma_wait3A_40 = tpu.memref_squeeze %dma_wait3A_39 : memref<1x128xi32, #tpu.memory_space<vmem>> -> memref<128xi32, #tpu.memory_space<vmem>>
      %dma_wait3A_41 = arith.constant 0 : i32
      %dma_wait3A_42 = arith.constant 0 : i32
      %dma_wait3A_43 = tpu.memref_slice %arg4[%dma_wait3A_41, %dma_wait3A_42] : memref<10000x128xf32, #tpu.memory_space<hbm>> -> memref<10000x128xf32, #tpu.memory_space<hbm>>
      tpu.wait_indirect_dma semaphore(%arg10 : memref<!tpu.dma_semaphore, #tpu.memory_space<semaphore_mem>>) src(%dma_wait3A_43 : memref<10000x128xf32, #tpu.memory_space<hbm>>) dst(%arg8 : memref<128x128xf32, #tpu.memory_space<vmem>>)
      "tpu.region"() ({
        %run_scoped3A = tpu.sem_alloc : memref<!tpu.dma_semaphore, #tpu.memory_space<semaphore_mem>>
        %dma_start3A_60 = arith.constant 0 : i32
        %dma_start3A_61 = tpu.memref_slice %arg7[%mul3A_33, %dma_start3A_60] : memref<160x128xi32, #tpu.memory_space<vmem>> -> memref<1x128xi32, #tpu.memory_space<vmem>>
        %dma_start3A_62 = tpu.memref_squeeze %dma_start3A_61 : memref<1x128xi32, #tpu.memory_space<vmem>> -> memref<128xi32, #tpu.memory_space<vmem>>
        %dma_start3A_63 = arith.constant 0 : i32
        %dma_start3A_64 = arith.constant 0 : i32
        %dma_start3A_65 = tpu.memref_slice %arg11[%dma_start3A_63, %dma_start3A_64] : memref<5248x128xf32, #tpu.memory_space<vmem_shared>> -> memref<5248x128xf32, #tpu.memory_space<vmem_shared>>
        tpu.enqueue_indirect_dma source(%arg8 : memref<128x128xf32, #tpu.memory_space<vmem>>) target(%dma_start3A_65 : memref<5248x128xf32, #tpu.memory_space<vmem_shared>>) offsets(%dma_start3A_62 : memref<128xi32, #tpu.memory_space<vmem>>) semaphore(%run_scoped3A : memref<!tpu.dma_semaphore, #tpu.memory_space<semaphore_mem>>) {add = true}
        %dma_wait3A_66 = arith.constant 0 : i32
        %dma_wait3A_67 = tpu.memref_slice %arg7[%mul3A_33, %dma_wait3A_66] : memref<160x128xi32, #tpu.memory_space<vmem>> -> memref<1x128xi32, #tpu.memory_space<vmem>>
        %dma_wait3A_68 = tpu.memref_squeeze %dma_wait3A_67 : memref<1x128xi32, #tpu.memory_space<vmem>> -> memref<128xi32, #tpu.memory_space<vmem>>
        %dma_wait3A_69 = arith.constant 0 : i32
        %dma_wait3A_70 = arith.constant 0 : i32
        %dma_wait3A_71 = tpu.memref_slice %arg11[%dma_wait3A_69, %dma_wait3A_70] : memref<5248x128xf32, #tpu.memory_space<vmem_shared>> -> memref<5248x128xf32, #tpu.memory_space<vmem_shared>>
        tpu.wait_indirect_dma semaphore(%run_scoped3A : memref<!tpu.dma_semaphore, #tpu.memory_space<semaphore_mem>>) src(%arg8 : memref<128x128xf32, #tpu.memory_space<vmem>>) dst(%dma_wait3A_71 : memref<5248x128xf32, #tpu.memory_space<vmem_shared>>)
        tpu.yield
      }) : () -> ()
      %add3A_44 = arith.constant 1 : i32
      %add3A_45 = arith.addi %mul3A_33, %add3A_44 : i32
      %dma_start3A_46 = arith.constant 0 : i32
      %dma_start3A_47 = tpu.memref_slice %arg6[%add3A_45, %dma_start3A_46] : memref<160x128xi32, #tpu.memory_space<vmem>> -> memref<1x128xi32, #tpu.memory_space<vmem>>
      %dma_start3A_48 = tpu.memref_squeeze %dma_start3A_47 : memref<1x128xi32, #tpu.memory_space<vmem>> -> memref<128xi32, #tpu.memory_space<vmem>>
      %dma_start3A_49 = arith.constant 0 : i32
      %dma_start3A_50 = arith.constant 0 : i32
      %dma_start3A_51 = tpu.memref_slice %arg4[%dma_start3A_49, %dma_start3A_50] : memref<10000x128xf32, #tpu.memory_space<hbm>> -> memref<10000x128xf32, #tpu.memory_space<hbm>>
      tpu.enqueue_indirect_dma source(%dma_start3A_51 : memref<10000x128xf32, #tpu.memory_space<hbm>>) target(%arg9 : memref<128x128xf32, #tpu.memory_space<vmem>>) offsets(%dma_start3A_48 : memref<128xi32, #tpu.memory_space<vmem>>) semaphore(%arg10 : memref<!tpu.dma_semaphore, #tpu.memory_space<semaphore_mem>>)
      %dma_wait3A_52 = arith.constant 0 : i32
      %dma_wait3A_53 = tpu.memref_slice %arg6[%add3A_45, %dma_wait3A_52] : memref<160x128xi32, #tpu.memory_space<vmem>> -> memref<1x128xi32, #tpu.memory_space<vmem>>
      %dma_wait3A_54 = tpu.memref_squeeze %dma_wait3A_53 : memref<1x128xi32, #tpu.memory_space<vmem>> -> memref<128xi32, #tpu.memory_space<vmem>>
      %dma_wait3A_55 = arith.constant 0 : i32
      %dma_wait3A_56 = arith.constant 0 : i32
      %dma_wait3A_57 = tpu.memref_slice %arg4[%dma_wait3A_55, %dma_wait3A_56] : memref<10000x128xf32, #tpu.memory_space<hbm>> -> memref<10000x128xf32, #tpu.memory_space<hbm>>
      tpu.wait_indirect_dma semaphore(%arg10 : memref<!tpu.dma_semaphore, #tpu.memory_space<semaphore_mem>>) src(%dma_wait3A_57 : memref<10000x128xf32, #tpu.memory_space<hbm>>) dst(%arg9 : memref<128x128xf32, #tpu.memory_space<vmem>>)
      %add3A_58 = arith.constant 1 : i32
      %add3A_59 = arith.addi %mul3A_33, %add3A_58 : i32
      "tpu.region"() ({
        %run_scoped3A = tpu.sem_alloc : memref<!tpu.dma_semaphore, #tpu.memory_space<semaphore_mem>>
        %dma_start3A_60 = arith.constant 0 : i32
        %dma_start3A_61 = tpu.memref_slice %arg7[%add3A_59, %dma_start3A_60] : memref<160x128xi32, #tpu.memory_space<vmem>> -> memref<1x128xi32, #tpu.memory_space<vmem>>
        %dma_start3A_62 = tpu.memref_squeeze %dma_start3A_61 : memref<1x128xi32, #tpu.memory_space<vmem>> -> memref<128xi32, #tpu.memory_space<vmem>>
        %dma_start3A_63 = arith.constant 0 : i32
        %dma_start3A_64 = arith.constant 0 : i32
        %dma_start3A_65 = tpu.memref_slice %arg11[%dma_start3A_63, %dma_start3A_64] : memref<5248x128xf32, #tpu.memory_space<vmem_shared>> -> memref<5248x128xf32, #tpu.memory_space<vmem_shared>>
        tpu.enqueue_indirect_dma source(%arg9 : memref<128x128xf32, #tpu.memory_space<vmem>>) target(%dma_start3A_65 : memref<5248x128xf32, #tpu.memory_space<vmem_shared>>) offsets(%dma_start3A_62 : memref<128xi32, #tpu.memory_space<vmem>>) semaphore(%run_scoped3A : memref<!tpu.dma_semaphore, #tpu.memory_space<semaphore_mem>>) {add = true}
        %dma_wait3A_66 = arith.constant 0 : i32
        %dma_wait3A_67 = tpu.memref_slice %arg7[%add3A_59, %dma_wait3A_66] : memref<160x128xi32, #tpu.memory_space<vmem>> -> memref<1x128xi32, #tpu.memory_space<vmem>>
        %dma_wait3A_68 = tpu.memref_squeeze %dma_wait3A_67 : memref<1x128xi32, #tpu.memory_space<vmem>> -> memref<128xi32, #tpu.memory_space<vmem>>
        %dma_wait3A_69 = arith.constant 0 : i32
        %dma_wait3A_70 = arith.constant 0 : i32
        %dma_wait3A_71 = tpu.memref_slice %arg11[%dma_wait3A_69, %dma_wait3A_70] : memref<5248x128xf32, #tpu.memory_space<vmem_shared>> -> memref<5248x128xf32, #tpu.memory_space<vmem_shared>>
        tpu.wait_indirect_dma semaphore(%run_scoped3A : memref<!tpu.dma_semaphore, #tpu.memory_space<semaphore_mem>>) src(%arg9 : memref<128x128xf32, #tpu.memory_space<vmem>>) dst(%dma_wait3A_71 : memref<5248x128xf32, #tpu.memory_space<vmem_shared>>)
        tpu.yield
      }) : () -> ()
    }
    %scan3A_25 = arith.constant 80 : i32
    %barrier3A_26 = arith.constant 0 : index
    tpu.barrier barrier_id(%barrier3A_26)
    %mul3A_27 = arith.constant 320 : i32
    %mul3A_28 = arith.muli %arg1, %mul3A_27 : i32
    %mul3A_29 = arith.constant 320 : i32
    %mul3A_30 = arith.muli %arg1, %mul3A_29 : i32
    "tpu.region"() ({
      %run_scoped3A = tpu.sem_alloc : memref<!tpu.dma_semaphore, #tpu.memory_space<semaphore_mem>>
      %dma_start3A = arith.constant 0 : i32
      %dma_start3A_31 = arith.constant 0 : i32
      %dma_start3A_32 = tpu.memref_slice %arg5[%arg0, %dma_start3A, %dma_start3A_31] : memref<2x5120x128xf32, #tpu.memory_space<hbm>> -> memref<1x5120x128xf32, #tpu.memory_space<hbm>>
      %dma_start3A_33 = tpu.memref_squeeze %dma_start3A_32 : memref<1x5120x128xf32, #tpu.memory_space<hbm>> -> memref<5120x128xf32, #tpu.memory_space<hbm>>
      %dma_start3A_34 = arith.constant 0 : i32
      %dma_start3A_35 = tpu.memref_slice %dma_start3A_33[%mul3A_30, %dma_start3A_34] : memref<5120x128xf32, #tpu.memory_space<hbm>> -> memref<320x128xf32, #tpu.memory_space<hbm>>
      %dma_start3A_36 = arith.constant 0 : i32
      %dma_start3A_37 = tpu.memref_slice %arg11[%mul3A_28, %dma_start3A_36] : memref<5248x128xf32, #tpu.memory_space<vmem_shared>> -> memref<320x128xf32, #tpu.memory_space<vmem_shared>>
      tpu.enqueue_dma source(%dma_start3A_37 : memref<320x128xf32, #tpu.memory_space<vmem_shared>>) target(%dma_start3A_35 : memref<320x128xf32, #tpu.memory_space<hbm>>) target_semaphore(%run_scoped3A : memref<!tpu.dma_semaphore, #tpu.memory_space<semaphore_mem>>)
      %dma_wait3A = arith.constant 0 : i32
      %dma_wait3A_38 = arith.constant 0 : i32
      %dma_wait3A_39 = tpu.memref_slice %arg5[%arg0, %dma_wait3A, %dma_wait3A_38] : memref<2x5120x128xf32, #tpu.memory_space<hbm>> -> memref<1x5120x128xf32, #tpu.memory_space<hbm>>
      %dma_wait3A_40 = tpu.memref_squeeze %dma_wait3A_39 : memref<1x5120x128xf32, #tpu.memory_space<hbm>> -> memref<5120x128xf32, #tpu.memory_space<hbm>>
      %dma_wait3A_41 = arith.constant 0 : i32
      %dma_wait3A_42 = tpu.memref_slice %dma_wait3A_40[%mul3A_30, %dma_wait3A_41] : memref<5120x128xf32, #tpu.memory_space<hbm>> -> memref<320x128xf32, #tpu.memory_space<hbm>>
      %dma_wait3A_43 = arith.constant 0 : i32
      %dma_wait3A_44 = tpu.memref_slice %arg11[%mul3A_28, %dma_wait3A_43] : memref<5248x128xf32, #tpu.memory_space<vmem_shared>> -> memref<320x128xf32, #tpu.memory_space<vmem_shared>>
      tpu.wait_dma2 semaphore(%run_scoped3A : memref<!tpu.dma_semaphore, #tpu.memory_space<semaphore_mem>>) src(%dma_wait3A_44 : memref<320x128xf32, #tpu.memory_space<vmem_shared>>) dst(%dma_wait3A_42 : memref<320x128xf32, #tpu.memory_space<hbm>>)
      tpu.yield
    }) : () -> ()
    return
  }
}

module attributes {stable_mosaic.version = 14 : i64} {
  func.func @body(%arg0: memref<2x10240x16xf32, #tpu.memory_space<vmem>>, %arg1: memref<10240x16xf32, #tpu.memory_space<vmem>>) attributes {dimension_semantics = [], scalar_prefetch = 0 : i64, scratch_operands = 0 : i64, tpu.core_type = #tpu.core_type<tc>} {
    %get3A = arith.constant 0 : index
    %get3A_0 = arith.constant 0 : index
    %get3A_1 = arith.constant 0 : index
    %get3A_2 = vector.load %arg0[%get3A, %get3A_0, %get3A_1] : memref<2x10240x16xf32, #tpu.memory_space<vmem>>, vector<2x10240x16xf32>
    %slice3A = vector.extract_strided_slice %get3A_2 {offsets = [0, 0, 0], sizes = [1, 10240, 16], strides = [1, 1, 1]} : vector<2x10240x16xf32> to vector<1x10240x16xf32>
    %squeeze3A = vector.shape_cast %slice3A : vector<1x10240x16xf32> to vector<10240x16xf32>
    %add3A = arith.constant 1.000000e+00 : f32
    %add3A_3 = vector.broadcast %add3A : f32 to vector<10240x16xf32>
    %add3A_4 = arith.addf %add3A_3, %squeeze3A : vector<10240x16xf32>
    %slice3A_5 = vector.extract_strided_slice %get3A_2 {offsets = [1, 0, 0], sizes = [1, 10240, 16], strides = [1, 1, 1]} : vector<2x10240x16xf32> to vector<1x10240x16xf32>
    %squeeze3A_6 = vector.shape_cast %slice3A_5 : vector<1x10240x16xf32> to vector<10240x16xf32>
    %add3A_7 = arith.addf %add3A_4, %squeeze3A_6 : vector<10240x16xf32>
    %rsqrt3A = math.rsqrt %add3A_7 : vector<10240x16xf32>
    %swap3A = arith.constant 0 : index
    %swap3A_8 = arith.constant 0 : index
    %swap3A_9 = vector.load %arg1[%swap3A, %swap3A_8] : memref<10240x16xf32, #tpu.memory_space<vmem>>, vector<10240x16xf32>
    tpu.vector_store %arg1[%swap3A, %swap3A_8], %rsqrt3A {strides = array<i32>} : memref<10240x16xf32, #tpu.memory_space<vmem>>, vector<10240x16xf32>,
    return
  }
}

module attributes {stable_mosaic.version = 14 : i64} {
  func.func @body(%arg0: i32, %arg1: memref<1000x128xf32, #tpu.memory_space<vmem>>, %arg2: memref<128x128xf32, #tpu.memory_space<vmem>>, %arg3: memref<1x128xf32, #tpu.memory_space<vmem>>, %arg4: memref<128x128xf32, #tpu.memory_space<vmem>>, %arg5: memref<1000x1xf32, #tpu.memory_space<vmem>>, %arg6: memref<1000x128xf32, #tpu.memory_space<vmem>>, %arg7: memref<1000x128xf32, #tpu.memory_space<vmem>>) attributes {dimension_semantics = [#tpu.dimension_semantics<arbitrary>], iteration_bounds = array<i64: 10>, scalar_prefetch = 0 : i64, scratch_operands = 0 : i64, tpu.core_type = #tpu.core_type<tc>, window_params = [{transform_indices = @transform_0, window_bounds = array<i64: 1000, 128>}, {pipeline_mode = #tpu.pipeline_mode<synchronous>, transform_indices = @transform_1, window_bounds = array<i64: 128, 128>}, {pipeline_mode = #tpu.pipeline_mode<synchronous>, transform_indices = @transform_2, window_bounds = array<i64: 1, 128>}, {pipeline_mode = #tpu.pipeline_mode<synchronous>, transform_indices = @transform_3, window_bounds = array<i64: 128, 128>}, {transform_indices = @transform_4, window_bounds = array<i64: 1000, 1>}, {transform_indices = @transform_5, window_bounds = array<i64: 1000, 128>}, {transform_indices = @transform_6, window_bounds = array<i64: 1000, 128>}]} {
    %get3A = arith.constant 0 : index
    %get3A_0 = arith.constant 0 : index
    %get3A_1 = vector.load %arg1[%get3A, %get3A_0] : memref<1000x128xf32, #tpu.memory_space<vmem>>, vector<1000x128xf32>
    %get3A_2 = arith.constant 0 : index
    %get3A_3 = arith.constant 0 : index
    %get3A_4 = vector.load %arg2[%get3A_2, %get3A_3] : memref<128x128xf32, #tpu.memory_space<vmem>>, vector<128x128xf32>
    %dot_general3A = arith.constant dense<0.000000e+00> : vector<1000x128xf32>
    %dot_general3A_5 = tpu.matmul %get3A_1, %get3A_4, %dot_general3A {dimension_numbers = #tpu.dot_dimension_numbers<[1], [1], [0], [0], [0, 0, 1, 0], [], []>, transpose_lhs_hint = false} : vector<1000x128xf32>, vector<128x128xf32>, vector<1000x128xf32> -> vector<1000x128xf32>
    %get3A_6 = arith.constant 0 : index
    %get3A_7 = arith.constant 0 : index
    %get3A_8 = vector.load %arg3[%get3A_6, %get3A_7] : memref<1x128xf32, #tpu.memory_space<vmem>>, vector<1x128xf32>
    %add3A = vector.broadcast %get3A_8 : vector<1x128xf32> to vector<1000x128xf32>
    %add3A_9 = arith.addf %dot_general3A_5, %add3A : vector<1000x128xf32>
    %swap3A = arith.constant 0 : index
    %swap3A_10 = arith.constant 0 : index
    %swap3A_11 = vector.load %arg6[%swap3A, %swap3A_10] : memref<1000x128xf32, #tpu.memory_space<vmem>>, vector<1000x128xf32>
    tpu.vector_store %arg6[%swap3A, %swap3A_10], %add3A_9 {strides = array<i32>} : memref<1000x128xf32, #tpu.memory_space<vmem>>, vector<1000x128xf32>,
    %get3A_12 = arith.constant 0 : index
    %get3A_13 = arith.constant 0 : index
    %get3A_14 = vector.load %arg4[%get3A_12, %get3A_13] : memref<128x128xf32, #tpu.memory_space<vmem>>, vector<128x128xf32>
    %dot_general3A_15 = arith.constant dense<0.000000e+00> : vector<1000x128xf32>
    %dot_general3A_16 = tpu.matmul %add3A_9, %get3A_14, %dot_general3A_15 {dimension_numbers = #tpu.dot_dimension_numbers<[1], [1], [0], [0], [0, 0, 1, 0], [], []>, transpose_lhs_hint = false} : vector<1000x128xf32>, vector<128x128xf32>, vector<1000x128xf32> -> vector<1000x128xf32>
    %get3A_17 = arith.constant 0 : index
    %get3A_18 = arith.constant 0 : index
    %get3A_19 = vector.load %arg5[%get3A_17, %get3A_18] : memref<1000x1xf32, #tpu.memory_space<vmem>>, vector<1000x1xf32>
    %mul3A = vector.broadcast %get3A_19 : vector<1000x1xf32> to vector<1000x128xf32>
    %mul3A_20 = arith.mulf %dot_general3A_16, %mul3A : vector<1000x128xf32>
    %swap3A_21 = arith.constant 0 : index
    %swap3A_22 = arith.constant 0 : index
    %swap3A_23 = vector.load %arg7[%swap3A_21, %swap3A_22] : memref<1000x128xf32, #tpu.memory_space<vmem>>, vector<1000x128xf32>
    tpu.vector_store %arg7[%swap3A_21, %swap3A_22], %mul3A_20 {strides = array<i32>} : memref<1000x128xf32, #tpu.memory_space<vmem>>, vector<1000x128xf32>,
    return
  }
  func.func @transform_0(%arg0: i32) -> (i32, i32) {
    %c0_i32 = arith.constant 0 : i32
    %c0_i32_0 = arith.constant 0 : i32
    return %arg0, %c0_i32 : i32, i32
  }
  func.func @transform_1(%arg0: i32) -> (i32, i32) {
    %c0_i32 = arith.constant 0 : i32
    %c0_i32_0 = arith.constant 0 : i32
    %c0_i32_1 = arith.constant 0 : i32
    return %c0_i32, %c0_i32_0 : i32, i32
  }
  func.func @transform_2(%arg0: i32) -> (i32, i32) {
    %c0_i32 = arith.constant 0 : i32
    %c0_i32_0 = arith.constant 0 : i32
    %c0_i32_1 = arith.constant 0 : i32
    return %c0_i32, %c0_i32_0 : i32, i32
  }
  func.func @transform_3(%arg0: i32) -> (i32, i32) {
    %c0_i32 = arith.constant 0 : i32
    %c0_i32_0 = arith.constant 0 : i32
    %c0_i32_1 = arith.constant 0 : i32
    return %c0_i32, %c0_i32_0 : i32, i32
  }
  func.func @transform_4(%arg0: i32) -> (i32, i32) {
    %c0_i32 = arith.constant 0 : i32
    %c0_i32_0 = arith.constant 0 : i32
    return %arg0, %c0_i32 : i32, i32
  }
  func.func @transform_5(%arg0: i32) -> (i32, i32) {
    %c0_i32 = arith.constant 0 : i32
    %c0_i32_0 = arith.constant 0 : i32
    return %arg0, %c0_i32 : i32, i32
  }
  func.func @transform_6(%arg0: i32) -> (i32, i32) {
    %c0_i32 = arith.constant 0 : i32
    %c0_i32_0 = arith.constant 0 : i32
    return %arg0, %c0_i32 : i32, i32
  }
}

module attributes {stable_mosaic.version = 14 : i64} {
  func.func @body(%arg0: i32, %arg1: memref<1000x128xf32, #tpu.memory_space<vmem>>, %arg2: memref<1000x128xf32, #tpu.memory_space<vmem>>, %arg3: memref<1000x128xf32, #tpu.memory_space<vmem>>, %arg4: memref<1000x1xf32, #tpu.memory_space<vmem>>, %arg5: memref<1x128xf32, #tpu.memory_space<vmem>>, %arg6: memref<1x128xf32, #tpu.memory_space<vmem>>, %arg7: memref<1x128xf32, #tpu.memory_space<vmem>>, %arg8: memref<128x128xf32, #tpu.memory_space<vmem>>, %arg9: memref<1000x128xf32, #tpu.memory_space<vmem>>, %arg10: memref<1000x128xf32, #tpu.memory_space<vmem>>) attributes {dimension_semantics = [#tpu.dimension_semantics<arbitrary>], iteration_bounds = array<i64: 10>, scalar_prefetch = 0 : i64, scratch_operands = 0 : i64, tpu.core_type = #tpu.core_type<tc>, window_params = [{transform_indices = @transform_0, window_bounds = array<i64: 1000, 128>}, {transform_indices = @transform_1, window_bounds = array<i64: 1000, 128>}, {transform_indices = @transform_2, window_bounds = array<i64: 1000, 128>}, {transform_indices = @transform_3, window_bounds = array<i64: 1000, 1>}, {pipeline_mode = #tpu.pipeline_mode<synchronous>, transform_indices = @transform_4, window_bounds = array<i64: 1, 128>}, {pipeline_mode = #tpu.pipeline_mode<synchronous>, transform_indices = @transform_5, window_bounds = array<i64: 1, 128>}, {pipeline_mode = #tpu.pipeline_mode<synchronous>, transform_indices = @transform_6, window_bounds = array<i64: 1, 128>}, {pipeline_mode = #tpu.pipeline_mode<synchronous>, transform_indices = @transform_7, window_bounds = array<i64: 128, 128>}, {transform_indices = @transform_8, window_bounds = array<i64: 1000, 128>}, {transform_indices = @transform_9, window_bounds = array<i64: 1000, 128>}]} {
    %get3A = arith.constant 0 : index
    %get3A_0 = arith.constant 0 : index
    %get3A_1 = vector.load %arg4[%get3A, %get3A_0] : memref<1000x1xf32, #tpu.memory_space<vmem>>, vector<1000x1xf32>
    %get3A_2 = arith.constant 0 : index
    %get3A_3 = arith.constant 0 : index
    %get3A_4 = vector.load %arg1[%get3A_2, %get3A_3] : memref<1000x128xf32, #tpu.memory_space<vmem>>, vector<1000x128xf32>
    %get3A_5 = arith.constant 0 : index
    %get3A_6 = arith.constant 0 : index
    %get3A_7 = vector.load %arg2[%get3A_5, %get3A_6] : memref<1000x128xf32, #tpu.memory_space<vmem>>, vector<1000x128xf32>
    %get3A_8 = arith.constant 0 : index
    %get3A_9 = arith.constant 0 : index
    %get3A_10 = vector.load %arg3[%get3A_8, %get3A_9] : memref<1000x128xf32, #tpu.memory_space<vmem>>, vector<1000x128xf32>
    %get3A_11 = arith.constant 0 : index
    %get3A_12 = arith.constant 0 : index
    %get3A_13 = vector.load %arg5[%get3A_11, %get3A_12] : memref<1x128xf32, #tpu.memory_space<vmem>>, vector<1x128xf32>
    %get3A_14 = arith.constant 0 : index
    %get3A_15 = arith.constant 0 : index
    %get3A_16 = vector.load %arg6[%get3A_14, %get3A_15] : memref<1x128xf32, #tpu.memory_space<vmem>>, vector<1x128xf32>
    %get3A_17 = arith.constant 0 : index
    %get3A_18 = arith.constant 0 : index
    %get3A_19 = vector.load %arg7[%get3A_17, %get3A_18] : memref<1x128xf32, #tpu.memory_space<vmem>>, vector<1x128xf32>
    %add3A = arith.addf %get3A_7, %get3A_10 : vector<1000x128xf32>
    %mul3A = vector.broadcast %get3A_1 : vector<1000x1xf32> to vector<1000x128xf32>
    %mul3A_20 = arith.mulf %mul3A, %add3A : vector<1000x128xf32>
    %add3A_21 = vector.broadcast %get3A_13 : vector<1x128xf32> to vector<1000x128xf32>
    %add3A_22 = arith.addf %mul3A_20, %add3A_21 : vector<1000x128xf32>
    %gt3A = arith.constant 0.000000e+00 : f32
    %gt3A_23 = vector.broadcast %gt3A : f32 to vector<1000x128xf32>
    %gt3A_24 = arith.cmpf ogt, %add3A_22, %gt3A_23 : vector<1000x128xf32>
    %exp3A = math.exp %add3A_22 : vector<1000x128xf32>
    %sub3A = arith.constant 1.000000e+00 : f32
    %sub3A_25 = vector.broadcast %sub3A : f32 to vector<1000x128xf32>
    %sub3A_26 = arith.subf %exp3A, %sub3A_25 : vector<1000x128xf32>
    %select_n3A = arith.select %gt3A_24, %add3A_22, %sub3A_26 : vector<1000x128xi1>, vector<1000x128xf32>
    %add3A_27 = arith.addf %select_n3A, %get3A_4 : vector<1000x128xf32>
    %reduce_sum3A = arith.constant dense<0.000000e+00> : vector<1000xf32>
    %reduce_sum3A_28 = vector.multi_reduction <add>, %add3A_27, %reduce_sum3A [1] : vector<1000x128xf32> to vector<1000xf32>
    %broadcast_in_dim3A = vector.shape_cast %reduce_sum3A_28 : vector<1000xf32> to vector<1000x1xf32>
    %div3A = arith.constant 1.280000e+02 : f32
    %div3A_29 = vector.broadcast %div3A : f32 to vector<1000x1xf32>
    %div3A_30 = arith.divf %broadcast_in_dim3A, %div3A_29 : vector<1000x1xf32>
    %sub3A_31 = vector.broadcast %div3A_30 : vector<1000x1xf32> to vector<1000x128xf32>
    %sub3A_32 = arith.subf %add3A_27, %sub3A_31 : vector<1000x128xf32>
    %mul3A_33 = arith.mulf %sub3A_32, %sub3A_32 : vector<1000x128xf32>
    %reduce_sum3A_34 = arith.constant dense<0.000000e+00> : vector<1000xf32>
    %reduce_sum3A_35 = vector.multi_reduction <add>, %mul3A_33, %reduce_sum3A_34 [1] : vector<1000x128xf32> to vector<1000xf32>
    %broadcast_in_dim3A_36 = vector.shape_cast %reduce_sum3A_35 : vector<1000xf32> to vector<1000x1xf32>
    %div3A_37 = arith.constant 1.280000e+02 : f32
    %div3A_38 = vector.broadcast %div3A_37 : f32 to vector<1000x1xf32>
    %div3A_39 = arith.divf %broadcast_in_dim3A_36, %div3A_38 : vector<1000x1xf32>
    %add3A_40 = arith.constant 9.99999974E-6 : f32
    %add3A_41 = vector.broadcast %add3A_40 : f32 to vector<1000x1xf32>
    %add3A_42 = arith.addf %div3A_39, %add3A_41 : vector<1000x1xf32>
    %rsqrt3A = math.rsqrt %add3A_42 : vector<1000x1xf32>
    %mul3A_43 = vector.broadcast %rsqrt3A : vector<1000x1xf32> to vector<1000x128xf32>
    %mul3A_44 = arith.mulf %sub3A_32, %mul3A_43 : vector<1000x128xf32>
    %mul3A_45 = vector.broadcast %get3A_16 : vector<1x128xf32> to vector<1000x128xf32>
    %mul3A_46 = arith.mulf %mul3A_44, %mul3A_45 : vector<1000x128xf32>
    %add3A_47 = vector.broadcast %get3A_19 : vector<1x128xf32> to vector<1000x128xf32>
    %add3A_48 = arith.addf %mul3A_46, %add3A_47 : vector<1000x128xf32>
    %swap3A = arith.constant 0 : index
    %swap3A_49 = arith.constant 0 : index
    %swap3A_50 = vector.load %arg9[%swap3A, %swap3A_49] : memref<1000x128xf32, #tpu.memory_space<vmem>>, vector<1000x128xf32>
    tpu.vector_store %arg9[%swap3A, %swap3A_49], %add3A_48 {strides = array<i32>} : memref<1000x128xf32, #tpu.memory_space<vmem>>, vector<1000x128xf32>,
    %get3A_51 = arith.constant 0 : index
    %get3A_52 = arith.constant 0 : index
    %get3A_53 = vector.load %arg8[%get3A_51, %get3A_52] : memref<128x128xf32, #tpu.memory_space<vmem>>, vector<128x128xf32>
    %dot_general3A = arith.constant dense<0.000000e+00> : vector<1000x128xf32>
    %dot_general3A_54 = tpu.matmul %add3A_48, %get3A_53, %dot_general3A {dimension_numbers = #tpu.dot_dimension_numbers<[1], [1], [0], [0], [0, 0, 1, 0], [], []>, transpose_lhs_hint = false} : vector<1000x128xf32>, vector<128x128xf32>, vector<1000x128xf32> -> vector<1000x128xf32>
    %mul3A_55 = vector.broadcast %get3A_1 : vector<1000x1xf32> to vector<1000x128xf32>
    %mul3A_56 = arith.mulf %dot_general3A_54, %mul3A_55 : vector<1000x128xf32>
    %swap3A_57 = arith.constant 0 : index
    %swap3A_58 = arith.constant 0 : index
    %swap3A_59 = vector.load %arg10[%swap3A_57, %swap3A_58] : memref<1000x128xf32, #tpu.memory_space<vmem>>, vector<1000x128xf32>
    tpu.vector_store %arg10[%swap3A_57, %swap3A_58], %mul3A_56 {strides = array<i32>} : memref<1000x128xf32, #tpu.memory_space<vmem>>, vector<1000x128xf32>,
    return
  }
  func.func @transform_0(%arg0: i32) -> (i32, i32) {
    %c0_i32 = arith.constant 0 : i32
    %c0_i32_0 = arith.constant 0 : i32
    return %arg0, %c0_i32 : i32, i32
  }
  func.func @transform_1(%arg0: i32) -> (i32, i32) {
    %c0_i32 = arith.constant 0 : i32
    %c0_i32_0 = arith.constant 0 : i32
    return %arg0, %c0_i32 : i32, i32
  }
  func.func @transform_2(%arg0: i32) -> (i32, i32) {
    %c0_i32 = arith.constant 0 : i32
    %c0_i32_0 = arith.constant 0 : i32
    return %arg0, %c0_i32 : i32, i32
  }
  func.func @transform_3(%arg0: i32) -> (i32, i32) {
    %c0_i32 = arith.constant 0 : i32
    %c0_i32_0 = arith.constant 0 : i32
    return %arg0, %c0_i32 : i32, i32
  }
  func.func @transform_4(%arg0: i32) -> (i32, i32) {
    %c0_i32 = arith.constant 0 : i32
    %c0_i32_0 = arith.constant 0 : i32
    %c0_i32_1 = arith.constant 0 : i32
    return %c0_i32, %c0_i32_0 : i32, i32
  }
  func.func @transform_5(%arg0: i32) -> (i32, i32) {
    %c0_i32 = arith.constant 0 : i32
    %c0_i32_0 = arith.constant 0 : i32
    %c0_i32_1 = arith.constant 0 : i32
    return %c0_i32, %c0_i32_0 : i32, i32
  }
  func.func @transform_6(%arg0: i32) -> (i32, i32) {
    %c0_i32 = arith.constant 0 : i32
    %c0_i32_0 = arith.constant 0 : i32
    %c0_i32_1 = arith.constant 0 : i32
    return %c0_i32, %c0_i32_0 : i32, i32
  }
  func.func @transform_7(%arg0: i32) -> (i32, i32) {
    %c0_i32 = arith.constant 0 : i32
    %c0_i32_0 = arith.constant 0 : i32
    %c0_i32_1 = arith.constant 0 : i32
    return %c0_i32, %c0_i32_0 : i32, i32
  }
  func.func @transform_8(%arg0: i32) -> (i32, i32) {
    %c0_i32 = arith.constant 0 : i32
    %c0_i32_0 = arith.constant 0 : i32
    return %arg0, %c0_i32 : i32, i32
  }
  func.func @transform_9(%arg0: i32) -> (i32, i32) {
    %c0_i32 = arith.constant 0 : i32
    %c0_i32_0 = arith.constant 0 : i32
    return %arg0, %c0_i32 : i32, i32
  }
}

module attributes {stable_mosaic.version = 14 : i64} {
  func.func @body(%arg0: i32, %arg1: memref<1000x128xf32, #tpu.memory_space<vmem>>, %arg2: memref<1000x128xf32, #tpu.memory_space<vmem>>, %arg3: memref<1000x128xf32, #tpu.memory_space<vmem>>, %arg4: memref<1000x1xf32, #tpu.memory_space<vmem>>, %arg5: memref<1x128xf32, #tpu.memory_space<vmem>>, %arg6: memref<1x128xf32, #tpu.memory_space<vmem>>, %arg7: memref<1x128xf32, #tpu.memory_space<vmem>>, %arg8: memref<1000x128xf32, #tpu.memory_space<vmem>>) attributes {dimension_semantics = [#tpu.dimension_semantics<arbitrary>], iteration_bounds = array<i64: 10>, scalar_prefetch = 0 : i64, scratch_operands = 0 : i64, tpu.core_type = #tpu.core_type<tc>, window_params = [{transform_indices = @transform_0, window_bounds = array<i64: 1000, 128>}, {transform_indices = @transform_1, window_bounds = array<i64: 1000, 128>}, {transform_indices = @transform_2, window_bounds = array<i64: 1000, 128>}, {transform_indices = @transform_3, window_bounds = array<i64: 1000, 1>}, {pipeline_mode = #tpu.pipeline_mode<synchronous>, transform_indices = @transform_4, window_bounds = array<i64: 1, 128>}, {pipeline_mode = #tpu.pipeline_mode<synchronous>, transform_indices = @transform_5, window_bounds = array<i64: 1, 128>}, {pipeline_mode = #tpu.pipeline_mode<synchronous>, transform_indices = @transform_6, window_bounds = array<i64: 1, 128>}, {transform_indices = @transform_7, window_bounds = array<i64: 1000, 128>}]} {
    %get3A = arith.constant 0 : index
    %get3A_0 = arith.constant 0 : index
    %get3A_1 = vector.load %arg1[%get3A, %get3A_0] : memref<1000x128xf32, #tpu.memory_space<vmem>>, vector<1000x128xf32>
    %get3A_2 = arith.constant 0 : index
    %get3A_3 = arith.constant 0 : index
    %get3A_4 = vector.load %arg2[%get3A_2, %get3A_3] : memref<1000x128xf32, #tpu.memory_space<vmem>>, vector<1000x128xf32>
    %get3A_5 = arith.constant 0 : index
    %get3A_6 = arith.constant 0 : index
    %get3A_7 = vector.load %arg3[%get3A_5, %get3A_6] : memref<1000x128xf32, #tpu.memory_space<vmem>>, vector<1000x128xf32>
    %get3A_8 = arith.constant 0 : index
    %get3A_9 = arith.constant 0 : index
    %get3A_10 = vector.load %arg4[%get3A_8, %get3A_9] : memref<1000x1xf32, #tpu.memory_space<vmem>>, vector<1000x1xf32>
    %get3A_11 = arith.constant 0 : index
    %get3A_12 = arith.constant 0 : index
    %get3A_13 = vector.load %arg5[%get3A_11, %get3A_12] : memref<1x128xf32, #tpu.memory_space<vmem>>, vector<1x128xf32>
    %get3A_14 = arith.constant 0 : index
    %get3A_15 = arith.constant 0 : index
    %get3A_16 = vector.load %arg6[%get3A_14, %get3A_15] : memref<1x128xf32, #tpu.memory_space<vmem>>, vector<1x128xf32>
    %get3A_17 = arith.constant 0 : index
    %get3A_18 = arith.constant 0 : index
    %get3A_19 = vector.load %arg7[%get3A_17, %get3A_18] : memref<1x128xf32, #tpu.memory_space<vmem>>, vector<1x128xf32>
    %add3A = arith.addf %get3A_4, %get3A_7 : vector<1000x128xf32>
    %mul3A = vector.broadcast %get3A_10 : vector<1000x1xf32> to vector<1000x128xf32>
    %mul3A_20 = arith.mulf %mul3A, %add3A : vector<1000x128xf32>
    %add3A_21 = vector.broadcast %get3A_13 : vector<1x128xf32> to vector<1000x128xf32>
    %add3A_22 = arith.addf %mul3A_20, %add3A_21 : vector<1000x128xf32>
    %gt3A = arith.constant 0.000000e+00 : f32
    %gt3A_23 = vector.broadcast %gt3A : f32 to vector<1000x128xf32>
    %gt3A_24 = arith.cmpf ogt, %add3A_22, %gt3A_23 : vector<1000x128xf32>
    %exp3A = math.exp %add3A_22 : vector<1000x128xf32>
    %sub3A = arith.constant 1.000000e+00 : f32
    %sub3A_25 = vector.broadcast %sub3A : f32 to vector<1000x128xf32>
    %sub3A_26 = arith.subf %exp3A, %sub3A_25 : vector<1000x128xf32>
    %select_n3A = arith.select %gt3A_24, %add3A_22, %sub3A_26 : vector<1000x128xi1>, vector<1000x128xf32>
    %add3A_27 = arith.addf %select_n3A, %get3A_1 : vector<1000x128xf32>
    %reduce_sum3A = arith.constant dense<0.000000e+00> : vector<1000xf32>
    %reduce_sum3A_28 = vector.multi_reduction <add>, %add3A_27, %reduce_sum3A [1] : vector<1000x128xf32> to vector<1000xf32>
    %broadcast_in_dim3A = vector.shape_cast %reduce_sum3A_28 : vector<1000xf32> to vector<1000x1xf32>
    %div3A = arith.constant 1.280000e+02 : f32
    %div3A_29 = vector.broadcast %div3A : f32 to vector<1000x1xf32>
    %div3A_30 = arith.divf %broadcast_in_dim3A, %div3A_29 : vector<1000x1xf32>
    %sub3A_31 = vector.broadcast %div3A_30 : vector<1000x1xf32> to vector<1000x128xf32>
    %sub3A_32 = arith.subf %add3A_27, %sub3A_31 : vector<1000x128xf32>
    %mul3A_33 = arith.mulf %sub3A_32, %sub3A_32 : vector<1000x128xf32>
    %reduce_sum3A_34 = arith.constant dense<0.000000e+00> : vector<1000xf32>
    %reduce_sum3A_35 = vector.multi_reduction <add>, %mul3A_33, %reduce_sum3A_34 [1] : vector<1000x128xf32> to vector<1000xf32>
    %broadcast_in_dim3A_36 = vector.shape_cast %reduce_sum3A_35 : vector<1000xf32> to vector<1000x1xf32>
    %div3A_37 = arith.constant 1.280000e+02 : f32
    %div3A_38 = vector.broadcast %div3A_37 : f32 to vector<1000x1xf32>
    %div3A_39 = arith.divf %broadcast_in_dim3A_36, %div3A_38 : vector<1000x1xf32>
    %add3A_40 = arith.constant 9.99999974E-6 : f32
    %add3A_41 = vector.broadcast %add3A_40 : f32 to vector<1000x1xf32>
    %add3A_42 = arith.addf %div3A_39, %add3A_41 : vector<1000x1xf32>
    %rsqrt3A = math.rsqrt %add3A_42 : vector<1000x1xf32>
    %mul3A_43 = vector.broadcast %rsqrt3A : vector<1000x1xf32> to vector<1000x128xf32>
    %mul3A_44 = arith.mulf %sub3A_32, %mul3A_43 : vector<1000x128xf32>
    %mul3A_45 = vector.broadcast %get3A_16 : vector<1x128xf32> to vector<1000x128xf32>
    %mul3A_46 = arith.mulf %mul3A_44, %mul3A_45 : vector<1000x128xf32>
    %add3A_47 = vector.broadcast %get3A_19 : vector<1x128xf32> to vector<1000x128xf32>
    %add3A_48 = arith.addf %mul3A_46, %add3A_47 : vector<1000x128xf32>
    %swap3A = arith.constant 0 : index
    %swap3A_49 = arith.constant 0 : index
    %swap3A_50 = vector.load %arg8[%swap3A, %swap3A_49] : memref<1000x128xf32, #tpu.memory_space<vmem>>, vector<1000x128xf32>
    tpu.vector_store %arg8[%swap3A, %swap3A_49], %add3A_48 {strides = array<i32>} : memref<1000x128xf32, #tpu.memory_space<vmem>>, vector<1000x128xf32>,
    return
  }
  func.func @transform_0(%arg0: i32) -> (i32, i32) {
    %c0_i32 = arith.constant 0 : i32
    %c0_i32_0 = arith.constant 0 : i32
    return %arg0, %c0_i32 : i32, i32
  }
  func.func @transform_1(%arg0: i32) -> (i32, i32) {
    %c0_i32 = arith.constant 0 : i32
    %c0_i32_0 = arith.constant 0 : i32
    return %arg0, %c0_i32 : i32, i32
  }
  func.func @transform_2(%arg0: i32) -> (i32, i32) {
    %c0_i32 = arith.constant 0 : i32
    %c0_i32_0 = arith.constant 0 : i32
    return %arg0, %c0_i32 : i32, i32
  }
  func.func @transform_3(%arg0: i32) -> (i32, i32) {
    %c0_i32 = arith.constant 0 : i32
    %c0_i32_0 = arith.constant 0 : i32
    return %arg0, %c0_i32 : i32, i32
  }
  func.func @transform_4(%arg0: i32) -> (i32, i32) {
    %c0_i32 = arith.constant 0 : i32
    %c0_i32_0 = arith.constant 0 : i32
    %c0_i32_1 = arith.constant 0 : i32
    return %c0_i32, %c0_i32_0 : i32, i32
  }
  func.func @transform_5(%arg0: i32) -> (i32, i32) {
    %c0_i32 = arith.constant 0 : i32
    %c0_i32_0 = arith.constant 0 : i32
    %c0_i32_1 = arith.constant 0 : i32
    return %c0_i32, %c0_i32_0 : i32, i32
  }
  func.func @transform_6(%arg0: i32) -> (i32, i32) {
    %c0_i32 = arith.constant 0 : i32
    %c0_i32_0 = arith.constant 0 : i32
    %c0_i32_1 = arith.constant 0 : i32
    return %c0_i32, %c0_i32_0 : i32, i32
  }
  func.func @transform_7(%arg0: i32) -> (i32, i32) {
    %c0_i32 = arith.constant 0 : i32
    %c0_i32_0 = arith.constant 0 : i32
    return %arg0, %c0_i32 : i32, i32
  }
}

</mosaic_0001>

<sc_bundles>
// kernel: kernel.11.cloned.1.call-start
scs
__scs_entry_jumppad:
0x0: {  	(pc) =	sbr.rel $0x88, $3  }
0x1: {  	(tag) =	ssettag $0x0;
	lr =	simm.s32 $0x1  }
0x2: {  	[smem:$0x3F91] =	sst lr;
	_ =	strace $0xD0000000  }
0x3: {  	_ = 	snop  }
0x4: {  	_ = 	snop  }
0x5: {  	_ = 	snop  }
0x6: {  	_ = 	snop  }
0x7: {  	_ = 	snop  }
__scs_overlays_trampoline_lowered:
0x8: {  	[smem:$0x3FA0] =	sst s0  }
0x9: {  	[smem:$0x3FA1] =	sst s1  }
0xa: {  	[smem:$0x3FA2] =	sst s2  }
0xb: {  	[smem:$0x3FA3] =	sst s3  }
0xc: {  	[smem:$0x3FA4] =	sst s4  }
0xd: {  	[smem:$0x3FA5] =	sst s5  }
0xe: {  	[smem:$0x3FA6] =	sst s6  }
0xf: {  	[smem:$0x3FA7] =	sst s7  }
0x10: {  	[smem:$0x3FA8] =	sst s8  }
0x11: {  	[smem:$0x3FA9] =	sst s9;
	s0 =	simm.s32 @!p0 $0x0  }
0x12: {  	s1 =	sld [smem:$0x3F8F];
	s0 =	simm.s32 @p0 $0x1  }
0x13: {  	[smem:$0x3FAA] =	sst s0;
	s0 =	simm.s32 @!p1 $0x0  }
0x14: {  	s2 =	sld [smem:$0x3F8E];
	s0 =	simm.s32 @p1 $0x1  }
0x15: {  	[smem:$0x3FAB] =	sst s0;
	s0 =	simm.s32 @!p2 $0x0  }
0x16: {  	s3 =	sld [smem:$0x3FDB];
	s0 =	simm.s32 @p2 $0x1  }
0x17: {  	s4 =	simm.s32 $0x1BF5;
	[smem:$0x3FAD] =	sst s0  }
0x18: {  	s0 =	sld [smem:$0x3F90];
	_ =	swait.ge [sflag:s4], $0x0  }
0x19: {  	s7 =	sld [smem:$0x3F91]  }
0x1a: {  	s8 =	sadd.s32 $0xFFFFE003, lr  }
0x1b: {  	s9 =	sadd.s32 $0xFFFFFEF7, lr;
	s5 =	simm.s32 $0xFFFFFFFF;
	p2 =	slt.u32 s8, $0xFFFFF086  }
0x1c: {  	p1 =	slt.u32 s9, $0xF7A;
	s5 =	simm.s32 @!p2 $0x0  }
0x1d: {  	s5 =	simm.s32 @p1 $0x1;
	p0 =	seq.s32 s7, s2  }
0x1e: {  	s7 =	smul.u32 @!p0 $0xF7A, s2;
	p2 =	seq.s32 @!p0 s5, $0x0  }
0x1f: {  	s9 =	smul.u32 $0xF7A, s1;
	s8 =	simm.s32 @!p0 $0x1BF5;
	p2 =	por !p2, p0  }
0x20: {  	[sflag:s8] =	ssyncset.s32 @!p0 $0xFFFFF086;
	s6 =	sadd.s32 @!p0 s3, s7;
	s7 =	simm.s32 @!p0 $0x108  }
0x21: {  	s3 =	sadd.s32 s3, s9;
	s6 =	sadd.s32 @!p0 $0x88, s6;
	s7 =	simm.s32 @p2 $0x1082  }
0x22: {  	[simem:s7], [sflag:s8] =	dma.local @!p0 [hbm:s6], $0xF7A  }
0x23: {  	s9 =	sor.u32 $0xD0000000, s2;
	s6 =	simm.s32 $0x108;
	_ =	swait.ge @!p0 [sflag:s8], $0x0  }
0x24: {  	s3 =	sadd.s32 $0x88, s3;
	s6 =	simm.s32 @!p1 $0x1082;
	[sflag:s4] =	ssyncset.s32 $0xFFFFF086  }
0x25: {  	[simem:s6], [sflag:s4] =	dma.local [hbm:s3], $0xF7A  }
0x26: {  	[smem:$0x3F91] =	sst s1;
	(tag) =	ssettag s2;
	_ =	strace s9  }
0x27: {  	s1 =	sld [smem:$0x3FA1]  }
0x28: {  	s2 =	sld [smem:$0x3FA2]  }
0x29: {  	s4 =	sld [smem:$0x3FA4]  }
0x2a: {  	p0 =	seq.s32 s5, $0x0;
	s5 =	sld [smem:$0x3FA5]  }
0x2b: {  	s6 =	sld [smem:$0x3FA6]  }
0x2c: {  	s7 =	sld [smem:$0x3FA7]  }
0x2d: {  	s3 =	simm.s32 $0x108;
	s8 =	sld [smem:$0x3FA8]  }
0x2e: {  	s3 =	simm.s32 @!p0 $0x1082;
	s9 =	sld [smem:$0x3FA9]  }
0x2f: {  	lr =	sadd.s32 s0, s3;
	s0 =	sld [smem:$0x3FA0]  }
0x30: {  	s3 =	sld [smem:$0x3FA3]  }
0x31: {  	[smem:$0x3FAC] =	sst s10  }
0x32: {  	s10 =	sld [smem:$0x3FAA];
	_ =	sdelay $0x3  }
0x33: {  	p0 =	seq.s32 s10, $0x1;
	s10 =	sld [smem:$0x3FAC];
	_ =	sdelay $0x3  }
0x34: {  	[smem:$0x3FAC] =	sst s10  }
0x35: {  	s10 =	sld [smem:$0x3FAB];
	_ =	sdelay $0x3  }
0x36: {  	p1 =	seq.s32 s10, $0x1;
	s10 =	sld [smem:$0x3FAC];
	_ =	sdelay $0x3  }
0x37: {  	[smem:$0x3FAC] =	sst s10  }
0x38: {  	s10 =	sld [smem:$0x3FAD]  }
0x39: {  	_ = 	snop;
	(pc) =	sbr.ind lr, $3  }
0x3a: {  	_ = 	snop  }
0x3b: {  	_ = 	snop  }
0x3c: {  	p2 =	seq.s32 s10, $0x1;
	s10 =	sld [smem:$0x3FAC]  }
0x3d: {  	_ =	shalt  }
0x3e: {  	_ =	shalt  }
0x3f: {  	_ =	shalt  }
0x40: {  	_ =	shalt  }
0x41: {  	_ =	shalt  }
0x42: {  	_ =	shalt  }
0x43: {  	_ =	shalt  }
0x44: {  	_ =	shalt  }
0x45: {  	_ =	shalt  }
0x46: {  	_ =	shalt  }
0x47: {  	_ =	shalt  }
0x48: {  	_ =	shalt  }
0x49: {  	_ =	shalt  }
0x4a: {  	_ =	shalt  }
0x4b: {  	_ =	shalt  }
0x4c: {  	_ =	shalt  }
0x4d: {  	_ =	shalt  }
0x4e: {  	_ =	shalt  }
0x4f: {  	_ =	shalt  }
0x50: {  	_ =	shalt  }
0x51: {  	_ =	shalt  }
0x52: {  	_ =	shalt  }
0x53: {  	_ =	shalt  }
0x54: {  	_ =	shalt  }
0x55: {  	_ =	shalt  }
0x56: {  	_ =	shalt  }
0x57: {  	_ =	shalt  }
0x58: {  	_ =	shalt  }
0x59: {  	_ =	shalt  }
0x5a: {  	_ =	shalt  }
0x5b: {  	_ =	shalt  }
0x5c: {  	_ =	shalt  }
0x5d: {  	_ =	shalt  }
0x5e: {  	_ =	shalt  }
0x5f: {  	_ =	shalt  }
0x60: {  	_ =	shalt  }
0x61: {  	_ =	shalt  }
0x62: {  	_ =	shalt  }
0x63: {  	_ =	shalt  }
0x64: {  	_ =	shalt  }
0x65: {  	_ =	shalt  }
0x66: {  	_ =	shalt  }
0x67: {  	_ =	shalt  }
0x68: {  	_ =	shalt  }
0x69: {  	_ =	shalt  }
0x6a: {  	_ =	shalt  }
0x6b: {  	_ =	shalt  }
0x6c: {  	_ =	shalt  }
0x6d: {  	_ =	shalt  }
0x6e: {  	_ =	shalt  }
0x6f: {  	_ =	shalt  }
0x70: {  	_ =	shalt  }
0x71: {  	_ =	shalt  }
0x72: {  	_ =	shalt  }
0x73: {  	_ =	shalt  }
0x74: {  	_ =	shalt  }
0x75: {  	_ =	shalt  }
0x76: {  	_ =	shalt  }
0x77: {  	_ =	shalt  }
0x78: {  	_ =	shalt  }
0x79: {  	_ =	shalt  }
0x7a: {  	_ =	shalt  }
0x7b: {  	_ =	shalt  }
0x7c: {  	_ =	shalt  }
0x7d: {  	_ =	shalt  }
0x7e: {  	_ =	shalt  }
0x7f: {  	_ =	shalt  }
0x80: {  	_ =	shalt  }
0x81: {  	_ =	shalt  }
0x82: {  	_ =	shalt  }
0x83: {  	_ =	shalt  }
0x84: {  	_ =	shalt  }
0x85: {  	_ =	shalt  }
0x86: {  	_ =	shalt  }
0x87: {  	_ =	shalt  }
.Lfunc_end0:
.L_simem_size_0:
called_computation_lowered:
.L_overlay_start_0:
0x88: {  	s2 =	sld [smem:$0x3FD9]  }
0x89: {  	s3 =	sld [smem:$0x3FFE];
	_ =	sdelay $0x1  }
0x8a: {  	s1 =	srdreg.scid  }
0x8b: {  	s0 =	sand.u32 $0x1, s1  }
0x8c: {  	s16 =	sshll.u32 s0, $0xA;
	s2 =	sadd.s32 s3, s2  }
0x8d: {  	s2 =	sadd.s32 s2, s16  }
0x8e: {  	[smem:$0x3FB8] =	sst s2  }
0x8f: {  	_ = 	snop  }
0x90: {  	(tm) =	ssettm $0x1  }
0x91: {  	s17 =	sld [smem:$0x3FFB];
	_ =	sdelay $0x3  }
0x92: {  	_ =	strace s17  }
0x93: {  	s2 =	sld [smem:$0x3FFC];
	_ =	sdelay $0x3  }
0x94: {  	_ =	strace s2  }
0x95: {  	s2 =	sld [smem:$0x3FFD];
	_ =	sdelay $0x3  }
0x96: {  	_ =	strace s2  }
0x97: {  	_ =	strace $0x8FFFFFFF  }
0x98: {  	s18 =	sld [smem:$0x3FDB];
	_ =	sdelay $0x1  }
0x99: {  	s19 =	simm.s32 $_scs_section_size  }
0x9a: {  	s4 =	simm.s32 $_size__tile_overlayer_lowered;
	s5 =	simm.s32 $_tile_overlayer_lowered  }
0x9b: {  	s22 =	simm.s32 $0x1BFF;
	s21 =	sshll.u32 s5, $0x1;
	s2 =	sadd.s32 s19, s18  }
0x9c: {  	s6 =	simm.s32 $0x0;
	s20 =	sshll.u32 s4, $0x1;
	s4 =	sadd.s32 s21, s2  }
0x9d: {  	[timem:s6], [sflag:s22] =	dma.local [hbm:s4], s20  }
0x9e: {  	_ =	swait.ge [sflag:s22], s20  }
0x9f: {  	s3 =	ssub.s32 $0x0, s20;
	[sflag:s22] =	ssyncset.done $0x0  }
0xa0: {  	[sflag:s22] =	ssyncadd.s32 s3;
	_ =	sdelay $0x1  }
0xa1: {  	s23 =	simm.s32 $0x1B8B  }
0xa2: {  	_ =	swait.ge [sflag:s23], $0x1  }
0xa3: {  	[sflag:s23] =	ssyncset.done $0x0  }
0xa4: {  	s25 =	simm.s32 $0x1B8E;
	s24 =	sld [smem:$0x3FFE];
	[sflag:s23] =	ssyncadd.s32 $0xFFFFFFFF  }
0xa5: {  	s26 =	simm.s32 $execute0_lowered;
	[smem:$0x3FD2] =	sst s25  }
0xa6: {  	s4 =	sshll.u32 s26, $0x1;
	_ =	strace $0x80000046;
	[dreg:$0x1] =	wrdreg $0xFFFFFFFF  }
0xa7: {  	s28 =	simm.s32 $_size_execute0_lowered;
	s2 =	sadd.s32 s2, s4;
	[dreg:$0x0] =	wrdreg $0x0  }
0xa8: {  	s4 =	sshll.u32 s28, $0x1;
	[dreg:$0x2] =	wrdreg s2  }
0xa9: {  	[dreg:$0x3] =	wrdreg s4  }
0xaa: {  	[dreg:$0x4] =	wrdreg $0xC0  }
0xab: {  	_ =	task [dreg:s6], $0x5FFFF  }
0xac: {  	[dreg:$0x1] =	wrdreg $0xFFFFFFFF  }
0xad: {  	[dreg:$0x0] =	wrdreg $0x60  }
0xae: {  	[dreg:$0x2] =	wrdreg s24  }
0xaf: {  	[dreg:$0x3] =	wrdreg $0xA8000  }
0xb0: {  	[dreg:$0x4] =	wrdreg $0x9  }
0xb1: {  	_ =	task.clear_ibuf [dreg:s6], $0x5FFFF;
	_ =	strace $0x90000046  }
0xb2: {  	s29 =	simm.s32 $0x9;
	_ =	strace $0x80000048  }
0xb3: {  	_ =	swait.ge [sflag:s29], $0x1  }
0xb4: {  	[sflag:s29] =	ssyncadd.s32 $0xFFFFFFFF  }
0xb5: {  	_ =	strace $0x90000048  }
0xb6: {  	_ =	sfence  }
0xb7: {  	s30 =	sld [smem:$0x0];
	_ =	sdelay $0x2  }
0xb8: {  	s31 =	sshll.u32 s1, $0xD;
	s1 =	sshrl.u32 s1, $0x2  }
0xb9: {  	s3 =	sand.u32 $0x4000, s31;
	s1 =	sadd.s32 s1, s30  }
0xba: {  	s0 =	sor.u32 s3, s0;
	s1 =	sshll.u32 s1, $0x11  }
0xbb: {  	s0 =	sor.u32 s1, s0  }
0xbc: {  	s0 =	sadd.s32 $0x8F2B, s0  }
0xbd: {  	[sflag:s0] =	ssyncadd.remote.s32 $0x1  }
0xbe: {  	_ =	sfence.sel $0xFFFF  }
0xbf: {  	[dreg:$0x0] =	wrdreg $0xFFFFFFFF;
	(pc) =	sbr.abs _section_cstart, $3  }
0xc0: {  	[dreg:$0x1] =	wrdreg $0xFFFFFFFF  }
0xc1: {  	_ =	task.clear_ibuf [dreg:s6], $0x2FFFF;
	_ =	strace $0x9FFFFFFF  }
0xc2: {  	(tm) =	ssettm $0x7FFFFFFF  }
0xc3: {  	_ =	shalt  }
tec
execute0_lowered:
.L_overlay_start_1:
0x0: {  	(tag) =	ssettag $0x1  }
0x1: {  	s4 =	rddreg [dreg:$0x0]  }
0x2: {  	s2 =	rddreg [dreg:$0x1];
	s1 =	stileid.u32  }
0x3: {  	s0 =	rddreg [dreg:$0x2];
	s5 =	smul.u32 $0xA00, s1  }
0x4: {  	s6 =	srdreg.scid;
	s30 =	smul.u32 $0x50000, s1  }
0x5: {  	s3 =	simm.s32 $0x0;
	s9 =	sand.u32 $0x1, s6;
	s16 =	smul.u32 $0x2800, s1  }
0x6: {  	[smem:$0x7FF] =	sst s3;
	s17 =	sshll.u32 s1, $0x6;
	s7 =	smul.u32 $0x28000, s9  }
0x7: {  	_ =	strace $0x80000047;
	s8 =	ssub.s32 $0x2, s9;
	s14 =	smul.u32 $0x500, s9  }
0x8: {  	s10 =	sadd.s32 s5, s4;
	s31 =	sshrl.u32 s8, $0x1;
	s6 =	sshrl.u32 s30, $0x2  }
0x9: {  	s11 =	sadd.s32 s7, s4;
	s12 =	ssub.s32 s8, s31;
	s4 =	sadd.s32 s6, s2  }
0xa: {  	s13 =	sadd.s32 $0x4C00, s10;
	s10 =	simm.s32 $0x6800;
	s5 =	sadd.s32 $0x4000, s4  }
0xb: {  	s6 =	sadd.s32 $0x8000, s4;
	s7 =	sadd.s32 $0xC000, s4;
	s8 =	sadd.s32 $0x10000, s4  }
0xc: {  	s15 =	sadd.s32 $0xEC00, s11;
	s9 =	smax.u32 s12, $0x1;
	s11 =	simm.s32 $0x1  }
0xd: {  	s12 =	sadd.s32 s14, s13;
	s13 =	simm.s32 $0x80;
	s14 =	simm.s32 $0x2800  }
0xe: {  	v0 =	vimm.f32 $1.000000000e+00;
	v1 =	vimm.f32 $0.0e+00;
	s15 =	sadd.s32 s16, s15;
	s16 =	sor.u32 $0x1C01, s17;
	s17 =	sshrl.u32 s4, $0x3  }
.LBB2_1:
0xf: {  	s18 =	simm.s32 $0x200;
	s19 =	simm.s32 $0x0  }
.LBB2_2:
0x10: {  	p0 =	sne.s32 s18, $0xFE00;
	[tilespmem:s19+$0x2800] =	vst v0;
	s20 =	smov.u32 s18;
	s18 =	sadd.s32 $0x200, s18  }
.Ltmp0:
0x11: {  	[tilespmem:s19+$0x6800] =	vst v1;
	(pc) =	sbr.rel @p0 .LBB2_2-.Ltmp0, $2  }
0x12: {  	_ =	sdelay $0x2  }
0x13: {  	s19 =	sshra.s32 s20, $0x2  }
0x14: {  	[tilespmem:s19+$0x2800] =	vst v0  }
0x15: {  	[tilespmem:s19+$0x6800] =	vst v1  }
0x16: {  	[spmem:s4] =	stream.linear.scatter [tilespmem:s10], [sflag:$0x1], $0x4000, $0x38;
	[tilespmem:$0xD000] =	vst v63  }
0x17: {  	_ =	swait.ge [sflag:s11], $0x4000  }
0x18: {  	[sflag:s11] =	ssyncset.done $0x0  }
0x19: {  	[sflag:s11] =	ssyncadd.s32 $0xFFFFC000  }
0x1a: {  	[spmem:s5] =	stream.linear.scatter [tilespmem:s10], [sflag:$0x1], $0x4000, $0x38;
	[tilespmem:$0xD000] =	vst v63  }
0x1b: {  	_ =	swait.ge [sflag:s11], $0x4000  }
0x1c: {  	[sflag:s11] =	ssyncset.done $0x0  }
0x1d: {  	[sflag:s11] =	ssyncadd.s32 $0xFFFFC000  }
0x1e: {  	[spmem:s6] =	stream.linear.scatter [tilespmem:s10], [sflag:$0x1], $0x4000, $0x38;
	[tilespmem:$0xD000] =	vst v63  }
0x1f: {  	_ =	swait.ge [sflag:s11], $0x4000  }
0x20: {  	[sflag:s11] =	ssyncset.done $0x0  }
0x21: {  	[sflag:s11] =	ssyncadd.s32 $0xFFFFC000  }
0x22: {  	[spmem:s7] =	stream.linear.scatter [tilespmem:s10], [sflag:$0x1], $0x4000, $0x38;
	[tilespmem:$0xD000] =	vst v63  }
0x23: {  	_ =	swait.ge [sflag:s11], $0x4000  }
0x24: {  	[sflag:s11] =	ssyncset.done $0x0  }
0x25: {  	[sflag:s11] =	ssyncadd.s32 $0xFFFFC000  }
0x26: {  	[spmem:s8] =	stream.linear.scatter [tilespmem:s10], [sflag:$0x1], $0x4000, $0x38;
	[tilespmem:$0xD000] =	vst v63  }
0x27: {  	_ =	swait.ge [sflag:s11], $0x4000  }
0x28: {  	[sflag:s11] =	ssyncset.done $0x0  }
0x29: {  	s18 =	simm.s32 $0x0;
	[sflag:s11] =	ssyncadd.s32 $0xFFFFC000  }
0x2a: {  	[tilespmem:s18], [sflag:$0x1] =	stream.linear.gather [hbm4b:s12+s18], $0x2800, $0x38;
	[tilespmem:$0xD000] =	vst v63  }
0x2b: {  	_ =	swait.ge [sflag:s11], $0x2800  }
0x2c: {  	[sflag:s11] =	ssyncset.done $0x0  }
0x2d: {  	[sflag:s11] =	ssyncadd.s32 $0xFFFFD800  }
0x2e: {  	s31 =	simm.s32 $0x0;
	[bflag:$0x0] =	sbarrier.arrive $0xFFFF  }
0x2f: {  	[spmem:s2] =	stream.indirect.scatter.add.f32 [tilespmem:s14], [sflag:$0x1], $0x10, s31, s13, $0xb8;
	[tilespmem:$0xD000] =	vst v63  }
0x30: {  	_ =	swait.ge [sflag:s11], $0x800  }
0x31: {  	s18 =	simm.s32 $0x200;
	[sflag:s11] =	ssyncset.done $0x0  }
.LBB2_4:
0x32: {  	s19 =	sshra.s32 s18, $0x2;
	[sflag:s11] =	ssyncadd.s32 $0xFFFFF800;
	p0 =	sne.s32 s18, $0x9E00  }
0x33: {  	[spmem:s2] =	stream.indirect.scatter.add.f32 [tilespmem:s14], [sflag:$0x1], $0x10, s19, s13, $0xb8;
	[tilespmem:$0xD000] =	vst v63  }
.Ltmp1:
0x34: {  	_ = 	snop;
	(pc) =	sbr.rel @p0 .LBB2_4-.Ltmp1, $4  }
0x35: {  	_ = 	snop  }
0x36: {  	s18 =	sadd.s32 $0x200, s18  }
0x37: {  	_ =	swait.ge [sflag:s11], $0x800  }
0x38: {  	[sflag:s11] =	ssyncset.done $0x0  }
0x39: {  	s3 =	sadd.s32 $0x1, s3  }
0x3a: {  	[sflag:s11] =	ssyncadd.s32 $0xFFFFF800;
	p0 =	sne.s32 s3, s9  }
.Ltmp2:
0x3b: {  	[bflag:$0x0] =	sbarrier.arrive $0xFFFF;
	(pc) =	sbr.rel @p0 .LBB2_1-.Ltmp2, $4  }
0x3c: {  	[hbm:s15], [sflag:s16] =	dma.local [spmem:s17], $0x2800  }
0x3d: {  	_ =	swait.ge [sflag:s11], $0x2800  }
0x3e: {  	[sflag:s11] =	ssyncset.done $0x0  }
0x3f: {  	[sflag:s11] =	ssyncadd.s32 $0xFFFFD800  }
0x40: {  	_ =	sfence.sel $0x180000  }
0x41: {  	[bflag:$0x0] =	sbarrier.arrive $0xFFFF  }
0x42: {  	p0 =	sne.s32 s1, $0x0;
	_ =	strace $0x90000047  }
0x43: {  	s0 =	sadd.s32 @!p0 $0x100000, s0;
	[bflag:$0x2] =	sbarrier.arrive $0xFFFF  }
0x44: {  	[sflag:s0] =	ssyncadd.tile.s32 @!p0 $0x1;
	_ =	shalt  }
.Lfunc_end2:
_tile_overlayer_lowered:
.L_overlay_start_2:
0x45: {  	(tag) =	ssettag $0x2  }
0x46: {  	s0 =	rddreg [dreg:$0x0];
	s2 =	stileid.u32  }
0x47: {  	s1 =	rddreg [dreg:$0x1];
	p0 =	sne.s32 s2, $0x0  }
0x48: {  	s3 =	rddreg [dreg:$0x2];
	[bflag:$0x3] =	sbarrier.arrive $0xFFFF;
	s2 =	simm.s32 @!p0 $0x1C01  }
0x49: {  	[timem:s3], [sflag:s2] =	dma.local @!p0 [hbm:s0], s1  }
0x4a: {  	s0 =	simm.s32 @!p0 $0x1  }
0x4b: {  	_ =	swait.ge @!p0 [sflag:s0], s1  }
0x4c: {  	s1 =	ssub.s32 @!p0 $0x0, s1;
	[sflag:s0] =	ssyncset.done @!p0 $0x0  }
0x4d: {  	[sflag:s0] =	ssyncadd.s32 @!p0 s1  }
0x4e: {  	[bflag:$0x3] =	sbarrier.arrive $0xFFFF  }
0x4f: {  	_ =	shalt  }

// kernel: kernel.14.cloned.1.call-start
scs
__scs_entry_jumppad:
0x0: {  	(pc) =	sbr.rel $0x88, $3  }
0x1: {  	(tag) =	ssettag $0x0;
	lr =	simm.s32 $0x1  }
0x2: {  	[smem:$0x3F91] =	sst lr;
	_ =	strace $0xD0000000  }
0x3: {  	_ = 	snop  }
0x4: {  	_ = 	snop  }
0x5: {  	_ = 	snop  }
0x6: {  	_ = 	snop  }
0x7: {  	_ = 	snop  }
__scs_overlays_trampoline_lowered:
0x8: {  	[smem:$0x3FA0] =	sst s0  }
0x9: {  	[smem:$0x3FA1] =	sst s1  }
0xa: {  	[smem:$0x3FA2] =	sst s2  }
0xb: {  	[smem:$0x3FA3] =	sst s3  }
0xc: {  	[smem:$0x3FA4] =	sst s4  }
0xd: {  	[smem:$0x3FA5] =	sst s5  }
0xe: {  	[smem:$0x3FA6] =	sst s6  }
0xf: {  	[smem:$0x3FA7] =	sst s7  }
0x10: {  	[smem:$0x3FA8] =	sst s8  }
0x11: {  	[smem:$0x3FA9] =	sst s9;
	s0 =	simm.s32 @!p0 $0x0  }
0x12: {  	s1 =	sld [smem:$0x3F8F];
	s0 =	simm.s32 @p0 $0x1  }
0x13: {  	[smem:$0x3FAA] =	sst s0;
	s0 =	simm.s32 @!p1 $0x0  }
0x14: {  	s2 =	sld [smem:$0x3F8E];
	s0 =	simm.s32 @p1 $0x1  }
0x15: {  	[smem:$0x3FAB] =	sst s0;
	s0 =	simm.s32 @!p2 $0x0  }
0x16: {  	s3 =	sld [smem:$0x3FDB];
	s0 =	simm.s32 @p2 $0x1  }
0x17: {  	s4 =	simm.s32 $0x1BF5;
	[smem:$0x3FAD] =	sst s0  }
0x18: {  	s0 =	sld [smem:$0x3F90];
	_ =	swait.ge [sflag:s4], $0x0  }
0x19: {  	s7 =	sld [smem:$0x3F91]  }
0x1a: {  	s8 =	sadd.s32 $0xFFFFE003, lr  }
0x1b: {  	s9 =	sadd.s32 $0xFFFFFEF7, lr;
	s5 =	simm.s32 $0xFFFFFFFF;
	p2 =	slt.u32 s8, $0xFFFFF086  }
0x1c: {  	p1 =	slt.u32 s9, $0xF7A;
	s5 =	simm.s32 @!p2 $0x0  }
0x1d: {  	s5 =	simm.s32 @p1 $0x1;
	p0 =	seq.s32 s7, s2  }
0x1e: {  	s7 =	smul.u32 @!p0 $0xF7A, s2;
	p2 =	seq.s32 @!p0 s5, $0x0  }
0x1f: {  	s9 =	smul.u32 $0xF7A, s1;
	s8 =	simm.s32 @!p0 $0x1BF5;
	p2 =	por !p2, p0  }
0x20: {  	[sflag:s8] =	ssyncset.s32 @!p0 $0xFFFFF086;
	s6 =	sadd.s32 @!p0 s3, s7;
	s7 =	simm.s32 @!p0 $0x108  }
0x21: {  	s3 =	sadd.s32 s3, s9;
	s6 =	sadd.s32 @!p0 $0x88, s6;
	s7 =	simm.s32 @p2 $0x1082  }
0x22: {  	[simem:s7], [sflag:s8] =	dma.local @!p0 [hbm:s6], $0xF7A  }
0x23: {  	s9 =	sor.u32 $0xD0000000, s2;
	s6 =	simm.s32 $0x108;
	_ =	swait.ge @!p0 [sflag:s8], $0x0  }
0x24: {  	s3 =	sadd.s32 $0x88, s3;
	s6 =	simm.s32 @!p1 $0x1082;
	[sflag:s4] =	ssyncset.s32 $0xFFFFF086  }
0x25: {  	[simem:s6], [sflag:s4] =	dma.local [hbm:s3], $0xF7A  }
0x26: {  	[smem:$0x3F91] =	sst s1;
	(tag) =	ssettag s2;
	_ =	strace s9  }
0x27: {  	s1 =	sld [smem:$0x3FA1]  }
0x28: {  	s2 =	sld [smem:$0x3FA2]  }
0x29: {  	s4 =	sld [smem:$0x3FA4]  }
0x2a: {  	p0 =	seq.s32 s5, $0x0;
	s5 =	sld [smem:$0x3FA5]  }
0x2b: {  	s6 =	sld [smem:$0x3FA6]  }
0x2c: {  	s7 =	sld [smem:$0x3FA7]  }
0x2d: {  	s3 =	simm.s32 $0x108;
	s8 =	sld [smem:$0x3FA8]  }
0x2e: {  	s3 =	simm.s32 @!p0 $0x1082;
	s9 =	sld [smem:$0x3FA9]  }
0x2f: {  	lr =	sadd.s32 s0, s3;
	s0 =	sld [smem:$0x3FA0]  }
0x30: {  	s3 =	sld [smem:$0x3FA3]  }
0x31: {  	[smem:$0x3FAC] =	sst s10  }
0x32: {  	s10 =	sld [smem:$0x3FAA];
	_ =	sdelay $0x3  }
0x33: {  	p0 =	seq.s32 s10, $0x1;
	s10 =	sld [smem:$0x3FAC];
	_ =	sdelay $0x3  }
0x34: {  	[smem:$0x3FAC] =	sst s10  }
0x35: {  	s10 =	sld [smem:$0x3FAB];
	_ =	sdelay $0x3  }
0x36: {  	p1 =	seq.s32 s10, $0x1;
	s10 =	sld [smem:$0x3FAC];
	_ =	sdelay $0x3  }
0x37: {  	[smem:$0x3FAC] =	sst s10  }
0x38: {  	s10 =	sld [smem:$0x3FAD]  }
0x39: {  	_ = 	snop;
	(pc) =	sbr.ind lr, $3  }
0x3a: {  	_ = 	snop  }
0x3b: {  	_ = 	snop  }
0x3c: {  	p2 =	seq.s32 s10, $0x1;
	s10 =	sld [smem:$0x3FAC]  }
0x3d: {  	_ =	shalt  }
0x3e: {  	_ =	shalt  }
0x3f: {  	_ =	shalt  }
0x40: {  	_ =	shalt  }
0x41: {  	_ =	shalt  }
0x42: {  	_ =	shalt  }
0x43: {  	_ =	shalt  }
0x44: {  	_ =	shalt  }
0x45: {  	_ =	shalt  }
0x46: {  	_ =	shalt  }
0x47: {  	_ =	shalt  }
0x48: {  	_ =	shalt  }
0x49: {  	_ =	shalt  }
0x4a: {  	_ =	shalt  }
0x4b: {  	_ =	shalt  }
0x4c: {  	_ =	shalt  }
0x4d: {  	_ =	shalt  }
0x4e: {  	_ =	shalt  }
0x4f: {  	_ =	shalt  }
0x50: {  	_ =	shalt  }
0x51: {  	_ =	shalt  }
0x52: {  	_ =	shalt  }
0x53: {  	_ =	shalt  }
0x54: {  	_ =	shalt  }
0x55: {  	_ =	shalt  }
0x56: {  	_ =	shalt  }
0x57: {  	_ =	shalt  }
0x58: {  	_ =	shalt  }
0x59: {  	_ =	shalt  }
0x5a: {  	_ =	shalt  }
0x5b: {  	_ =	shalt  }
0x5c: {  	_ =	shalt  }
0x5d: {  	_ =	shalt  }
0x5e: {  	_ =	shalt  }
0x5f: {  	_ =	shalt  }
0x60: {  	_ =	shalt  }
0x61: {  	_ =	shalt  }
0x62: {  	_ =	shalt  }
0x63: {  	_ =	shalt  }
0x64: {  	_ =	shalt  }
0x65: {  	_ =	shalt  }
0x66: {  	_ =	shalt  }
0x67: {  	_ =	shalt  }
0x68: {  	_ =	shalt  }
0x69: {  	_ =	shalt  }
0x6a: {  	_ =	shalt  }
0x6b: {  	_ =	shalt  }
0x6c: {  	_ =	shalt  }
0x6d: {  	_ =	shalt  }
0x6e: {  	_ =	shalt  }
0x6f: {  	_ =	shalt  }
0x70: {  	_ =	shalt  }
0x71: {  	_ =	shalt  }
0x72: {  	_ =	shalt  }
0x73: {  	_ =	shalt  }
0x74: {  	_ =	shalt  }
0x75: {  	_ =	shalt  }
0x76: {  	_ =	shalt  }
0x77: {  	_ =	shalt  }
0x78: {  	_ =	shalt  }
0x79: {  	_ =	shalt  }
0x7a: {  	_ =	shalt  }
0x7b: {  	_ =	shalt  }
0x7c: {  	_ =	shalt  }
0x7d: {  	_ =	shalt  }
0x7e: {  	_ =	shalt  }
0x7f: {  	_ =	shalt  }
0x80: {  	_ =	shalt  }
0x81: {  	_ =	shalt  }
0x82: {  	_ =	shalt  }
0x83: {  	_ =	shalt  }
0x84: {  	_ =	shalt  }
0x85: {  	_ =	shalt  }
0x86: {  	_ =	shalt  }
0x87: {  	_ =	shalt  }
.Lfunc_end0:
.L_simem_size_0:
called_computation.1_lowered:
.L_overlay_start_0:
0x88: {  	s2 =	sld [smem:$0x3FD9]  }
0x89: {  	s3 =	sld [smem:$0x3FFE];
	_ =	sdelay $0x1  }
0x8a: {  	s1 =	srdreg.scid  }
0x8b: {  	s0 =	sand.u32 $0x1, s1  }
0x8c: {  	s17 =	sshll.u32 s0, $0xA;
	s2 =	sadd.s32 s3, s2  }
0x8d: {  	s2 =	sadd.s32 s2, s17  }
0x8e: {  	[smem:$0x3FB8] =	sst s2  }
0x8f: {  	_ = 	snop  }
0x90: {  	s2 =	sld [smem:$0x3FD0];
	(tm) =	ssettm $0x1  }
0x91: {  	s18 =	sld [smem:$0x3FFB];
	_ =	sdelay $0x3  }
0x92: {  	_ =	strace s18  }
0x93: {  	s3 =	sld [smem:$0x3FFC];
	_ =	sdelay $0x3  }
0x94: {  	_ =	strace s3  }
0x95: {  	s3 =	sld [smem:$0x3FFD];
	_ =	sdelay $0x3  }
0x96: {  	_ =	strace s3  }
0x97: {  	_ =	strace $0x8FFFFFFF  }
0x98: {  	s19 =	sld [smem:$0x3FDB];
	_ =	sdelay $0x1  }
0x99: {  	s4 =	simm.s32 $_scs_section_size  }
0x9a: {  	s5 =	simm.s32 $_size__tile_overlayer_lowered;
	s6 =	simm.s32 $_tile_overlayer_lowered  }
0x9b: {  	s22 =	simm.s32 $0x1BFF;
	s21 =	sshll.u32 s6, $0x1;
	s3 =	sadd.s32 s4, s19  }
0x9c: {  	s7 =	simm.s32 $0x0;
	s20 =	sshll.u32 s5, $0x1;
	s5 =	sadd.s32 s21, s3  }
0x9d: {  	[timem:s7], [sflag:s22] =	dma.local [hbm:s5], s20  }
0x9e: {  	_ =	swait.ge [sflag:s22], s20  }
0x9f: {  	s4 =	ssub.s32 $0x0, s20;
	[sflag:s22] =	ssyncset.done $0x0  }
0xa0: {  	[sflag:s22] =	ssyncadd.s32 s4;
	_ =	sdelay $0x1  }
0xa1: {  	s23 =	simm.s32 $0x1B8B  }
0xa2: {  	_ =	swait.ge [sflag:s23], $0x1  }
0xa3: {  	[sflag:s23] =	ssyncset.done $0x0  }
0xa4: {  	s25 =	simm.s32 $0x1B8E;
	s24 =	sld [smem:$0x3FFE];
	[sflag:s23] =	ssyncadd.s32 $0xFFFFFFFF  }
0xa5: {  	s26 =	simm.s32 $execute0_lowered;
	[smem:$0x3FD2] =	sst s25  }
0xa6: {  	s5 =	sshll.u32 s26, $0x1;
	_ =	strace $0x80000049;
	[dreg:$0x1] =	wrdreg $0xFFFFFFFF  }
0xa7: {  	s28 =	simm.s32 $_size_execute0_lowered;
	s3 =	sadd.s32 s3, s5;
	[dreg:$0x0] =	wrdreg $0x0  }
0xa8: {  	s5 =	sshll.u32 s28, $0x1;
	[dreg:$0x2] =	wrdreg s3  }
0xa9: {  	[dreg:$0x3] =	wrdreg s5  }
0xaa: {  	[dreg:$0x4] =	wrdreg $0xC0  }
0xab: {  	_ =	task [dreg:s7], $0x5FFFF  }
0xac: {  	[dreg:$0x1] =	wrdreg $0xFFFFFFFF  }
0xad: {  	[dreg:$0x0] =	wrdreg $0x60  }
0xae: {  	[dreg:$0x2] =	wrdreg s24  }
0xaf: {  	[dreg:$0x3] =	wrdreg s2  }
0xb0: {  	[dreg:$0x4] =	wrdreg $0x120000  }
0xb1: {  	[dreg:$0x5] =	wrdreg $0x9  }
0xb2: {  	_ =	task.clear_ibuf [dreg:s7], $0x6FFFF;
	_ =	strace $0x90000049  }
0xb3: {  	s29 =	simm.s32 $0x9;
	_ =	strace $0x8000004B  }
0xb4: {  	_ =	swait.ge [sflag:s29], $0x1  }
0xb5: {  	[sflag:s29] =	ssyncadd.s32 $0xFFFFFFFF  }
0xb6: {  	_ =	strace $0x9000004B  }
0xb7: {  	_ =	sfence  }
0xb8: {  	s30 =	sld [smem:$0x0];
	_ =	sdelay $0x2  }
0xb9: {  	s31 =	sshll.u32 s1, $0xD;
	s1 =	sshrl.u32 s1, $0x2  }
0xba: {  	s3 =	sand.u32 $0x4000, s31;
	s1 =	sadd.s32 s1, s30  }
0xbb: {  	s0 =	sor.u32 s3, s0;
	s1 =	sshll.u32 s1, $0x11  }
0xbc: {  	s0 =	sor.u32 s1, s0  }
0xbd: {  	s0 =	sadd.s32 $0x8F2B, s0  }
0xbe: {  	[sflag:s0] =	ssyncadd.remote.s32 $0x1  }
0xbf: {  	_ =	sfence.sel $0xFFFF  }
0xc0: {  	[dreg:$0x0] =	wrdreg $0xFFFFFFFF;
	(pc) =	sbr.abs _section_cstart, $3  }
0xc1: {  	[dreg:$0x1] =	wrdreg $0xFFFFFFFF  }
0xc2: {  	_ =	task.clear_ibuf [dreg:s7], $0x2FFFF;
	_ =	strace $0x9FFFFFFF  }
0xc3: {  	(tm) =	ssettm $0x7FFFFFFF  }
tec
execute0_lowered:
.L_overlay_start_1:
0x0: {  	(tag) =	ssettag $0x1  }
0x1: {  	s5 =	rddreg [dreg:$0x0]  }
0x2: {  	s2 =	rddreg [dreg:$0x1]  }
0x3: {  	s0 =	stileid.u32;
	s1 =	srdreg.scid  }
0x4: {  	s3 =	rddreg [dreg:$0x2];
	s6 =	smul.u32 $0xA00, s0  }
0x5: {  	s4 =	simm.s32 $0x0;
	s14 =	simm.s32 $0x80;
	s8 =	smul.u32 $0x29000, s0  }
0x6: {  	s10 =	sand.u32 $0x1, s1;
	s1 =	rddreg [dreg:$0x3];
	s13 =	smul.u32 $0x28000, s0  }
0x7: {  	s15 =	simm.s32 $0x1;
	[smem:$0x7FF] =	sst s4;
	s19 =	smul.u32 $0x1400, s0  }
0x8: {  	s7 =	smul.u32 $0x14000, s10;
	_ =	strace $0x8000004A;
	s28 =	ssub.s32 $0x2, s10  }
0x9: {  	s16 =	smul.u32 $0x1400, s10;
	s9 =	sadd.s32 s6, s5;
	s29 =	sshrl.u32 s28, $0x1  }
0xa: {  	s30 =	sshrl.u32 s8, $0x2;
	s31 =	sshrl.u32 s13, $0x2;
	s13 =	simm.s32 $0x5000  }
0xb: {  	s11 =	sadd.s32 s7, s5;
	s12 =	ssub.s32 s28, s29;
	s5 =	sadd.s32 s30, s3  }
0xc: {  	s8 =	sadd.s32 $0x5EC00, s9;
	s9 =	sadd.s32 $0x4C00, s9;
	s18 =	sadd.s32 s31, s3  }
0xd: {  	v0 =	vmov s16;
	s16 =	simm.s32 $0xE000;
	s6 =	sadd.s32 $0x4000, s5;
	s7 =	sadd.s32 $0x8000, s5  }
0xe: {  	s17 =	sadd.s32 $0x35E00, s11;
	s10 =	smax.u32 s12, $0x1;
	s11 =	simm.s32 $0xA000  }
0xf: {  	v1 =	vimm.f32 $0.0e+00;
	s12 =	simm.s32 $0x2;
	s18 =	sshrl.u32 s18, $0x3;
	s17 =	sadd.s32 s19, s17  }
.LBB2_1:
0x10: {  	s19 =	simm.s32 $0x0;
	s20 =	simm.s32 $0x200  }
.LBB2_2:
0x11: {  	p0 =	sne.s32 s20, $0xFE00;
	[tilespmem:s19+$0xA070] =	vst v1  }
0x12: {  	[tilespmem:s19+$0xA000] =	vst v1  }
0x13: {  	[tilespmem:s19+$0xA010] =	vst v1  }
.Ltmp0:
0x14: {  	[tilespmem:s19+$0xA020] =	vst v1;
	(pc) =	sbr.rel @p0 .LBB2_2-.Ltmp0, $4  }
0x15: {  	[tilespmem:s19+$0xA030] =	vst v1  }
0x16: {  	[tilespmem:s19+$0xA040] =	vst v1  }
0x17: {  	[tilespmem:s19+$0xA050] =	vst v1  }
0x18: {  	[tilespmem:s19+$0xA060] =	vst v1;
	s19 =	sshra.s32 s20, $0x2;
	s20 =	sadd.s32 $0x200, s20  }
0x19: {  	[tilespmem:s19+$0xA070] =	vst v1  }
0x1a: {  	[tilespmem:s19+$0xA000] =	vst v1  }
0x1b: {  	[tilespmem:s19+$0xA010] =	vst v1  }
0x1c: {  	[tilespmem:s19+$0xA020] =	vst v1  }
0x1d: {  	[tilespmem:s19+$0xA030] =	vst v1  }
0x1e: {  	[tilespmem:s19+$0xA040] =	vst v1  }
0x1f: {  	[tilespmem:s19+$0xA050] =	vst v1  }
0x20: {  	[tilespmem:s19+$0xA060] =	vst v1  }
0x21: {  	[spmem:s5] =	stream.linear.scatter [tilespmem:s11], [sflag:$0x2], $0x4000, $0x38;
	[tilespmem:$0x1C400] =	vst v63  }
0x22: {  	_ =	swait.ge [sflag:s12], $0x4000  }
0x23: {  	[sflag:s12] =	ssyncset.done $0x0  }
0x24: {  	[sflag:s12] =	ssyncadd.s32 $0xFFFFC000  }
0x25: {  	[spmem:s6] =	stream.linear.scatter [tilespmem:s11], [sflag:$0x2], $0x4000, $0x38;
	[tilespmem:$0x1C400] =	vst v63  }
0x26: {  	_ =	swait.ge [sflag:s12], $0x4000  }
0x27: {  	[sflag:s12] =	ssyncset.done $0x0  }
0x28: {  	[sflag:s12] =	ssyncadd.s32 $0xFFFFC000  }
0x29: {  	[spmem:s7] =	stream.linear.scatter [tilespmem:s11], [sflag:$0x2], $0x2400, $0x38;
	[tilespmem:$0x1C400] =	vst v63  }
0x2a: {  	_ =	swait.ge [sflag:s12], $0x2400  }
0x2b: {  	[sflag:s12] =	ssyncset.done $0x0  }
0x2c: {  	s31 =	simm.s32 $0x0;
	[sflag:s12] =	ssyncadd.s32 $0xFFFFDC00  }
0x2d: {  	[tilespmem:s31], [sflag:$0x2] =	stream.linear.gather [hbm4b:s8+s31], $0x5000, $0x38;
	[tilespmem:$0x1C400] =	vst v63  }
0x2e: {  	_ =	swait.ge [sflag:s12], $0x5000  }
0x2f: {  	[sflag:s12] =	ssyncset.done $0x0  }
0x30: {  	[sflag:s12] =	ssyncadd.s32 $0xFFFFB000  }
0x31: {  	[tilespmem:s13], [sflag:$0x2] =	stream.linear.gather [hbm4b:s9+s31], $0x5000, $0x38;
	[tilespmem:$0x1C400] =	vst v63  }
0x32: {  	_ =	swait.ge [sflag:s12], $0x5000  }
0x33: {  	[sflag:s12] =	ssyncset.done $0x0  }
0x34: {  	s19 =	simm.s32 $0x0;
	[sflag:s12] =	ssyncadd.s32 $0xFFFFB000  }
0x35: {  	v2 =	vld [tilespmem:s19+$0x5000]  }
0x36: {  	v7 =	vld [tilespmem:s19+$0x5010]  }
0x37: {  	v6 =	vld [tilespmem:s19+$0x5020]  }
0x38: {  	v5 =	vld [tilespmem:s19+$0x5030]  }
0x39: {  	v4 =	vld [tilespmem:s19+$0x5040]  }
0x3a: {  	v3 =	vld [tilespmem:s19+$0x5050];
	v8 =	vsub.s32 v2, v0  }
0x3b: {  	s20 =	simm.s32 $0x200;
	v7 =	vsub.s32 v7, v0;
	v2 =	vld [tilespmem:s19+$0x5060];
	vm0 =	vlt.u32 v8, $0x1400  }
.LBB2_4:
0x3c: {  	p0 =	sne.s32 s20, $0x13E00;
	v8 =	vnsel vm0, $0x1440, v8;
	vm0 =	vlt.u32 v7, $0x1400;
	v6 =	vsub.s32 v6, v0;
	v9 =	vld [tilespmem:s19+$0x5070]  }
0x3d: {  	s21 =	sshra.s32 s20, $0x2;
	[tilespmem:s19+$0x5000] =	vst v8;
	v7 =	vnsel vm0, $0x1440, v7;
	vm0 =	vlt.u32 v6, $0x1400;
	v5 =	vsub.s32 v5, v0  }
0x3e: {  	v8 =	vld [tilespmem:s21+$0x5000];
	[tilespmem:s19+$0x5010] =	vst v7;
	v6 =	vnsel vm0, $0x1440, v6;
	vm0 =	vlt.u32 v5, $0x1400;
	v4 =	vsub.s32 v4, v0  }
0x3f: {  	v7 =	vld [tilespmem:s21+$0x5010];
	[tilespmem:s19+$0x5020] =	vst v6;
	v5 =	vnsel vm0, $0x1440, v5;
	vm0 =	vlt.u32 v4, $0x1400;
	v3 =	vsub.s32 v3, v0  }
.Ltmp1:
0x40: {  	v6 =	vld [tilespmem:s21+$0x5020];
	[tilespmem:s19+$0x5030] =	vst v5;
	v4 =	vnsel vm0, $0x1440, v4;
	vm0 =	vlt.u32 v3, $0x1400;
	v2 =	vsub.s32 v2, v0;
	(pc) =	sbr.rel @p0 .LBB2_4-.Ltmp1, $4  }
0x41: {  	v5 =	vld [tilespmem:s21+$0x5030];
	[tilespmem:s19+$0x5040] =	vst v4;
	v3 =	vnsel vm0, $0x1440, v3;
	vm0 =	vlt.u32 v2, $0x1400;
	v9 =	vsub.s32 v9, v0  }
0x42: {  	v4 =	vld [tilespmem:s21+$0x5040];
	[tilespmem:s19+$0x5050] =	vst v3;
	v2 =	vnsel vm0, $0x1440, v2;
	vm0 =	vlt.u32 v9, $0x1400  }
0x43: {  	v8 =	vsub.s32 v8, v0;
	v3 =	vld [tilespmem:s21+$0x5050];
	[tilespmem:s19+$0x5060] =	vst v2;
	v9 =	vnsel vm0, $0x1440, v9  }
0x44: {  	s20 =	sadd.s32 $0x200, s20;
	vm0 =	vlt.u32 v8, $0x1400;
	v7 =	vsub.s32 v7, v0;
	v2 =	vld [tilespmem:s21+$0x5060];
	[tilespmem:s19+$0x5070] =	vst v9;
	s19 =	smov.u32 s21  }
0x45: {  	v8 =	vnsel vm0, $0x1440, v8;
	vm9 =	vlt.u32 v7, $0x1400;
	v6 =	vsub.s32 v6, v0;
	v9 =	vld [tilespmem:s19+$0x5070]  }
0x46: {  	[tilespmem:s19+$0x5000] =	vst v8;
	v7 =	vnsel vm9, $0x1440, v7;
	vm10 =	vlt.u32 v6, $0x1400;
	v5 =	vsub.s32 v5, v0  }
0x47: {  	[tilespmem:s19+$0x5010] =	vst v7;
	v6 =	vnsel vm10, $0x1440, v6;
	vm11 =	vlt.u32 v5, $0x1400;
	v4 =	vsub.s32 v4, v0  }
0x48: {  	[tilespmem:s19+$0x5020] =	vst v6;
	v5 =	vnsel vm11, $0x1440, v5;
	vm12 =	vlt.u32 v4, $0x1400;
	v3 =	vsub.s32 v3, v0  }
0x49: {  	[tilespmem:s19+$0x5030] =	vst v5;
	v4 =	vnsel vm12, $0x1440, v4;
	vm13 =	vlt.u32 v3, $0x1400;
	v2 =	vsub.s32 v2, v0  }
0x4a: {  	[tilespmem:s19+$0x5040] =	vst v4;
	v3 =	vnsel vm13, $0x1440, v3;
	vm14 =	vlt.u32 v2, $0x1400;
	v63 =	vsub.s32 v9, v0  }
0x4b: {  	[tilespmem:s19+$0x5050] =	vst v3;
	v2 =	vnsel vm14, $0x1440, v2;
	vm15 =	vlt.u32 v63, $0x1400  }
0x4c: {  	[tilespmem:s19+$0x5060] =	vst v2;
	v2 =	vnsel vm15, $0x1440, v63  }
0x4d: {  	[tilespmem:s19+$0x5070] =	vst v2  }
0x4e: {  	s28 =	simm.s32 $0x0;
	[bflag:$0x0] =	sbarrier.arrive $0xFFFF  }
0x4f: {  	[tilespmem:s11], [sflag:$0x1] =	stream.indirect.gather [hbm4b:s2+s14], $0x80, s28, s14, $0xb8;
	[tilespmem:$0x1C400] =	vst v63  }
0x50: {  	_ =	swait.ge [sflag:s15], $0x4000  }
0x51: {  	[sflag:s15] =	ssyncset.done $0x0  }
0x52: {  	s29 =	simm.s32 $0x5000;
	[sflag:s15] =	ssyncadd.s32 $0xFFFFC000  }
0x53: {  	[spmem:s3] =	stream.indirect.scatter.add.f32 [tilespmem:s11], [sflag:$0x2], $0x80, s29, s14, $0xb8;
	[tilespmem:$0x1C400] =	vst v63  }
0x54: {  	_ =	swait.ge [sflag:s12], $0x4000  }
0x55: {  	[sflag:s12] =	ssyncset.done $0x0  }
0x56: {  	s30 =	simm.s32 $0x80;
	[sflag:s12] =	ssyncadd.s32 $0xFFFFC000  }
0x57: {  	[tilespmem:s16], [sflag:$0x1] =	stream.indirect.gather [hbm4b:s2+s14], $0x80, s30, s14, $0xb8;
	[tilespmem:$0x1C400] =	vst v63  }
0x58: {  	_ =	swait.ge [sflag:s15], $0x4000  }
0x59: {  	[sflag:s15] =	ssyncset.done $0x0  }
0x5a: {  	s31 =	simm.s32 $0x5080;
	[sflag:s15] =	ssyncadd.s32 $0xFFFFC000  }
0x5b: {  	[spmem:s3] =	stream.indirect.scatter.add.f32 [tilespmem:s16], [sflag:$0x2], $0x80, s31, s14, $0xb8;
	[tilespmem:$0x1C400] =	vst v63  }
0x5c: {  	_ =	swait.ge [sflag:s12], $0x4000  }
0x5d: {  	s20 =	simm.s32 $0x800;
	s19 =	simm.s32 $0x400;
	[sflag:s12] =	ssyncset.done $0x0  }
.LBB2_6:
0x5e: {  	s21 =	sshra.s32 s19, $0x2  }
0x5f: {  	[sflag:s12] =	ssyncadd.s32 $0xFFFFC000;
	s19 =	smov.u32 s20;
	s22 =	sadd.s32 $0x400, s20  }
0x60: {  	[tilespmem:s11], [sflag:$0x1] =	stream.indirect.gather [hbm4b:s2+s14], $0x80, s21, s14, $0xb8;
	[tilespmem:$0x1C400] =	vst v63  }
0x61: {  	p0 =	sne.s32 s20, $0x13C00;
	_ =	swait.ge [sflag:s15], $0x4000  }
0x62: {  	[sflag:s15] =	ssyncset.done $0x0  }
0x63: {  	s20 =	sadd.s32 $0x5000, s21;
	[sflag:s15] =	ssyncadd.s32 $0xFFFFC000  }
0x64: {  	[spmem:s3] =	stream.indirect.scatter.add.f32 [tilespmem:s11], [sflag:$0x2], $0x80, s20, s14, $0xb8;
	[tilespmem:$0x1C400] =	vst v63  }
0x65: {  	_ =	swait.ge [sflag:s12], $0x4000  }
0x66: {  	[sflag:s12] =	ssyncset.done $0x0  }
0x67: {  	s20 =	sadd.s32 $0x80, s21;
	[sflag:s12] =	ssyncadd.s32 $0xFFFFC000  }
0x68: {  	[tilespmem:s16], [sflag:$0x1] =	stream.indirect.gather [hbm4b:s2+s14], $0x80, s20, s14, $0xb8;
	[tilespmem:$0x1C400] =	vst v63  }
0x69: {  	_ =	swait.ge [sflag:s15], $0x4000  }
.Ltmp2:
0x6a: {  	[sflag:s15] =	ssyncset.done $0x0;
	(pc) =	sbr.rel @p0 .LBB2_6-.Ltmp2, $4  }
0x6b: {  	s20 =	sadd.s32 $0x5080, s21;
	[sflag:s15] =	ssyncadd.s32 $0xFFFFC000  }
0x6c: {  	[spmem:s3] =	stream.indirect.scatter.add.f32 [tilespmem:s16], [sflag:$0x2], $0x80, s20, s14, $0xb8;
	[tilespmem:$0x1C400] =	vst v63  }
0x6d: {  	_ =	swait.ge [sflag:s12], $0x4000  }
0x6e: {  	s20 =	smov.u32 s22;
	[sflag:s12] =	ssyncset.done $0x0  }
0x6f: {  	s19 =	sshra.s32 s19, $0x2;
	[sflag:s12] =	ssyncadd.s32 $0xFFFFC000  }
0x70: {  	[tilespmem:s11], [sflag:$0x1] =	stream.indirect.gather [hbm4b:s2+s14], $0x80, s19, s14, $0xb8;
	[tilespmem:$0x1C400] =	vst v63  }
0x71: {  	_ =	swait.ge [sflag:s15], $0x4000  }
0x72: {  	[sflag:s15] =	ssyncset.done $0x0  }
0x73: {  	s20 =	sadd.s32 $0x5000, s19;
	[sflag:s15] =	ssyncadd.s32 $0xFFFFC000  }
0x74: {  	[spmem:s3] =	stream.indirect.scatter.add.f32 [tilespmem:s11], [sflag:$0x2], $0x80, s20, s14, $0xb8;
	[tilespmem:$0x1C400] =	vst v63  }
0x75: {  	_ =	swait.ge [sflag:s12], $0x4000  }
0x76: {  	[sflag:s12] =	ssyncset.done $0x0  }
0x77: {  	s30 =	sadd.s32 $0x80, s19;
	[sflag:s12] =	ssyncadd.s32 $0xFFFFC000  }
0x78: {  	[tilespmem:s16], [sflag:$0x1] =	stream.indirect.gather [hbm4b:s2+s14], $0x80, s30, s14, $0xb8;
	[tilespmem:$0x1C400] =	vst v63  }
0x79: {  	_ =	swait.ge [sflag:s15], $0x4000  }
0x7a: {  	[sflag:s15] =	ssyncset.done $0x0  }
0x7b: {  	s19 =	sadd.s32 $0x5080, s19;
	[sflag:s15] =	ssyncadd.s32 $0xFFFFC000  }
0x7c: {  	[spmem:s3] =	stream.indirect.scatter.add.f32 [tilespmem:s16], [sflag:$0x2], $0x80, s19, s14, $0xb8;
	[tilespmem:$0x1C400] =	vst v63  }
0x7d: {  	_ =	swait.ge [sflag:s12], $0x4000  }
0x7e: {  	s4 =	sadd.s32 $0x1, s4;
	[sflag:s12] =	ssyncset.done $0x0  }
0x7f: {  	s31 =	sshll.u32 s0, $0x6;
	p0 =	sne.s32 s4, s10;
	[sflag:s12] =	ssyncadd.s32 $0xFFFFC000  }
.Ltmp3:
0x80: {  	s19 =	sor.u32 $0x1C02, s31;
	[bflag:$0x0] =	sbarrier.arrive $0xFFFF;
	(pc) =	sbr.rel @p0 .LBB2_1-.Ltmp3, $4  }
0x81: {  	[hbm:s17], [sflag:s19] =	dma.local [spmem:s18], $0x1400  }
0x82: {  	_ =	swait.ge [sflag:s12], $0x1400  }
0x83: {  	[sflag:s12] =	ssyncset.done $0x0  }
0x84: {  	[sflag:s12] =	ssyncadd.s32 $0xFFFFEC00  }
0x85: {  	_ =	sfence.sel $0x180000  }
0x86: {  	[bflag:$0x0] =	sbarrier.arrive $0xFFFF  }
0x87: {  	p0 =	sne.s32 s0, $0x0;
	_ =	strace $0x9000004A  }
0x88: {  	s0 =	sadd.s32 @!p0 $0x100000, s1;
	[bflag:$0x2] =	sbarrier.arrive $0xFFFF  }
0x89: {  	[sflag:s0] =	ssyncadd.tile.s32 @!p0 $0x1;
	_ =	shalt  }
.Lfunc_end2:
_tile_overlayer_lowered:
.L_overlay_start_2:
0x8a: {  	(tag) =	ssettag $0x2  }
0x8b: {  	s0 =	rddreg [dreg:$0x0];
	s2 =	stileid.u32  }
0x8c: {  	s1 =	rddreg [dreg:$0x1];
	p0 =	sne.s32 s2, $0x0  }
0x8d: {  	s3 =	rddreg [dreg:$0x2];
	[bflag:$0x3] =	sbarrier.arrive $0xFFFF;
	s2 =	simm.s32 @!p0 $0x1C02  }
0x8e: {  	[timem:s3], [sflag:s2] =	dma.local @!p0 [hbm:s0], s1  }
0x8f: {  	s0 =	simm.s32 @!p0 $0x2  }
0x90: {  	_ =	swait.ge @!p0 [sflag:s0], s1  }
0x91: {  	s1 =	ssub.s32 @!p0 $0x0, s1;
	[sflag:s0] =	ssyncset.done @!p0 $0x0  }
0x92: {  	[sflag:s0] =	ssyncadd.s32 @!p0 s1  }
0x93: {  	[bflag:$0x3] =	sbarrier.arrive $0xFFFF  }
0x94: {  	_ =	shalt  }

// kernel: kernel.17.cloned.1.call-start
scs
__scs_entry_jumppad:
0x0: {  	(pc) =	sbr.rel $0x88, $3  }
0x1: {  	(tag) =	ssettag $0x0;
	lr =	simm.s32 $0x1  }
0x2: {  	[smem:$0x3F91] =	sst lr;
	_ =	strace $0xD0000000  }
0x3: {  	_ = 	snop  }
0x4: {  	_ = 	snop  }
0x5: {  	_ = 	snop  }
0x6: {  	_ = 	snop  }
0x7: {  	_ = 	snop  }
__scs_overlays_trampoline_lowered:
0x8: {  	[smem:$0x3FA0] =	sst s0  }
0x9: {  	[smem:$0x3FA1] =	sst s1  }
0xa: {  	[smem:$0x3FA2] =	sst s2  }
0xb: {  	[smem:$0x3FA3] =	sst s3  }
0xc: {  	[smem:$0x3FA4] =	sst s4  }
0xd: {  	[smem:$0x3FA5] =	sst s5  }
0xe: {  	[smem:$0x3FA6] =	sst s6  }
0xf: {  	[smem:$0x3FA7] =	sst s7  }
0x10: {  	[smem:$0x3FA8] =	sst s8  }
0x11: {  	[smem:$0x3FA9] =	sst s9;
	s0 =	simm.s32 @!p0 $0x0  }
0x12: {  	s1 =	sld [smem:$0x3F8F];
	s0 =	simm.s32 @p0 $0x1  }
0x13: {  	[smem:$0x3FAA] =	sst s0;
	s0 =	simm.s32 @!p1 $0x0  }
0x14: {  	s2 =	sld [smem:$0x3F8E];
	s0 =	simm.s32 @p1 $0x1  }
0x15: {  	[smem:$0x3FAB] =	sst s0;
	s0 =	simm.s32 @!p2 $0x0  }
0x16: {  	s3 =	sld [smem:$0x3FDB];
	s0 =	simm.s32 @p2 $0x1  }
0x17: {  	s4 =	simm.s32 $0x1BF5;
	[smem:$0x3FAD] =	sst s0  }
0x18: {  	s0 =	sld [smem:$0x3F90];
	_ =	swait.ge [sflag:s4], $0x0  }
0x19: {  	s7 =	sld [smem:$0x3F91]  }
0x1a: {  	s8 =	sadd.s32 $0xFFFFE003, lr  }
0x1b: {  	s9 =	sadd.s32 $0xFFFFFEF7, lr;
	s5 =	simm.s32 $0xFFFFFFFF;
	p2 =	slt.u32 s8, $0xFFFFF086  }
0x1c: {  	p1 =	slt.u32 s9, $0xF7A;
	s5 =	simm.s32 @!p2 $0x0  }
0x1d: {  	s5 =	simm.s32 @p1 $0x1;
	p0 =	seq.s32 s7, s2  }
0x1e: {  	s7 =	smul.u32 @!p0 $0xF7A, s2;
	p2 =	seq.s32 @!p0 s5, $0x0  }
0x1f: {  	s9 =	smul.u32 $0xF7A, s1;
	s8 =	simm.s32 @!p0 $0x1BF5;
	p2 =	por !p2, p0  }
0x20: {  	[sflag:s8] =	ssyncset.s32 @!p0 $0xFFFFF086;
	s6 =	sadd.s32 @!p0 s3, s7;
	s7 =	simm.s32 @!p0 $0x108  }
0x21: {  	s3 =	sadd.s32 s3, s9;
	s6 =	sadd.s32 @!p0 $0x88, s6;
	s7 =	simm.s32 @p2 $0x1082  }
0x22: {  	[simem:s7], [sflag:s8] =	dma.local @!p0 [hbm:s6], $0xF7A  }
0x23: {  	s9 =	sor.u32 $0xD0000000, s2;
	s6 =	simm.s32 $0x108;
	_ =	swait.ge @!p0 [sflag:s8], $0x0  }
0x24: {  	s3 =	sadd.s32 $0x88, s3;
	s6 =	simm.s32 @!p1 $0x1082;
	[sflag:s4] =	ssyncset.s32 $0xFFFFF086  }
0x25: {  	[simem:s6], [sflag:s4] =	dma.local [hbm:s3], $0xF7A  }
0x26: {  	[smem:$0x3F91] =	sst s1;
	(tag) =	ssettag s2;
	_ =	strace s9  }
0x27: {  	s1 =	sld [smem:$0x3FA1]  }
0x28: {  	s2 =	sld [smem:$0x3FA2]  }
0x29: {  	s4 =	sld [smem:$0x3FA4]  }
0x2a: {  	p0 =	seq.s32 s5, $0x0;
	s5 =	sld [smem:$0x3FA5]  }
0x2b: {  	s6 =	sld [smem:$0x3FA6]  }
0x2c: {  	s7 =	sld [smem:$0x3FA7]  }
0x2d: {  	s3 =	simm.s32 $0x108;
	s8 =	sld [smem:$0x3FA8]  }
0x2e: {  	s3 =	simm.s32 @!p0 $0x1082;
	s9 =	sld [smem:$0x3FA9]  }
0x2f: {  	lr =	sadd.s32 s0, s3;
	s0 =	sld [smem:$0x3FA0]  }
0x30: {  	s3 =	sld [smem:$0x3FA3]  }
0x31: {  	[smem:$0x3FAC] =	sst s10  }
0x32: {  	s10 =	sld [smem:$0x3FAA];
	_ =	sdelay $0x3  }
0x33: {  	p0 =	seq.s32 s10, $0x1;
	s10 =	sld [smem:$0x3FAC];
	_ =	sdelay $0x3  }
0x34: {  	[smem:$0x3FAC] =	sst s10  }
0x35: {  	s10 =	sld [smem:$0x3FAB];
	_ =	sdelay $0x3  }
0x36: {  	p1 =	seq.s32 s10, $0x1;
	s10 =	sld [smem:$0x3FAC];
	_ =	sdelay $0x3  }
0x37: {  	[smem:$0x3FAC] =	sst s10  }
0x38: {  	s10 =	sld [smem:$0x3FAD]  }
0x39: {  	_ = 	snop;
	(pc) =	sbr.ind lr, $3  }
0x3a: {  	_ = 	snop  }
0x3b: {  	_ = 	snop  }
0x3c: {  	p2 =	seq.s32 s10, $0x1;
	s10 =	sld [smem:$0x3FAC]  }
0x3d: {  	_ =	shalt  }
0x3e: {  	_ =	shalt  }
0x3f: {  	_ =	shalt  }
0x40: {  	_ =	shalt  }
0x41: {  	_ =	shalt  }
0x42: {  	_ =	shalt  }
0x43: {  	_ =	shalt  }
0x44: {  	_ =	shalt  }
0x45: {  	_ =	shalt  }
0x46: {  	_ =	shalt  }
0x47: {  	_ =	shalt  }
0x48: {  	_ =	shalt  }
0x49: {  	_ =	shalt  }
0x4a: {  	_ =	shalt  }
0x4b: {  	_ =	shalt  }
0x4c: {  	_ =	shalt  }
0x4d: {  	_ =	shalt  }
0x4e: {  	_ =	shalt  }
0x4f: {  	_ =	shalt  }
0x50: {  	_ =	shalt  }
0x51: {  	_ =	shalt  }
0x52: {  	_ =	shalt  }
0x53: {  	_ =	shalt  }
0x54: {  	_ =	shalt  }
0x55: {  	_ =	shalt  }
0x56: {  	_ =	shalt  }
0x57: {  	_ =	shalt  }
0x58: {  	_ =	shalt  }
0x59: {  	_ =	shalt  }
0x5a: {  	_ =	shalt  }
0x5b: {  	_ =	shalt  }
0x5c: {  	_ =	shalt  }
0x5d: {  	_ =	shalt  }
0x5e: {  	_ =	shalt  }
0x5f: {  	_ =	shalt  }
0x60: {  	_ =	shalt  }
0x61: {  	_ =	shalt  }
0x62: {  	_ =	shalt  }
0x63: {  	_ =	shalt  }
0x64: {  	_ =	shalt  }
0x65: {  	_ =	shalt  }
0x66: {  	_ =	shalt  }
0x67: {  	_ =	shalt  }
0x68: {  	_ =	shalt  }
0x69: {  	_ =	shalt  }
0x6a: {  	_ =	shalt  }
0x6b: {  	_ =	shalt  }
0x6c: {  	_ =	shalt  }
0x6d: {  	_ =	shalt  }
0x6e: {  	_ =	shalt  }
0x6f: {  	_ =	shalt  }
0x70: {  	_ =	shalt  }
0x71: {  	_ =	shalt  }
0x72: {  	_ =	shalt  }
0x73: {  	_ =	shalt  }
0x74: {  	_ =	shalt  }
0x75: {  	_ =	shalt  }
0x76: {  	_ =	shalt  }
0x77: {  	_ =	shalt  }
0x78: {  	_ =	shalt  }
0x79: {  	_ =	shalt  }
0x7a: {  	_ =	shalt  }
0x7b: {  	_ =	shalt  }
0x7c: {  	_ =	shalt  }
0x7d: {  	_ =	shalt  }
0x7e: {  	_ =	shalt  }
0x7f: {  	_ =	shalt  }
0x80: {  	_ =	shalt  }
0x81: {  	_ =	shalt  }
0x82: {  	_ =	shalt  }
0x83: {  	_ =	shalt  }
0x84: {  	_ =	shalt  }
0x85: {  	_ =	shalt  }
0x86: {  	_ =	shalt  }
0x87: {  	_ =	shalt  }
.Lfunc_end0:
.L_simem_size_0:
called_computation.2_lowered:
.L_overlay_start_0:
0x88: {  	s2 =	sld [smem:$0x3FD9]  }
0x89: {  	s3 =	sld [smem:$0x3FFE];
	_ =	sdelay $0x1  }
0x8a: {  	s1 =	srdreg.scid  }
0x8b: {  	s0 =	sand.u32 $0x1, s1  }
0x8c: {  	s17 =	sshll.u32 s0, $0xA;
	s2 =	sadd.s32 s3, s2  }
0x8d: {  	s2 =	sadd.s32 s2, s17  }
0x8e: {  	[smem:$0x3FB8] =	sst s2  }
0x8f: {  	_ = 	snop  }
0x90: {  	s2 =	sld [smem:$0x3FD0];
	(tm) =	ssettm $0x1  }
0x91: {  	s18 =	sld [smem:$0x3FFB];
	_ =	sdelay $0x3  }
0x92: {  	_ =	strace s18  }
0x93: {  	s3 =	sld [smem:$0x3FFC];
	_ =	sdelay $0x3  }
0x94: {  	_ =	strace s3  }
0x95: {  	s3 =	sld [smem:$0x3FFD];
	_ =	sdelay $0x3  }
0x96: {  	_ =	strace s3  }
0x97: {  	_ =	strace $0x8FFFFFFF  }
0x98: {  	s19 =	sld [smem:$0x3FDB];
	_ =	sdelay $0x1  }
0x99: {  	s4 =	simm.s32 $_scs_section_size  }
0x9a: {  	s5 =	simm.s32 $_size__tile_overlayer_lowered;
	s6 =	simm.s32 $_tile_overlayer_lowered  }
0x9b: {  	s22 =	simm.s32 $0x1BFF;
	s21 =	sshll.u32 s6, $0x1;
	s3 =	sadd.s32 s4, s19  }
0x9c: {  	s7 =	simm.s32 $0x0;
	s20 =	sshll.u32 s5, $0x1;
	s5 =	sadd.s32 s21, s3  }
0x9d: {  	[timem:s7], [sflag:s22] =	dma.local [hbm:s5], s20  }
0x9e: {  	_ =	swait.ge [sflag:s22], s20  }
0x9f: {  	s4 =	ssub.s32 $0x0, s20;
	[sflag:s22] =	ssyncset.done $0x0  }
0xa0: {  	[sflag:s22] =	ssyncadd.s32 s4;
	_ =	sdelay $0x1  }
0xa1: {  	s23 =	simm.s32 $0x1B8B  }
0xa2: {  	_ =	swait.ge [sflag:s23], $0x1  }
0xa3: {  	[sflag:s23] =	ssyncset.done $0x0  }
0xa4: {  	s25 =	simm.s32 $0x1B8E;
	s24 =	sld [smem:$0x3FFE];
	[sflag:s23] =	ssyncadd.s32 $0xFFFFFFFF  }
0xa5: {  	s26 =	simm.s32 $execute0_lowered;
	[smem:$0x3FD2] =	sst s25  }
0xa6: {  	s5 =	sshll.u32 s26, $0x1;
	_ =	strace $0x8000004C;
	[dreg:$0x1] =	wrdreg $0xFFFFFFFF  }
0xa7: {  	s28 =	simm.s32 $_size_execute0_lowered;
	s3 =	sadd.s32 s3, s5;
	[dreg:$0x0] =	wrdreg $0x0  }
0xa8: {  	s5 =	sshll.u32 s28, $0x1;
	[dreg:$0x2] =	wrdreg s3  }
0xa9: {  	[dreg:$0x3] =	wrdreg s5  }
0xaa: {  	[dreg:$0x4] =	wrdreg $0xC0  }
0xab: {  	_ =	task [dreg:s7], $0x5FFFF  }
0xac: {  	[dreg:$0x1] =	wrdreg $0xFFFFFFFF  }
0xad: {  	[dreg:$0x0] =	wrdreg $0x60  }
0xae: {  	[dreg:$0x2] =	wrdreg s24  }
0xaf: {  	[dreg:$0x3] =	wrdreg s2  }
0xb0: {  	[dreg:$0x4] =	wrdreg $0x120000  }
0xb1: {  	[dreg:$0x5] =	wrdreg $0x9  }
0xb2: {  	_ =	task.clear_ibuf [dreg:s7], $0x6FFFF;
	_ =	strace $0x9000004C  }
0xb3: {  	s29 =	simm.s32 $0x9;
	_ =	strace $0x8000004E  }
0xb4: {  	_ =	swait.ge [sflag:s29], $0x1  }
0xb5: {  	[sflag:s29] =	ssyncadd.s32 $0xFFFFFFFF  }
0xb6: {  	_ =	strace $0x9000004E  }
0xb7: {  	_ =	sfence  }
0xb8: {  	s30 =	sld [smem:$0x0];
	_ =	sdelay $0x2  }
0xb9: {  	s31 =	sshll.u32 s1, $0xD;
	s1 =	sshrl.u32 s1, $0x2  }
0xba: {  	s3 =	sand.u32 $0x4000, s31;
	s1 =	sadd.s32 s1, s30  }
0xbb: {  	s0 =	sor.u32 s3, s0;
	s1 =	sshll.u32 s1, $0x11  }
0xbc: {  	s0 =	sor.u32 s1, s0  }
0xbd: {  	s0 =	sadd.s32 $0x8F2B, s0  }
0xbe: {  	[sflag:s0] =	ssyncadd.remote.s32 $0x1  }
0xbf: {  	_ =	sfence.sel $0xFFFF  }
0xc0: {  	[dreg:$0x0] =	wrdreg $0xFFFFFFFF;
	(pc) =	sbr.abs _section_cstart, $3  }
0xc1: {  	[dreg:$0x1] =	wrdreg $0xFFFFFFFF  }
0xc2: {  	_ =	task.clear_ibuf [dreg:s7], $0x2FFFF;
	_ =	strace $0x9FFFFFFF  }
0xc3: {  	(tm) =	ssettm $0x7FFFFFFF  }
tec
execute0_lowered:
.L_overlay_start_1:
0x0: {  	(tag) =	ssettag $0x1  }
0x1: {  	s5 =	rddreg [dreg:$0x0]  }
0x2: {  	s2 =	rddreg [dreg:$0x1]  }
0x3: {  	s0 =	stileid.u32;
	s1 =	srdreg.scid  }
0x4: {  	s3 =	rddreg [dreg:$0x2];
	s6 =	smul.u32 $0xA00, s0  }
0x5: {  	s4 =	simm.s32 $0x0;
	s14 =	simm.s32 $0x80;
	s8 =	smul.u32 $0x29000, s0  }
0x6: {  	s10 =	sand.u32 $0x1, s1;
	s1 =	rddreg [dreg:$0x3];
	s13 =	smul.u32 $0x28000, s0  }
0x7: {  	s15 =	simm.s32 $0x1;
	[smem:$0x7FF] =	sst s4;
	s19 =	smul.u32 $0x1400, s0  }
0x8: {  	s7 =	smul.u32 $0x14000, s10;
	_ =	strace $0x8000004D;
	s28 =	ssub.s32 $0x2, s10  }
0x9: {  	s16 =	smul.u32 $0x1400, s10;
	s9 =	sadd.s32 s6, s5;
	s29 =	sshrl.u32 s28, $0x1  }
0xa: {  	s30 =	sshrl.u32 s8, $0x2;
	s31 =	sshrl.u32 s13, $0x2;
	s13 =	simm.s32 $0x5000  }
0xb: {  	s11 =	sadd.s32 s7, s5;
	s12 =	ssub.s32 s28, s29;
	s5 =	sadd.s32 s30, s3  }
0xc: {  	s8 =	sadd.s32 $0x5EC00, s9;
	s9 =	sadd.s32 $0x4C00, s9;
	s18 =	sadd.s32 s31, s3  }
0xd: {  	v0 =	vmov s16;
	s16 =	simm.s32 $0xE000;
	s6 =	sadd.s32 $0x4000, s5;
	s7 =	sadd.s32 $0x8000, s5  }
0xe: {  	s17 =	sadd.s32 $0x35E00, s11;
	s10 =	smax.u32 s12, $0x1;
	s11 =	simm.s32 $0xA000  }
0xf: {  	v1 =	vimm.f32 $0.0e+00;
	s12 =	simm.s32 $0x2;
	s18 =	sshrl.u32 s18, $0x3;
	s17 =	sadd.s32 s19, s17  }
.LBB2_1:
0x10: {  	s19 =	simm.s32 $0x0;
	s20 =	simm.s32 $0x200  }
.LBB2_2:
0x11: {  	p0 =	sne.s32 s20, $0xFE00;
	[tilespmem:s19+$0xA070] =	vst v1  }
0x12: {  	[tilespmem:s19+$0xA000] =	vst v1  }
0x13: {  	[tilespmem:s19+$0xA010] =	vst v1  }
.Ltmp0:
0x14: {  	[tilespmem:s19+$0xA020] =	vst v1;
	(pc) =	sbr.rel @p0 .LBB2_2-.Ltmp0, $4  }
0x15: {  	[tilespmem:s19+$0xA030] =	vst v1  }
0x16: {  	[tilespmem:s19+$0xA040] =	vst v1  }
0x17: {  	[tilespmem:s19+$0xA050] =	vst v1  }
0x18: {  	[tilespmem:s19+$0xA060] =	vst v1;
	s19 =	sshra.s32 s20, $0x2;
	s20 =	sadd.s32 $0x200, s20  }
0x19: {  	[tilespmem:s19+$0xA070] =	vst v1  }
0x1a: {  	[tilespmem:s19+$0xA000] =	vst v1  }
0x1b: {  	[tilespmem:s19+$0xA010] =	vst v1  }
0x1c: {  	[tilespmem:s19+$0xA020] =	vst v1  }
0x1d: {  	[tilespmem:s19+$0xA030] =	vst v1  }
0x1e: {  	[tilespmem:s19+$0xA040] =	vst v1  }
0x1f: {  	[tilespmem:s19+$0xA050] =	vst v1  }
0x20: {  	[tilespmem:s19+$0xA060] =	vst v1  }
0x21: {  	[spmem:s5] =	stream.linear.scatter [tilespmem:s11], [sflag:$0x2], $0x4000, $0x38;
	[tilespmem:$0x1C400] =	vst v63  }
0x22: {  	_ =	swait.ge [sflag:s12], $0x4000  }
0x23: {  	[sflag:s12] =	ssyncset.done $0x0  }
0x24: {  	[sflag:s12] =	ssyncadd.s32 $0xFFFFC000  }
0x25: {  	[spmem:s6] =	stream.linear.scatter [tilespmem:s11], [sflag:$0x2], $0x4000, $0x38;
	[tilespmem:$0x1C400] =	vst v63  }
0x26: {  	_ =	swait.ge [sflag:s12], $0x4000  }
0x27: {  	[sflag:s12] =	ssyncset.done $0x0  }
0x28: {  	[sflag:s12] =	ssyncadd.s32 $0xFFFFC000  }
0x29: {  	[spmem:s7] =	stream.linear.scatter [tilespmem:s11], [sflag:$0x2], $0x2400, $0x38;
	[tilespmem:$0x1C400] =	vst v63  }
0x2a: {  	_ =	swait.ge [sflag:s12], $0x2400  }
0x2b: {  	[sflag:s12] =	ssyncset.done $0x0  }
0x2c: {  	s31 =	simm.s32 $0x0;
	[sflag:s12] =	ssyncadd.s32 $0xFFFFDC00  }
0x2d: {  	[tilespmem:s31], [sflag:$0x2] =	stream.linear.gather [hbm4b:s8+s31], $0x5000, $0x38;
	[tilespmem:$0x1C400] =	vst v63  }
0x2e: {  	_ =	swait.ge [sflag:s12], $0x5000  }
0x2f: {  	[sflag:s12] =	ssyncset.done $0x0  }
0x30: {  	[sflag:s12] =	ssyncadd.s32 $0xFFFFB000  }
0x31: {  	[tilespmem:s13], [sflag:$0x2] =	stream.linear.gather [hbm4b:s9+s31], $0x5000, $0x38;
	[tilespmem:$0x1C400] =	vst v63  }
0x32: {  	_ =	swait.ge [sflag:s12], $0x5000  }
0x33: {  	[sflag:s12] =	ssyncset.done $0x0  }
0x34: {  	s19 =	simm.s32 $0x0;
	[sflag:s12] =	ssyncadd.s32 $0xFFFFB000  }
0x35: {  	v2 =	vld [tilespmem:s19+$0x5000]  }
0x36: {  	v7 =	vld [tilespmem:s19+$0x5010]  }
0x37: {  	v6 =	vld [tilespmem:s19+$0x5020]  }
0x38: {  	v5 =	vld [tilespmem:s19+$0x5030]  }
0x39: {  	v4 =	vld [tilespmem:s19+$0x5040]  }
0x3a: {  	v3 =	vld [tilespmem:s19+$0x5050];
	v8 =	vsub.s32 v2, v0  }
0x3b: {  	s20 =	simm.s32 $0x200;
	v7 =	vsub.s32 v7, v0;
	v2 =	vld [tilespmem:s19+$0x5060];
	vm0 =	vlt.u32 v8, $0x1400  }
.LBB2_4:
0x3c: {  	p0 =	sne.s32 s20, $0x13E00;
	v8 =	vnsel vm0, $0x1440, v8;
	vm0 =	vlt.u32 v7, $0x1400;
	v6 =	vsub.s32 v6, v0;
	v9 =	vld [tilespmem:s19+$0x5070]  }
0x3d: {  	s21 =	sshra.s32 s20, $0x2;
	[tilespmem:s19+$0x5000] =	vst v8;
	v7 =	vnsel vm0, $0x1440, v7;
	vm0 =	vlt.u32 v6, $0x1400;
	v5 =	vsub.s32 v5, v0  }
0x3e: {  	v8 =	vld [tilespmem:s21+$0x5000];
	[tilespmem:s19+$0x5010] =	vst v7;
	v6 =	vnsel vm0, $0x1440, v6;
	vm0 =	vlt.u32 v5, $0x1400;
	v4 =	vsub.s32 v4, v0  }
0x3f: {  	v7 =	vld [tilespmem:s21+$0x5010];
	[tilespmem:s19+$0x5020] =	vst v6;
	v5 =	vnsel vm0, $0x1440, v5;
	vm0 =	vlt.u32 v4, $0x1400;
	v3 =	vsub.s32 v3, v0  }
.Ltmp1:
0x40: {  	v6 =	vld [tilespmem:s21+$0x5020];
	[tilespmem:s19+$0x5030] =	vst v5;
	v4 =	vnsel vm0, $0x1440, v4;
	vm0 =	vlt.u32 v3, $0x1400;
	v2 =	vsub.s32 v2, v0;
	(pc) =	sbr.rel @p0 .LBB2_4-.Ltmp1, $4  }
0x41: {  	v5 =	vld [tilespmem:s21+$0x5030];
	[tilespmem:s19+$0x5040] =	vst v4;
	v3 =	vnsel vm0, $0x1440, v3;
	vm0 =	vlt.u32 v2, $0x1400;
	v9 =	vsub.s32 v9, v0  }
0x42: {  	v4 =	vld [tilespmem:s21+$0x5040];
	[tilespmem:s19+$0x5050] =	vst v3;
	v2 =	vnsel vm0, $0x1440, v2;
	vm0 =	vlt.u32 v9, $0x1400  }
0x43: {  	v8 =	vsub.s32 v8, v0;
	v3 =	vld [tilespmem:s21+$0x5050];
	[tilespmem:s19+$0x5060] =	vst v2;
	v9 =	vnsel vm0, $0x1440, v9  }
0x44: {  	s20 =	sadd.s32 $0x200, s20;
	vm0 =	vlt.u32 v8, $0x1400;
	v7 =	vsub.s32 v7, v0;
	v2 =	vld [tilespmem:s21+$0x5060];
	[tilespmem:s19+$0x5070] =	vst v9;
	s19 =	smov.u32 s21  }
0x45: {  	v8 =	vnsel vm0, $0x1440, v8;
	vm9 =	vlt.u32 v7, $0x1400;
	v6 =	vsub.s32 v6, v0;
	v9 =	vld [tilespmem:s19+$0x5070]  }
0x46: {  	[tilespmem:s19+$0x5000] =	vst v8;
	v7 =	vnsel vm9, $0x1440, v7;
	vm10 =	vlt.u32 v6, $0x1400;
	v5 =	vsub.s32 v5, v0  }
0x47: {  	[tilespmem:s19+$0x5010] =	vst v7;
	v6 =	vnsel vm10, $0x1440, v6;
	vm11 =	vlt.u32 v5, $0x1400;
	v4 =	vsub.s32 v4, v0  }
0x48: {  	[tilespmem:s19+$0x5020] =	vst v6;
	v5 =	vnsel vm11, $0x1440, v5;
	vm12 =	vlt.u32 v4, $0x1400;
	v3 =	vsub.s32 v3, v0  }
0x49: {  	[tilespmem:s19+$0x5030] =	vst v5;
	v4 =	vnsel vm12, $0x1440, v4;
	vm13 =	vlt.u32 v3, $0x1400;
	v2 =	vsub.s32 v2, v0  }
0x4a: {  	[tilespmem:s19+$0x5040] =	vst v4;
	v3 =	vnsel vm13, $0x1440, v3;
	vm14 =	vlt.u32 v2, $0x1400;
	v63 =	vsub.s32 v9, v0  }
0x4b: {  	[tilespmem:s19+$0x5050] =	vst v3;
	v2 =	vnsel vm14, $0x1440, v2;
	vm15 =	vlt.u32 v63, $0x1400  }
0x4c: {  	[tilespmem:s19+$0x5060] =	vst v2;
	v2 =	vnsel vm15, $0x1440, v63  }
0x4d: {  	[tilespmem:s19+$0x5070] =	vst v2  }
0x4e: {  	s28 =	simm.s32 $0x0;
	[bflag:$0x0] =	sbarrier.arrive $0xFFFF  }
0x4f: {  	[tilespmem:s11], [sflag:$0x1] =	stream.indirect.gather [hbm4b:s2+s14], $0x80, s28, s14, $0xb8;
	[tilespmem:$0x1C400] =	vst v63  }
0x50: {  	_ =	swait.ge [sflag:s15], $0x4000  }
0x51: {  	[sflag:s15] =	ssyncset.done $0x0  }
0x52: {  	s29 =	simm.s32 $0x5000;
	[sflag:s15] =	ssyncadd.s32 $0xFFFFC000  }
0x53: {  	[spmem:s3] =	stream.indirect.scatter.add.f32 [tilespmem:s11], [sflag:$0x2], $0x80, s29, s14, $0xb8;
	[tilespmem:$0x1C400] =	vst v63  }
0x54: {  	_ =	swait.ge [sflag:s12], $0x4000  }
0x55: {  	[sflag:s12] =	ssyncset.done $0x0  }
0x56: {  	s30 =	simm.s32 $0x80;
	[sflag:s12] =	ssyncadd.s32 $0xFFFFC000  }
0x57: {  	[tilespmem:s16], [sflag:$0x1] =	stream.indirect.gather [hbm4b:s2+s14], $0x80, s30, s14, $0xb8;
	[tilespmem:$0x1C400] =	vst v63  }
0x58: {  	_ =	swait.ge [sflag:s15], $0x4000  }
0x59: {  	[sflag:s15] =	ssyncset.done $0x0  }
0x5a: {  	s31 =	simm.s32 $0x5080;
	[sflag:s15] =	ssyncadd.s32 $0xFFFFC000  }
0x5b: {  	[spmem:s3] =	stream.indirect.scatter.add.f32 [tilespmem:s16], [sflag:$0x2], $0x80, s31, s14, $0xb8;
	[tilespmem:$0x1C400] =	vst v63  }
0x5c: {  	_ =	swait.ge [sflag:s12], $0x4000  }
0x5d: {  	s20 =	simm.s32 $0x800;
	s19 =	simm.s32 $0x400;
	[sflag:s12] =	ssyncset.done $0x0  }
.LBB2_6:
0x5e: {  	s21 =	sshra.s32 s19, $0x2  }
0x5f: {  	[sflag:s12] =	ssyncadd.s32 $0xFFFFC000;
	s19 =	smov.u32 s20;
	s22 =	sadd.s32 $0x400, s20  }
0x60: {  	[tilespmem:s11], [sflag:$0x1] =	stream.indirect.gather [hbm4b:s2+s14], $0x80, s21, s14, $0xb8;
	[tilespmem:$0x1C400] =	vst v63  }
0x61: {  	p0 =	sne.s32 s20, $0x13C00;
	_ =	swait.ge [sflag:s15], $0x4000  }
0x62: {  	[sflag:s15] =	ssyncset.done $0x0  }
0x63: {  	s20 =	sadd.s32 $0x5000, s21;
	[sflag:s15] =	ssyncadd.s32 $0xFFFFC000  }
0x64: {  	[spmem:s3] =	stream.indirect.scatter.add.f32 [tilespmem:s11], [sflag:$0x2], $0x80, s20, s14, $0xb8;
	[tilespmem:$0x1C400] =	vst v63  }
0x65: {  	_ =	swait.ge [sflag:s12], $0x4000  }
0x66: {  	[sflag:s12] =	ssyncset.done $0x0  }
0x67: {  	s20 =	sadd.s32 $0x80, s21;
	[sflag:s12] =	ssyncadd.s32 $0xFFFFC000  }
0x68: {  	[tilespmem:s16], [sflag:$0x1] =	stream.indirect.gather [hbm4b:s2+s14], $0x80, s20, s14, $0xb8;
	[tilespmem:$0x1C400] =	vst v63  }
0x69: {  	_ =	swait.ge [sflag:s15], $0x4000  }
.Ltmp2:
0x6a: {  	[sflag:s15] =	ssyncset.done $0x0;
	(pc) =	sbr.rel @p0 .LBB2_6-.Ltmp2, $4  }
0x6b: {  	s20 =	sadd.s32 $0x5080, s21;
	[sflag:s15] =	ssyncadd.s32 $0xFFFFC000  }
0x6c: {  	[spmem:s3] =	stream.indirect.scatter.add.f32 [tilespmem:s16], [sflag:$0x2], $0x80, s20, s14, $0xb8;
	[tilespmem:$0x1C400] =	vst v63  }
0x6d: {  	_ =	swait.ge [sflag:s12], $0x4000  }
0x6e: {  	s20 =	smov.u32 s22;
	[sflag:s12] =	ssyncset.done $0x0  }
0x6f: {  	s19 =	sshra.s32 s19, $0x2;
	[sflag:s12] =	ssyncadd.s32 $0xFFFFC000  }
0x70: {  	[tilespmem:s11], [sflag:$0x1] =	stream.indirect.gather [hbm4b:s2+s14], $0x80, s19, s14, $0xb8;
	[tilespmem:$0x1C400] =	vst v63  }
0x71: {  	_ =	swait.ge [sflag:s15], $0x4000  }
0x72: {  	[sflag:s15] =	ssyncset.done $0x0  }
0x73: {  	s20 =	sadd.s32 $0x5000, s19;
	[sflag:s15] =	ssyncadd.s32 $0xFFFFC000  }
0x74: {  	[spmem:s3] =	stream.indirect.scatter.add.f32 [tilespmem:s11], [sflag:$0x2], $0x80, s20, s14, $0xb8;
	[tilespmem:$0x1C400] =	vst v63  }
0x75: {  	_ =	swait.ge [sflag:s12], $0x4000  }
0x76: {  	[sflag:s12] =	ssyncset.done $0x0  }
0x77: {  	s30 =	sadd.s32 $0x80, s19;
	[sflag:s12] =	ssyncadd.s32 $0xFFFFC000  }
0x78: {  	[tilespmem:s16], [sflag:$0x1] =	stream.indirect.gather [hbm4b:s2+s14], $0x80, s30, s14, $0xb8;
	[tilespmem:$0x1C400] =	vst v63  }
0x79: {  	_ =	swait.ge [sflag:s15], $0x4000  }
0x7a: {  	[sflag:s15] =	ssyncset.done $0x0  }
0x7b: {  	s19 =	sadd.s32 $0x5080, s19;
	[sflag:s15] =	ssyncadd.s32 $0xFFFFC000  }
0x7c: {  	[spmem:s3] =	stream.indirect.scatter.add.f32 [tilespmem:s16], [sflag:$0x2], $0x80, s19, s14, $0xb8;
	[tilespmem:$0x1C400] =	vst v63  }
0x7d: {  	_ =	swait.ge [sflag:s12], $0x4000  }
0x7e: {  	s4 =	sadd.s32 $0x1, s4;
	[sflag:s12] =	ssyncset.done $0x0  }
0x7f: {  	s31 =	sshll.u32 s0, $0x6;
	p0 =	sne.s32 s4, s10;
	[sflag:s12] =	ssyncadd.s32 $0xFFFFC000  }
.Ltmp3:
0x80: {  	s19 =	sor.u32 $0x1C02, s31;
	[bflag:$0x0] =	sbarrier.arrive $0xFFFF;
	(pc) =	sbr.rel @p0 .LBB2_1-.Ltmp3, $4  }
0x81: {  	[hbm:s17], [sflag:s19] =	dma.local [spmem:s18], $0x1400  }
0x82: {  	_ =	swait.ge [sflag:s12], $0x1400  }
0x83: {  	[sflag:s12] =	ssyncset.done $0x0  }
0x84: {  	[sflag:s12] =	ssyncadd.s32 $0xFFFFEC00  }
0x85: {  	_ =	sfence.sel $0x180000  }
0x86: {  	[bflag:$0x0] =	sbarrier.arrive $0xFFFF  }
0x87: {  	p0 =	sne.s32 s0, $0x0;
	_ =	strace $0x9000004D  }
0x88: {  	s0 =	sadd.s32 @!p0 $0x100000, s1;
	[bflag:$0x2] =	sbarrier.arrive $0xFFFF  }
0x89: {  	[sflag:s0] =	ssyncadd.tile.s32 @!p0 $0x1;
	_ =	shalt  }
.Lfunc_end2:
_tile_overlayer_lowered:
.L_overlay_start_2:
0x8a: {  	(tag) =	ssettag $0x2  }
0x8b: {  	s0 =	rddreg [dreg:$0x0];
	s2 =	stileid.u32  }
0x8c: {  	s1 =	rddreg [dreg:$0x1];
	p0 =	sne.s32 s2, $0x0  }
0x8d: {  	s3 =	rddreg [dreg:$0x2];
	[bflag:$0x3] =	sbarrier.arrive $0xFFFF;
	s2 =	simm.s32 @!p0 $0x1C02  }
0x8e: {  	[timem:s3], [sflag:s2] =	dma.local @!p0 [hbm:s0], s1  }
0x8f: {  	s0 =	simm.s32 @!p0 $0x2  }
0x90: {  	_ =	swait.ge @!p0 [sflag:s0], s1  }
0x91: {  	s1 =	ssub.s32 @!p0 $0x0, s1;
	[sflag:s0] =	ssyncset.done @!p0 $0x0  }
0x92: {  	[sflag:s0] =	ssyncadd.s32 @!p0 s1  }
0x93: {  	[bflag:$0x3] =	sbarrier.arrive $0xFFFF  }
0x94: {  	_ =	shalt  }

// kernel: kernel.20.cloned.1.call-start
scs
__scs_entry_jumppad:
0x0: {  	(pc) =	sbr.rel $0x88, $3  }
0x1: {  	(tag) =	ssettag $0x0;
	lr =	simm.s32 $0x1  }
0x2: {  	[smem:$0x3F91] =	sst lr;
	_ =	strace $0xD0000000  }
0x3: {  	_ = 	snop  }
0x4: {  	_ = 	snop  }
0x5: {  	_ = 	snop  }
0x6: {  	_ = 	snop  }
0x7: {  	_ = 	snop  }
__scs_overlays_trampoline_lowered:
0x8: {  	[smem:$0x3FA0] =	sst s0  }
0x9: {  	[smem:$0x3FA1] =	sst s1  }
0xa: {  	[smem:$0x3FA2] =	sst s2  }
0xb: {  	[smem:$0x3FA3] =	sst s3  }
0xc: {  	[smem:$0x3FA4] =	sst s4  }
0xd: {  	[smem:$0x3FA5] =	sst s5  }
0xe: {  	[smem:$0x3FA6] =	sst s6  }
0xf: {  	[smem:$0x3FA7] =	sst s7  }
0x10: {  	[smem:$0x3FA8] =	sst s8  }
0x11: {  	[smem:$0x3FA9] =	sst s9;
	s0 =	simm.s32 @!p0 $0x0  }
0x12: {  	s1 =	sld [smem:$0x3F8F];
	s0 =	simm.s32 @p0 $0x1  }
0x13: {  	[smem:$0x3FAA] =	sst s0;
	s0 =	simm.s32 @!p1 $0x0  }
0x14: {  	s2 =	sld [smem:$0x3F8E];
	s0 =	simm.s32 @p1 $0x1  }
0x15: {  	[smem:$0x3FAB] =	sst s0;
	s0 =	simm.s32 @!p2 $0x0  }
0x16: {  	s3 =	sld [smem:$0x3FDB];
	s0 =	simm.s32 @p2 $0x1  }
0x17: {  	s4 =	simm.s32 $0x1BF5;
	[smem:$0x3FAD] =	sst s0  }
0x18: {  	s0 =	sld [smem:$0x3F90];
	_ =	swait.ge [sflag:s4], $0x0  }
0x19: {  	s7 =	sld [smem:$0x3F91]  }
0x1a: {  	s8 =	sadd.s32 $0xFFFFE003, lr  }
0x1b: {  	s9 =	sadd.s32 $0xFFFFFEF7, lr;
	s5 =	simm.s32 $0xFFFFFFFF;
	p2 =	slt.u32 s8, $0xFFFFF086  }
0x1c: {  	p1 =	slt.u32 s9, $0xF7A;
	s5 =	simm.s32 @!p2 $0x0  }
0x1d: {  	s5 =	simm.s32 @p1 $0x1;
	p0 =	seq.s32 s7, s2  }
0x1e: {  	s7 =	smul.u32 @!p0 $0xF7A, s2;
	p2 =	seq.s32 @!p0 s5, $0x0  }
0x1f: {  	s9 =	smul.u32 $0xF7A, s1;
	s8 =	simm.s32 @!p0 $0x1BF5;
	p2 =	por !p2, p0  }
0x20: {  	[sflag:s8] =	ssyncset.s32 @!p0 $0xFFFFF086;
	s6 =	sadd.s32 @!p0 s3, s7;
	s7 =	simm.s32 @!p0 $0x108  }
0x21: {  	s3 =	sadd.s32 s3, s9;
	s6 =	sadd.s32 @!p0 $0x88, s6;
	s7 =	simm.s32 @p2 $0x1082  }
0x22: {  	[simem:s7], [sflag:s8] =	dma.local @!p0 [hbm:s6], $0xF7A  }
0x23: {  	s9 =	sor.u32 $0xD0000000, s2;
	s6 =	simm.s32 $0x108;
	_ =	swait.ge @!p0 [sflag:s8], $0x0  }
0x24: {  	s3 =	sadd.s32 $0x88, s3;
	s6 =	simm.s32 @!p1 $0x1082;
	[sflag:s4] =	ssyncset.s32 $0xFFFFF086  }
0x25: {  	[simem:s6], [sflag:s4] =	dma.local [hbm:s3], $0xF7A  }
0x26: {  	[smem:$0x3F91] =	sst s1;
	(tag) =	ssettag s2;
	_ =	strace s9  }
0x27: {  	s1 =	sld [smem:$0x3FA1]  }
0x28: {  	s2 =	sld [smem:$0x3FA2]  }
0x29: {  	s4 =	sld [smem:$0x3FA4]  }
0x2a: {  	p0 =	seq.s32 s5, $0x0;
	s5 =	sld [smem:$0x3FA5]  }
0x2b: {  	s6 =	sld [smem:$0x3FA6]  }
0x2c: {  	s7 =	sld [smem:$0x3FA7]  }
0x2d: {  	s3 =	simm.s32 $0x108;
	s8 =	sld [smem:$0x3FA8]  }
0x2e: {  	s3 =	simm.s32 @!p0 $0x1082;
	s9 =	sld [smem:$0x3FA9]  }
0x2f: {  	lr =	sadd.s32 s0, s3;
	s0 =	sld [smem:$0x3FA0]  }
0x30: {  	s3 =	sld [smem:$0x3FA3]  }
0x31: {  	[smem:$0x3FAC] =	sst s10  }
0x32: {  	s10 =	sld [smem:$0x3FAA];
	_ =	sdelay $0x3  }
0x33: {  	p0 =	seq.s32 s10, $0x1;
	s10 =	sld [smem:$0x3FAC];
	_ =	sdelay $0x3  }
0x34: {  	[smem:$0x3FAC] =	sst s10  }
0x35: {  	s10 =	sld [smem:$0x3FAB];
	_ =	sdelay $0x3  }
0x36: {  	p1 =	seq.s32 s10, $0x1;
	s10 =	sld [smem:$0x3FAC];
	_ =	sdelay $0x3  }
0x37: {  	[smem:$0x3FAC] =	sst s10  }
0x38: {  	s10 =	sld [smem:$0x3FAD]  }
0x39: {  	_ = 	snop;
	(pc) =	sbr.ind lr, $3  }
0x3a: {  	_ = 	snop  }
0x3b: {  	_ = 	snop  }
0x3c: {  	p2 =	seq.s32 s10, $0x1;
	s10 =	sld [smem:$0x3FAC]  }
0x3d: {  	_ =	shalt  }
0x3e: {  	_ =	shalt  }
0x3f: {  	_ =	shalt  }
0x40: {  	_ =	shalt  }
0x41: {  	_ =	shalt  }
0x42: {  	_ =	shalt  }
0x43: {  	_ =	shalt  }
0x44: {  	_ =	shalt  }
0x45: {  	_ =	shalt  }
0x46: {  	_ =	shalt  }
0x47: {  	_ =	shalt  }
0x48: {  	_ =	shalt  }
0x49: {  	_ =	shalt  }
0x4a: {  	_ =	shalt  }
0x4b: {  	_ =	shalt  }
0x4c: {  	_ =	shalt  }
0x4d: {  	_ =	shalt  }
0x4e: {  	_ =	shalt  }
0x4f: {  	_ =	shalt  }
0x50: {  	_ =	shalt  }
0x51: {  	_ =	shalt  }
0x52: {  	_ =	shalt  }
0x53: {  	_ =	shalt  }
0x54: {  	_ =	shalt  }
0x55: {  	_ =	shalt  }
0x56: {  	_ =	shalt  }
0x57: {  	_ =	shalt  }
0x58: {  	_ =	shalt  }
0x59: {  	_ =	shalt  }
0x5a: {  	_ =	shalt  }
0x5b: {  	_ =	shalt  }
0x5c: {  	_ =	shalt  }
0x5d: {  	_ =	shalt  }
0x5e: {  	_ =	shalt  }
0x5f: {  	_ =	shalt  }
0x60: {  	_ =	shalt  }
0x61: {  	_ =	shalt  }
0x62: {  	_ =	shalt  }
0x63: {  	_ =	shalt  }
0x64: {  	_ =	shalt  }
0x65: {  	_ =	shalt  }
0x66: {  	_ =	shalt  }
0x67: {  	_ =	shalt  }
0x68: {  	_ =	shalt  }
0x69: {  	_ =	shalt  }
0x6a: {  	_ =	shalt  }
0x6b: {  	_ =	shalt  }
0x6c: {  	_ =	shalt  }
0x6d: {  	_ =	shalt  }
0x6e: {  	_ =	shalt  }
0x6f: {  	_ =	shalt  }
0x70: {  	_ =	shalt  }
0x71: {  	_ =	shalt  }
0x72: {  	_ =	shalt  }
0x73: {  	_ =	shalt  }
0x74: {  	_ =	shalt  }
0x75: {  	_ =	shalt  }
0x76: {  	_ =	shalt  }
0x77: {  	_ =	shalt  }
0x78: {  	_ =	shalt  }
0x79: {  	_ =	shalt  }
0x7a: {  	_ =	shalt  }
0x7b: {  	_ =	shalt  }
0x7c: {  	_ =	shalt  }
0x7d: {  	_ =	shalt  }
0x7e: {  	_ =	shalt  }
0x7f: {  	_ =	shalt  }
0x80: {  	_ =	shalt  }
0x81: {  	_ =	shalt  }
0x82: {  	_ =	shalt  }
0x83: {  	_ =	shalt  }
0x84: {  	_ =	shalt  }
0x85: {  	_ =	shalt  }
0x86: {  	_ =	shalt  }
0x87: {  	_ =	shalt  }
.Lfunc_end0:
.L_simem_size_0:
called_computation.3_lowered:
.L_overlay_start_0:
0x88: {  	s2 =	sld [smem:$0x3FD9]  }
0x89: {  	s3 =	sld [smem:$0x3FFE];
	_ =	sdelay $0x1  }
0x8a: {  	s1 =	srdreg.scid  }
0x8b: {  	s0 =	sand.u32 $0x1, s1  }
0x8c: {  	s17 =	sshll.u32 s0, $0xA;
	s2 =	sadd.s32 s3, s2  }
0x8d: {  	s2 =	sadd.s32 s2, s17  }
0x8e: {  	[smem:$0x3FB8] =	sst s2  }
0x8f: {  	_ = 	snop  }
0x90: {  	s2 =	sld [smem:$0x3FD0];
	(tm) =	ssettm $0x1  }
0x91: {  	s18 =	sld [smem:$0x3FFB];
	_ =	sdelay $0x3  }
0x92: {  	_ =	strace s18  }
0x93: {  	s3 =	sld [smem:$0x3FFC];
	_ =	sdelay $0x3  }
0x94: {  	_ =	strace s3  }
0x95: {  	s3 =	sld [smem:$0x3FFD];
	_ =	sdelay $0x3  }
0x96: {  	_ =	strace s3  }
0x97: {  	_ =	strace $0x8FFFFFFF  }
0x98: {  	s19 =	sld [smem:$0x3FDB];
	_ =	sdelay $0x1  }
0x99: {  	s4 =	simm.s32 $_scs_section_size  }
0x9a: {  	s5 =	simm.s32 $_size__tile_overlayer_lowered;
	s6 =	simm.s32 $_tile_overlayer_lowered  }
0x9b: {  	s22 =	simm.s32 $0x1BFF;
	s21 =	sshll.u32 s6, $0x1;
	s3 =	sadd.s32 s4, s19  }
0x9c: {  	s7 =	simm.s32 $0x0;
	s20 =	sshll.u32 s5, $0x1;
	s5 =	sadd.s32 s21, s3  }
0x9d: {  	[timem:s7], [sflag:s22] =	dma.local [hbm:s5], s20  }
0x9e: {  	_ =	swait.ge [sflag:s22], s20  }
0x9f: {  	s4 =	ssub.s32 $0x0, s20;
	[sflag:s22] =	ssyncset.done $0x0  }
0xa0: {  	[sflag:s22] =	ssyncadd.s32 s4;
	_ =	sdelay $0x1  }
0xa1: {  	s23 =	simm.s32 $0x1B8B  }
0xa2: {  	_ =	swait.ge [sflag:s23], $0x1  }
0xa3: {  	[sflag:s23] =	ssyncset.done $0x0  }
0xa4: {  	s25 =	simm.s32 $0x1B8E;
	s24 =	sld [smem:$0x3FFE];
	[sflag:s23] =	ssyncadd.s32 $0xFFFFFFFF  }
0xa5: {  	s26 =	simm.s32 $execute0_lowered;
	[smem:$0x3FD2] =	sst s25  }
0xa6: {  	s5 =	sshll.u32 s26, $0x1;
	_ =	strace $0x8000004F;
	[dreg:$0x1] =	wrdreg $0xFFFFFFFF  }
0xa7: {  	s28 =	simm.s32 $_size_execute0_lowered;
	s3 =	sadd.s32 s3, s5;
	[dreg:$0x0] =	wrdreg $0x0  }
0xa8: {  	s5 =	sshll.u32 s28, $0x1;
	[dreg:$0x2] =	wrdreg s3  }
0xa9: {  	[dreg:$0x3] =	wrdreg s5  }
0xaa: {  	[dreg:$0x4] =	wrdreg $0xC0  }
0xab: {  	_ =	task [dreg:s7], $0x5FFFF  }
0xac: {  	[dreg:$0x1] =	wrdreg $0xFFFFFFFF  }
0xad: {  	[dreg:$0x0] =	wrdreg $0x60  }
0xae: {  	[dreg:$0x2] =	wrdreg s24  }
0xaf: {  	[dreg:$0x3] =	wrdreg s2  }
0xb0: {  	[dreg:$0x4] =	wrdreg $0x120000  }
0xb1: {  	[dreg:$0x5] =	wrdreg $0x9  }
0xb2: {  	_ =	task.clear_ibuf [dreg:s7], $0x6FFFF;
	_ =	strace $0x9000004F  }
0xb3: {  	s29 =	simm.s32 $0x9;
	_ =	strace $0x80000051  }
0xb4: {  	_ =	swait.ge [sflag:s29], $0x1  }
0xb5: {  	[sflag:s29] =	ssyncadd.s32 $0xFFFFFFFF  }
0xb6: {  	_ =	strace $0x90000051  }
0xb7: {  	_ =	sfence  }
0xb8: {  	s30 =	sld [smem:$0x0];
	_ =	sdelay $0x2  }
0xb9: {  	s31 =	sshll.u32 s1, $0xD;
	s1 =	sshrl.u32 s1, $0x2  }
0xba: {  	s3 =	sand.u32 $0x4000, s31;
	s1 =	sadd.s32 s1, s30  }
0xbb: {  	s0 =	sor.u32 s3, s0;
	s1 =	sshll.u32 s1, $0x11  }
0xbc: {  	s0 =	sor.u32 s1, s0  }
0xbd: {  	s0 =	sadd.s32 $0x8F2B, s0  }
0xbe: {  	[sflag:s0] =	ssyncadd.remote.s32 $0x1  }
0xbf: {  	_ =	sfence.sel $0xFFFF  }
0xc0: {  	[dreg:$0x0] =	wrdreg $0xFFFFFFFF;
	(pc) =	sbr.abs _section_cstart, $3  }
0xc1: {  	[dreg:$0x1] =	wrdreg $0xFFFFFFFF  }
0xc2: {  	_ =	task.clear_ibuf [dreg:s7], $0x2FFFF;
	_ =	strace $0x9FFFFFFF  }
0xc3: {  	(tm) =	ssettm $0x7FFFFFFF  }
tec
execute0_lowered:
.L_overlay_start_1:
0x0: {  	(tag) =	ssettag $0x1  }
0x1: {  	s5 =	rddreg [dreg:$0x0]  }
0x2: {  	s2 =	rddreg [dreg:$0x1]  }
0x3: {  	s0 =	stileid.u32;
	s1 =	srdreg.scid  }
0x4: {  	s3 =	rddreg [dreg:$0x2];
	s6 =	smul.u32 $0xA00, s0  }
0x5: {  	s4 =	simm.s32 $0x0;
	s14 =	simm.s32 $0x80;
	s8 =	smul.u32 $0x29000, s0  }
0x6: {  	s10 =	sand.u32 $0x1, s1;
	s1 =	rddreg [dreg:$0x3];
	s13 =	smul.u32 $0x28000, s0  }
0x7: {  	s15 =	simm.s32 $0x1;
	[smem:$0x7FF] =	sst s4;
	s19 =	smul.u32 $0x1400, s0  }
0x8: {  	s7 =	smul.u32 $0x14000, s10;
	_ =	strace $0x80000050;
	s28 =	ssub.s32 $0x2, s10  }
0x9: {  	s16 =	smul.u32 $0x1400, s10;
	s9 =	sadd.s32 s6, s5;
	s29 =	sshrl.u32 s28, $0x1  }
0xa: {  	s30 =	sshrl.u32 s8, $0x2;
	s31 =	sshrl.u32 s13, $0x2;
	s13 =	simm.s32 $0x5000  }
0xb: {  	s11 =	sadd.s32 s7, s5;
	s12 =	ssub.s32 s28, s29;
	s5 =	sadd.s32 s30, s3  }
0xc: {  	s8 =	sadd.s32 $0x5EC00, s9;
	s9 =	sadd.s32 $0x4C00, s9;
	s18 =	sadd.s32 s31, s3  }
0xd: {  	v0 =	vmov s16;
	s16 =	simm.s32 $0xE000;
	s6 =	sadd.s32 $0x4000, s5;
	s7 =	sadd.s32 $0x8000, s5  }
0xe: {  	s17 =	sadd.s32 $0x35E00, s11;
	s10 =	smax.u32 s12, $0x1;
	s11 =	simm.s32 $0xA000  }
0xf: {  	v1 =	vimm.f32 $0.0e+00;
	s12 =	simm.s32 $0x2;
	s18 =	sshrl.u32 s18, $0x3;
	s17 =	sadd.s32 s19, s17  }
.LBB2_1:
0x10: {  	s19 =	simm.s32 $0x0;
	s20 =	simm.s32 $0x200  }
.LBB2_2:
0x11: {  	p0 =	sne.s32 s20, $0xFE00;
	[tilespmem:s19+$0xA070] =	vst v1  }
0x12: {  	[tilespmem:s19+$0xA000] =	vst v1  }
0x13: {  	[tilespmem:s19+$0xA010] =	vst v1  }
.Ltmp0:
0x14: {  	[tilespmem:s19+$0xA020] =	vst v1;
	(pc) =	sbr.rel @p0 .LBB2_2-.Ltmp0, $4  }
0x15: {  	[tilespmem:s19+$0xA030] =	vst v1  }
0x16: {  	[tilespmem:s19+$0xA040] =	vst v1  }
0x17: {  	[tilespmem:s19+$0xA050] =	vst v1  }
0x18: {  	[tilespmem:s19+$0xA060] =	vst v1;
	s19 =	sshra.s32 s20, $0x2;
	s20 =	sadd.s32 $0x200, s20  }
0x19: {  	[tilespmem:s19+$0xA070] =	vst v1  }
0x1a: {  	[tilespmem:s19+$0xA000] =	vst v1  }
0x1b: {  	[tilespmem:s19+$0xA010] =	vst v1  }
0x1c: {  	[tilespmem:s19+$0xA020] =	vst v1  }
0x1d: {  	[tilespmem:s19+$0xA030] =	vst v1  }
0x1e: {  	[tilespmem:s19+$0xA040] =	vst v1  }
0x1f: {  	[tilespmem:s19+$0xA050] =	vst v1  }
0x20: {  	[tilespmem:s19+$0xA060] =	vst v1  }
0x21: {  	[spmem:s5] =	stream.linear.scatter [tilespmem:s11], [sflag:$0x2], $0x4000, $0x38;
	[tilespmem:$0x1C400] =	vst v63  }
0x22: {  	_ =	swait.ge [sflag:s12], $0x4000  }
0x23: {  	[sflag:s12] =	ssyncset.done $0x0  }
0x24: {  	[sflag:s12] =	ssyncadd.s32 $0xFFFFC000  }
0x25: {  	[spmem:s6] =	stream.linear.scatter [tilespmem:s11], [sflag:$0x2], $0x4000, $0x38;
	[tilespmem:$0x1C400] =	vst v63  }
0x26: {  	_ =	swait.ge [sflag:s12], $0x4000  }
0x27: {  	[sflag:s12] =	ssyncset.done $0x0  }
0x28: {  	[sflag:s12] =	ssyncadd.s32 $0xFFFFC000  }
0x29: {  	[spmem:s7] =	stream.linear.scatter [tilespmem:s11], [sflag:$0x2], $0x2400, $0x38;
	[tilespmem:$0x1C400] =	vst v63  }
0x2a: {  	_ =	swait.ge [sflag:s12], $0x2400  }
0x2b: {  	[sflag:s12] =	ssyncset.done $0x0  }
0x2c: {  	s31 =	simm.s32 $0x0;
	[sflag:s12] =	ssyncadd.s32 $0xFFFFDC00  }
0x2d: {  	[tilespmem:s31], [sflag:$0x2] =	stream.linear.gather [hbm4b:s8+s31], $0x5000, $0x38;
	[tilespmem:$0x1C400] =	vst v63  }
0x2e: {  	_ =	swait.ge [sflag:s12], $0x5000  }
0x2f: {  	[sflag:s12] =	ssyncset.done $0x0  }
0x30: {  	[sflag:s12] =	ssyncadd.s32 $0xFFFFB000  }
0x31: {  	[tilespmem:s13], [sflag:$0x2] =	stream.linear.gather [hbm4b:s9+s31], $0x5000, $0x38;
	[tilespmem:$0x1C400] =	vst v63  }
0x32: {  	_ =	swait.ge [sflag:s12], $0x5000  }
0x33: {  	[sflag:s12] =	ssyncset.done $0x0  }
0x34: {  	s19 =	simm.s32 $0x0;
	[sflag:s12] =	ssyncadd.s32 $0xFFFFB000  }
0x35: {  	v2 =	vld [tilespmem:s19+$0x5000]  }
0x36: {  	v7 =	vld [tilespmem:s19+$0x5010]  }
0x37: {  	v6 =	vld [tilespmem:s19+$0x5020]  }
0x38: {  	v5 =	vld [tilespmem:s19+$0x5030]  }
0x39: {  	v4 =	vld [tilespmem:s19+$0x5040]  }
0x3a: {  	v3 =	vld [tilespmem:s19+$0x5050];
	v8 =	vsub.s32 v2, v0  }
0x3b: {  	s20 =	simm.s32 $0x200;
	v7 =	vsub.s32 v7, v0;
	v2 =	vld [tilespmem:s19+$0x5060];
	vm0 =	vlt.u32 v8, $0x1400  }
.LBB2_4:
0x3c: {  	p0 =	sne.s32 s20, $0x13E00;
	v8 =	vnsel vm0, $0x1440, v8;
	vm0 =	vlt.u32 v7, $0x1400;
	v6 =	vsub.s32 v6, v0;
	v9 =	vld [tilespmem:s19+$0x5070]  }
0x3d: {  	s21 =	sshra.s32 s20, $0x2;
	[tilespmem:s19+$0x5000] =	vst v8;
	v7 =	vnsel vm0, $0x1440, v7;
	vm0 =	vlt.u32 v6, $0x1400;
	v5 =	vsub.s32 v5, v0  }
0x3e: {  	v8 =	vld [tilespmem:s21+$0x5000];
	[tilespmem:s19+$0x5010] =	vst v7;
	v6 =	vnsel vm0, $0x1440, v6;
	vm0 =	vlt.u32 v5, $0x1400;
	v4 =	vsub.s32 v4, v0  }
0x3f: {  	v7 =	vld [tilespmem:s21+$0x5010];
	[tilespmem:s19+$0x5020] =	vst v6;
	v5 =	vnsel vm0, $0x1440, v5;
	vm0 =	vlt.u32 v4, $0x1400;
	v3 =	vsub.s32 v3, v0  }
.Ltmp1:
0x40: {  	v6 =	vld [tilespmem:s21+$0x5020];
	[tilespmem:s19+$0x5030] =	vst v5;
	v4 =	vnsel vm0, $0x1440, v4;
	vm0 =	vlt.u32 v3, $0x1400;
	v2 =	vsub.s32 v2, v0;
	(pc) =	sbr.rel @p0 .LBB2_4-.Ltmp1, $4  }
0x41: {  	v5 =	vld [tilespmem:s21+$0x5030];
	[tilespmem:s19+$0x5040] =	vst v4;
	v3 =	vnsel vm0, $0x1440, v3;
	vm0 =	vlt.u32 v2, $0x1400;
	v9 =	vsub.s32 v9, v0  }
0x42: {  	v4 =	vld [tilespmem:s21+$0x5040];
	[tilespmem:s19+$0x5050] =	vst v3;
	v2 =	vnsel vm0, $0x1440, v2;
	vm0 =	vlt.u32 v9, $0x1400  }
0x43: {  	v8 =	vsub.s32 v8, v0;
	v3 =	vld [tilespmem:s21+$0x5050];
	[tilespmem:s19+$0x5060] =	vst v2;
	v9 =	vnsel vm0, $0x1440, v9  }
0x44: {  	s20 =	sadd.s32 $0x200, s20;
	vm0 =	vlt.u32 v8, $0x1400;
	v7 =	vsub.s32 v7, v0;
	v2 =	vld [tilespmem:s21+$0x5060];
	[tilespmem:s19+$0x5070] =	vst v9;
	s19 =	smov.u32 s21  }
0x45: {  	v8 =	vnsel vm0, $0x1440, v8;
	vm9 =	vlt.u32 v7, $0x1400;
	v6 =	vsub.s32 v6, v0;
	v9 =	vld [tilespmem:s19+$0x5070]  }
0x46: {  	[tilespmem:s19+$0x5000] =	vst v8;
	v7 =	vnsel vm9, $0x1440, v7;
	vm10 =	vlt.u32 v6, $0x1400;
	v5 =	vsub.s32 v5, v0  }
0x47: {  	[tilespmem:s19+$0x5010] =	vst v7;
	v6 =	vnsel vm10, $0x1440, v6;
	vm11 =	vlt.u32 v5, $0x1400;
	v4 =	vsub.s32 v4, v0  }
0x48: {  	[tilespmem:s19+$0x5020] =	vst v6;
	v5 =	vnsel vm11, $0x1440, v5;
	vm12 =	vlt.u32 v4, $0x1400;
	v3 =	vsub.s32 v3, v0  }
0x49: {  	[tilespmem:s19+$0x5030] =	vst v5;
	v4 =	vnsel vm12, $0x1440, v4;
	vm13 =	vlt.u32 v3, $0x1400;
	v2 =	vsub.s32 v2, v0  }
0x4a: {  	[tilespmem:s19+$0x5040] =	vst v4;
	v3 =	vnsel vm13, $0x1440, v3;
	vm14 =	vlt.u32 v2, $0x1400;
	v63 =	vsub.s32 v9, v0  }
0x4b: {  	[tilespmem:s19+$0x5050] =	vst v3;
	v2 =	vnsel vm14, $0x1440, v2;
	vm15 =	vlt.u32 v63, $0x1400  }
0x4c: {  	[tilespmem:s19+$0x5060] =	vst v2;
	v2 =	vnsel vm15, $0x1440, v63  }
0x4d: {  	[tilespmem:s19+$0x5070] =	vst v2  }
0x4e: {  	s28 =	simm.s32 $0x0;
	[bflag:$0x0] =	sbarrier.arrive $0xFFFF  }
0x4f: {  	[tilespmem:s11], [sflag:$0x1] =	stream.indirect.gather [hbm4b:s2+s14], $0x80, s28, s14, $0xb8;
	[tilespmem:$0x1C400] =	vst v63  }
0x50: {  	_ =	swait.ge [sflag:s15], $0x4000  }
0x51: {  	[sflag:s15] =	ssyncset.done $0x0  }
0x52: {  	s29 =	simm.s32 $0x5000;
	[sflag:s15] =	ssyncadd.s32 $0xFFFFC000  }
0x53: {  	[spmem:s3] =	stream.indirect.scatter.add.f32 [tilespmem:s11], [sflag:$0x2], $0x80, s29, s14, $0xb8;
	[tilespmem:$0x1C400] =	vst v63  }
0x54: {  	_ =	swait.ge [sflag:s12], $0x4000  }
0x55: {  	[sflag:s12] =	ssyncset.done $0x0  }
0x56: {  	s30 =	simm.s32 $0x80;
	[sflag:s12] =	ssyncadd.s32 $0xFFFFC000  }
0x57: {  	[tilespmem:s16], [sflag:$0x1] =	stream.indirect.gather [hbm4b:s2+s14], $0x80, s30, s14, $0xb8;
	[tilespmem:$0x1C400] =	vst v63  }
0x58: {  	_ =	swait.ge [sflag:s15], $0x4000  }
0x59: {  	[sflag:s15] =	ssyncset.done $0x0  }
0x5a: {  	s31 =	simm.s32 $0x5080;
	[sflag:s15] =	ssyncadd.s32 $0xFFFFC000  }
0x5b: {  	[spmem:s3] =	stream.indirect.scatter.add.f32 [tilespmem:s16], [sflag:$0x2], $0x80, s31, s14, $0xb8;
	[tilespmem:$0x1C400] =	vst v63  }
0x5c: {  	_ =	swait.ge [sflag:s12], $0x4000  }
0x5d: {  	s20 =	simm.s32 $0x800;
	s19 =	simm.s32 $0x400;
	[sflag:s12] =	ssyncset.done $0x0  }
.LBB2_6:
0x5e: {  	s21 =	sshra.s32 s19, $0x2  }
0x5f: {  	[sflag:s12] =	ssyncadd.s32 $0xFFFFC000;
	s19 =	smov.u32 s20;
	s22 =	sadd.s32 $0x400, s20  }
0x60: {  	[tilespmem:s11], [sflag:$0x1] =	stream.indirect.gather [hbm4b:s2+s14], $0x80, s21, s14, $0xb8;
	[tilespmem:$0x1C400] =	vst v63  }
0x61: {  	p0 =	sne.s32 s20, $0x13C00;
	_ =	swait.ge [sflag:s15], $0x4000  }
0x62: {  	[sflag:s15] =	ssyncset.done $0x0  }
0x63: {  	s20 =	sadd.s32 $0x5000, s21;
	[sflag:s15] =	ssyncadd.s32 $0xFFFFC000  }
0x64: {  	[spmem:s3] =	stream.indirect.scatter.add.f32 [tilespmem:s11], [sflag:$0x2], $0x80, s20, s14, $0xb8;
	[tilespmem:$0x1C400] =	vst v63  }
0x65: {  	_ =	swait.ge [sflag:s12], $0x4000  }
0x66: {  	[sflag:s12] =	ssyncset.done $0x0  }
0x67: {  	s20 =	sadd.s32 $0x80, s21;
	[sflag:s12] =	ssyncadd.s32 $0xFFFFC000  }
0x68: {  	[tilespmem:s16], [sflag:$0x1] =	stream.indirect.gather [hbm4b:s2+s14], $0x80, s20, s14, $0xb8;
	[tilespmem:$0x1C400] =	vst v63  }
0x69: {  	_ =	swait.ge [sflag:s15], $0x4000  }
.Ltmp2:
0x6a: {  	[sflag:s15] =	ssyncset.done $0x0;
	(pc) =	sbr.rel @p0 .LBB2_6-.Ltmp2, $4  }
0x6b: {  	s20 =	sadd.s32 $0x5080, s21;
	[sflag:s15] =	ssyncadd.s32 $0xFFFFC000  }
0x6c: {  	[spmem:s3] =	stream.indirect.scatter.add.f32 [tilespmem:s16], [sflag:$0x2], $0x80, s20, s14, $0xb8;
	[tilespmem:$0x1C400] =	vst v63  }
0x6d: {  	_ =	swait.ge [sflag:s12], $0x4000  }
0x6e: {  	s20 =	smov.u32 s22;
	[sflag:s12] =	ssyncset.done $0x0  }
0x6f: {  	s19 =	sshra.s32 s19, $0x2;
	[sflag:s12] =	ssyncadd.s32 $0xFFFFC000  }
0x70: {  	[tilespmem:s11], [sflag:$0x1] =	stream.indirect.gather [hbm4b:s2+s14], $0x80, s19, s14, $0xb8;
	[tilespmem:$0x1C400] =	vst v63  }
0x71: {  	_ =	swait.ge [sflag:s15], $0x4000  }
0x72: {  	[sflag:s15] =	ssyncset.done $0x0  }
0x73: {  	s20 =	sadd.s32 $0x5000, s19;
	[sflag:s15] =	ssyncadd.s32 $0xFFFFC000  }
0x74: {  	[spmem:s3] =	stream.indirect.scatter.add.f32 [tilespmem:s11], [sflag:$0x2], $0x80, s20, s14, $0xb8;
	[tilespmem:$0x1C400] =	vst v63  }
0x75: {  	_ =	swait.ge [sflag:s12], $0x4000  }
0x76: {  	[sflag:s12] =	ssyncset.done $0x0  }
0x77: {  	s30 =	sadd.s32 $0x80, s19;
	[sflag:s12] =	ssyncadd.s32 $0xFFFFC000  }
0x78: {  	[tilespmem:s16], [sflag:$0x1] =	stream.indirect.gather [hbm4b:s2+s14], $0x80, s30, s14, $0xb8;
	[tilespmem:$0x1C400] =	vst v63  }
0x79: {  	_ =	swait.ge [sflag:s15], $0x4000  }
0x7a: {  	[sflag:s15] =	ssyncset.done $0x0  }
0x7b: {  	s19 =	sadd.s32 $0x5080, s19;
	[sflag:s15] =	ssyncadd.s32 $0xFFFFC000  }
0x7c: {  	[spmem:s3] =	stream.indirect.scatter.add.f32 [tilespmem:s16], [sflag:$0x2], $0x80, s19, s14, $0xb8;
	[tilespmem:$0x1C400] =	vst v63  }
0x7d: {  	_ =	swait.ge [sflag:s12], $0x4000  }
0x7e: {  	s4 =	sadd.s32 $0x1, s4;
	[sflag:s12] =	ssyncset.done $0x0  }
0x7f: {  	s31 =	sshll.u32 s0, $0x6;
	p0 =	sne.s32 s4, s10;
	[sflag:s12] =	ssyncadd.s32 $0xFFFFC000  }
.Ltmp3:
0x80: {  	s19 =	sor.u32 $0x1C02, s31;
	[bflag:$0x0] =	sbarrier.arrive $0xFFFF;
	(pc) =	sbr.rel @p0 .LBB2_1-.Ltmp3, $4  }
0x81: {  	[hbm:s17], [sflag:s19] =	dma.local [spmem:s18], $0x1400  }
0x82: {  	_ =	swait.ge [sflag:s12], $0x1400  }
0x83: {  	[sflag:s12] =	ssyncset.done $0x0  }
0x84: {  	[sflag:s12] =	ssyncadd.s32 $0xFFFFEC00  }
0x85: {  	_ =	sfence.sel $0x180000  }
0x86: {  	[bflag:$0x0] =	sbarrier.arrive $0xFFFF  }
0x87: {  	p0 =	sne.s32 s0, $0x0;
	_ =	strace $0x90000050  }
0x88: {  	s0 =	sadd.s32 @!p0 $0x100000, s1;
	[bflag:$0x2] =	sbarrier.arrive $0xFFFF  }
0x89: {  	[sflag:s0] =	ssyncadd.tile.s32 @!p0 $0x1;
	_ =	shalt  }
.Lfunc_end2:
_tile_overlayer_lowered:
.L_overlay_start_2:
0x8a: {  	(tag) =	ssettag $0x2  }
0x8b: {  	s0 =	rddreg [dreg:$0x0];
	s2 =	stileid.u32  }
0x8c: {  	s1 =	rddreg [dreg:$0x1];
	p0 =	sne.s32 s2, $0x0  }
0x8d: {  	s3 =	rddreg [dreg:$0x2];
	[bflag:$0x3] =	sbarrier.arrive $0xFFFF;
	s2 =	simm.s32 @!p0 $0x1C02  }
0x8e: {  	[timem:s3], [sflag:s2] =	dma.local @!p0 [hbm:s0], s1  }
0x8f: {  	s0 =	simm.s32 @!p0 $0x2  }
0x90: {  	_ =	swait.ge @!p0 [sflag:s0], s1  }
0x91: {  	s1 =	ssub.s32 @!p0 $0x0, s1;
	[sflag:s0] =	ssyncset.done @!p0 $0x0  }
0x92: {  	[sflag:s0] =	ssyncadd.s32 @!p0 s1  }
0x93: {  	[bflag:$0x3] =	sbarrier.arrive $0xFFFF  }
0x94: {  	_ =	shalt  }

</sc_bundles>
